<compile_context>
chip_gen: v7x
topology: tpu7x:2x2x1
jax: 0.10.2.dev20260603
libtpu: 0.0.44.dev20260713+nightly
codegen_flags: <defaults>
</compile_context>

<pallas_src>
import jax
import jax.numpy as jnp
from jax import lax
from jax.experimental import pallas as pl
from jax.experimental.pallas import tpu as pltpu
from jax.experimental.pallas import tpu_sc as plsc

B = 4096
H = 50
D = 32
L = 16
NC = 2
NS = 16
NW = NC * NS
BPW = B // NW
G = 2
RPW = BPW // G
NBUF = 16
INV_H = 1.0 / H


def _body(ids_hbm, table_hbm, out_hbm, idx_v, bufs, out_v, sems):
    wid = lax.axis_index("s") * NC + lax.axis_index("c")
    base = wid * RPW

    pltpu.sync_copy(ids_hbm.at[pl.ds(base, RPW)], idx_v)

    def start(c, b):
        pltpu.async_copy(table_hbm.at[idx_v.at[c]], bufs[b], sems[b])

    def wait(c, b):
        pltpu.make_async_copy(table_hbm.at[idx_v.at[c]], bufs[b], sems[b]).wait()

    def reduce_row(c, b):
        buf = bufs[b]
        for h in range(G):
            base_r = h * H

            def add_rows(t, carry):
                a0, a1, b0, b1 = carry
                r = base_r + 2 * t
                return (a0 + buf[r, pl.ds(0, L)],
                        a1 + buf[r, pl.ds(L, L)],
                        b0 + buf[r + 1, pl.ds(0, L)],
                        b1 + buf[r + 1, pl.ds(L, L)])

            z = jnp.zeros((L,), jnp.float32)
            out_v[G * c + h, pl.ds(0, L)] = z + buf[base_r, pl.ds(0, L)]
            out_v[G * c + h, pl.ds(L, L)] = z + buf[base_r, pl.ds(L, L)]

    for b in range(NBUF):
        start(b, b)

    def ring(i, _):
        c0 = NBUF * i
        for b in range(NBUF):
            wait(c0 + b, b)
            reduce_row(c0 + b, b)
            start(c0 + b + NBUF, b)
        return 0

    lax.fori_loop(0, RPW // NBUF - 1, ring, 0)

    for b in range(NBUF):
        c = RPW - NBUF + b
        wait(c, b)
        reduce_row(c, b)

    pltpu.sync_copy(out_v, out_hbm.at[pl.ds(wid * BPW, BPW)])


def kernel(input_ids, pretrained_embeddings):
    ids2 = input_ids.reshape(B // G, G * H)
    mesh = plsc.VectorSubcoreMesh(
        core_axis_name="c", subcore_axis_name="s",
        num_cores=NC, num_subcores=NS,
    )
    run = pl.kernel(
        _body,
        out_type=jax.ShapeDtypeStruct((B, D), jnp.float32),
        mesh=mesh,
        compiler_params=pltpu.CompilerParams(use_tc_tiling_on_sc=False),
        scratch_types=[
            pltpu.VMEM((RPW, G * H), jnp.int32),
            [pltpu.VMEM((G * H, D), jnp.float32) for _ in range(NBUF)],
            pltpu.VMEM((BPW, D), jnp.float32),
            [pltpu.SemaphoreType.DMA for _ in range(NBUF)],
        ],
    )
    return run(ids2, pretrained_embeddings)

# --- scband reference (transcript-rebuilt; emitter-appended) ---
"""Pipeline reference for scband-baseline-encoder-44470091383426 (READ-ONLY COPY).

The authoritative reference and input builder live on the scoring server;
editing this copy changes nothing except your own understanding.
"""

import jax, jax.numpy as jnp
import numpy as np

VOCAB = 1000000
EMBED_DIM = 32
BATCH = 4096
HIST = 50


def setup_inputs(seed: int = 0) -> dict:
    key = jax.random.key(seed)
    k_idx, k_tab = jax.random.split(key)
    input_ids = jax.random.randint(k_idx, (BATCH, HIST), 0, VOCAB, dtype=jnp.int64 if jax.config.jax_enable_x64 else jnp.int32)
    pretrained_embeddings = jax.random.normal(k_tab, (VOCAB, EMBED_DIM), dtype=jnp.float32)
    return {"input_ids": input_ids, "pretrained_embeddings": pretrained_embeddings}


def reference(input_ids, pretrained_embeddings):
    # embedding lookup: gather rows of the table
    emb = jnp.take(pretrained_embeddings, input_ids, axis=0)  # [B, L, D]
    # mean over sequence dim (dim=1)
    return jnp.mean(emb, axis=1)  # [B, D]

if __name__ == "__main__":
    import jax
    _d = setup_inputs()
    print(jax.jit(kernel)(*tuple(_d.values())))

</pallas_src>

<mosaic_0001>
#map = affine_map<(d0, d1) -> (0, 0)>
module attributes {stable_mosaic.version = 14 : i64} {
  func.func @_body(%arg0: i32, %arg1: i32, %arg2: memref<2048x100xi32, #tpu.memory_space<hbm>>, %arg3: memref<1000000x32xf32, #tpu.memory_space<hbm>>, %arg4: memref<4096x32xf32, #tpu.memory_space<hbm>>, %arg5: memref<64x100xi32, #tpu.memory_space<vmem>>, %arg6: memref<100x32xf32, #tpu.memory_space<vmem>>, %arg7: memref<100x32xf32, #tpu.memory_space<vmem>>, %arg8: memref<100x32xf32, #tpu.memory_space<vmem>>, %arg9: memref<100x32xf32, #tpu.memory_space<vmem>>, %arg10: memref<100x32xf32, #tpu.memory_space<vmem>>, %arg11: memref<100x32xf32, #tpu.memory_space<vmem>>, %arg12: memref<100x32xf32, #tpu.memory_space<vmem>>, %arg13: memref<100x32xf32, #tpu.memory_space<vmem>>, %arg14: memref<100x32xf32, #tpu.memory_space<vmem>>, %arg15: memref<100x32xf32, #tpu.memory_space<vmem>>, %arg16: memref<100x32xf32, #tpu.memory_space<vmem>>, %arg17: memref<100x32xf32, #tpu.memory_space<vmem>>, %arg18: memref<100x32xf32, #tpu.memory_space<vmem>>, %arg19: memref<100x32xf32, #tpu.memory_space<vmem>>, %arg20: memref<100x32xf32, #tpu.memory_space<vmem>>, %arg21: memref<100x32xf32, #tpu.memory_space<vmem>>, %arg22: memref<128x32xf32, #tpu.memory_space<vmem>>, %arg23: memref<!tpu.dma_semaphore, #tpu.memory_space<semaphore_mem>>, %arg24: memref<!tpu.dma_semaphore, #tpu.memory_space<semaphore_mem>>, %arg25: memref<!tpu.dma_semaphore, #tpu.memory_space<semaphore_mem>>, %arg26: memref<!tpu.dma_semaphore, #tpu.memory_space<semaphore_mem>>, %arg27: memref<!tpu.dma_semaphore, #tpu.memory_space<semaphore_mem>>, %arg28: memref<!tpu.dma_semaphore, #tpu.memory_space<semaphore_mem>>, %arg29: memref<!tpu.dma_semaphore, #tpu.memory_space<semaphore_mem>>, %arg30: memref<!tpu.dma_semaphore, #tpu.memory_space<semaphore_mem>>, %arg31: memref<!tpu.dma_semaphore, #tpu.memory_space<semaphore_mem>>, %arg32: memref<!tpu.dma_semaphore, #tpu.memory_space<semaphore_mem>>, %arg33: memref<!tpu.dma_semaphore, #tpu.memory_space<semaphore_mem>>, %arg34: memref<!tpu.dma_semaphore, #tpu.memory_space<semaphore_mem>>, %arg35: memref<!tpu.dma_semaphore, #tpu.memory_space<semaphore_mem>>, %arg36: memref<!tpu.dma_semaphore, #tpu.memory_space<semaphore_mem>>, %arg37: memref<!tpu.dma_semaphore, #tpu.memory_space<semaphore_mem>>, %arg38: memref<!tpu.dma_semaphore, #tpu.memory_space<semaphore_mem>>) attributes {dimension_semantics = [#tpu.dimension_semantics<core_parallel>, #tpu.dimension_semantics<subcore_parallel>], iteration_bounds = array<i64: 2, 16>, scalar_prefetch = 0 : i64, scratch_operands = 34 : i64, tpu.core_type = #tpu.core_type<sc_vector_subcore>, window_params = [{transform_indices = #map}, {transform_indices = #map}, {transform_indices = #map}]} {
    %mul3A = arith.constant 2 : i32
    %mul3A_0 = arith.muli %arg1, %mul3A : i32
    %add3A = arith.addi %mul3A_0, %arg0 : i32
    %mul3A_1 = arith.constant 64 : i32
    %mul3A_2 = arith.muli %add3A, %mul3A_1 : i32
    "tpu.region"() ({
      %run_scoped3A = tpu.sem_alloc : memref<!tpu.dma_semaphore, #tpu.memory_space<semaphore_mem>>
      %dma_start3A_1062 = arith.constant 0 : i32
      %dma_start3A_1063 = tpu.memref_slice %arg2[%mul3A_2, %dma_start3A_1062] : memref<2048x100xi32, #tpu.memory_space<hbm>> -> memref<64x100xi32, #tpu.memory_space<hbm>>
      %dma_start3A_1064 = arith.constant 0 : i32
      %dma_start3A_1065 = tpu.memref_slice %arg2[%mul3A_2, %dma_start3A_1064] : memref<2048x100xi32, #tpu.memory_space<hbm>> -> memref<64x100xi32, #tpu.memory_space<hbm>>
      tpu.enqueue_dma source(%dma_start3A_1065 : memref<64x100xi32, #tpu.memory_space<hbm>>) target(%arg5 : memref<64x100xi32, #tpu.memory_space<vmem>>) target_semaphore(%run_scoped3A : memref<!tpu.dma_semaphore, #tpu.memory_space<semaphore_mem>>)
      %dma_wait3A_1066 = arith.constant 0 : i32
      %dma_wait3A_1067 = tpu.memref_slice %arg2[%mul3A_2, %dma_wait3A_1066] : memref<2048x100xi32, #tpu.memory_space<hbm>> -> memref<64x100xi32, #tpu.memory_space<hbm>>
      %dma_wait3A_1068 = arith.constant 0 : i32
      %dma_wait3A_1069 = tpu.memref_slice %arg2[%mul3A_2, %dma_wait3A_1068] : memref<2048x100xi32, #tpu.memory_space<hbm>> -> memref<64x100xi32, #tpu.memory_space<hbm>>
      tpu.wait_dma2 semaphore(%run_scoped3A : memref<!tpu.dma_semaphore, #tpu.memory_space<semaphore_mem>>) src(%dma_wait3A_1069 : memref<64x100xi32, #tpu.memory_space<hbm>>) dst(%arg5 : memref<64x100xi32, #tpu.memory_space<vmem>>)
      tpu.yield
    }) : () -> ()
    %dma_start3A = arith.constant 0 : i32
    %dma_start3A_3 = arith.constant 0 : i32
    %dma_start3A_4 = tpu.memref_slice %arg5[%dma_start3A, %dma_start3A_3] : memref<64x100xi32, #tpu.memory_space<vmem>> -> memref<1x100xi32, #tpu.memory_space<vmem>>
    %dma_start3A_5 = tpu.memref_squeeze %dma_start3A_4 : memref<1x100xi32, #tpu.memory_space<vmem>> -> memref<100xi32, #tpu.memory_space<vmem>>
    %dma_start3A_6 = arith.constant 0 : i32
    %dma_start3A_7 = arith.constant 0 : i32
    %dma_start3A_8 = tpu.memref_slice %arg3[%dma_start3A_6, %dma_start3A_7] : memref<1000000x32xf32, #tpu.memory_space<hbm>> -> memref<1000000x32xf32, #tpu.memory_space<hbm>>
    tpu.enqueue_indirect_dma source(%dma_start3A_8 : memref<1000000x32xf32, #tpu.memory_space<hbm>>) target(%arg6 : memref<100x32xf32, #tpu.memory_space<vmem>>) offsets(%dma_start3A_5 : memref<100xi32, #tpu.memory_space<vmem>>) semaphore(%arg23 : memref<!tpu.dma_semaphore, #tpu.memory_space<semaphore_mem>>)
    %dma_start3A_9 = arith.constant 1 : i32
    %dma_start3A_10 = arith.constant 0 : i32
    %dma_start3A_11 = tpu.memref_slice %arg5[%dma_start3A_9, %dma_start3A_10] : memref<64x100xi32, #tpu.memory_space<vmem>> -> memref<1x100xi32, #tpu.memory_space<vmem>>
    %dma_start3A_12 = tpu.memref_squeeze %dma_start3A_11 : memref<1x100xi32, #tpu.memory_space<vmem>> -> memref<100xi32, #tpu.memory_space<vmem>>
    %dma_start3A_13 = arith.constant 0 : i32
    %dma_start3A_14 = arith.constant 0 : i32
    %dma_start3A_15 = tpu.memref_slice %arg3[%dma_start3A_13, %dma_start3A_14] : memref<1000000x32xf32, #tpu.memory_space<hbm>> -> memref<1000000x32xf32, #tpu.memory_space<hbm>>
    tpu.enqueue_indirect_dma source(%dma_start3A_15 : memref<1000000x32xf32, #tpu.memory_space<hbm>>) target(%arg7 : memref<100x32xf32, #tpu.memory_space<vmem>>) offsets(%dma_start3A_12 : memref<100xi32, #tpu.memory_space<vmem>>) semaphore(%arg24 : memref<!tpu.dma_semaphore, #tpu.memory_space<semaphore_mem>>)
    %dma_start3A_16 = arith.constant 2 : i32
    %dma_start3A_17 = arith.constant 0 : i32
    %dma_start3A_18 = tpu.memref_slice %arg5[%dma_start3A_16, %dma_start3A_17] : memref<64x100xi32, #tpu.memory_space<vmem>> -> memref<1x100xi32, #tpu.memory_space<vmem>>
    %dma_start3A_19 = tpu.memref_squeeze %dma_start3A_18 : memref<1x100xi32, #tpu.memory_space<vmem>> -> memref<100xi32, #tpu.memory_space<vmem>>
    %dma_start3A_20 = arith.constant 0 : i32
    %dma_start3A_21 = arith.constant 0 : i32
    %dma_start3A_22 = tpu.memref_slice %arg3[%dma_start3A_20, %dma_start3A_21] : memref<1000000x32xf32, #tpu.memory_space<hbm>> -> memref<1000000x32xf32, #tpu.memory_space<hbm>>
    tpu.enqueue_indirect_dma source(%dma_start3A_22 : memref<1000000x32xf32, #tpu.memory_space<hbm>>) target(%arg8 : memref<100x32xf32, #tpu.memory_space<vmem>>) offsets(%dma_start3A_19 : memref<100xi32, #tpu.memory_space<vmem>>) semaphore(%arg25 : memref<!tpu.dma_semaphore, #tpu.memory_space<semaphore_mem>>)
    %dma_start3A_23 = arith.constant 3 : i32
    %dma_start3A_24 = arith.constant 0 : i32
    %dma_start3A_25 = tpu.memref_slice %arg5[%dma_start3A_23, %dma_start3A_24] : memref<64x100xi32, #tpu.memory_space<vmem>> -> memref<1x100xi32, #tpu.memory_space<vmem>>
    %dma_start3A_26 = tpu.memref_squeeze %dma_start3A_25 : memref<1x100xi32, #tpu.memory_space<vmem>> -> memref<100xi32, #tpu.memory_space<vmem>>
    %dma_start3A_27 = arith.constant 0 : i32
    %dma_start3A_28 = arith.constant 0 : i32
    %dma_start3A_29 = tpu.memref_slice %arg3[%dma_start3A_27, %dma_start3A_28] : memref<1000000x32xf32, #tpu.memory_space<hbm>> -> memref<1000000x32xf32, #tpu.memory_space<hbm>>
    tpu.enqueue_indirect_dma source(%dma_start3A_29 : memref<1000000x32xf32, #tpu.memory_space<hbm>>) target(%arg9 : memref<100x32xf32, #tpu.memory_space<vmem>>) offsets(%dma_start3A_26 : memref<100xi32, #tpu.memory_space<vmem>>) semaphore(%arg26 : memref<!tpu.dma_semaphore, #tpu.memory_space<semaphore_mem>>)
    %dma_start3A_30 = arith.constant 4 : i32
    %dma_start3A_31 = arith.constant 0 : i32
    %dma_start3A_32 = tpu.memref_slice %arg5[%dma_start3A_30, %dma_start3A_31] : memref<64x100xi32, #tpu.memory_space<vmem>> -> memref<1x100xi32, #tpu.memory_space<vmem>>
    %dma_start3A_33 = tpu.memref_squeeze %dma_start3A_32 : memref<1x100xi32, #tpu.memory_space<vmem>> -> memref<100xi32, #tpu.memory_space<vmem>>
    %dma_start3A_34 = arith.constant 0 : i32
    %dma_start3A_35 = arith.constant 0 : i32
    %dma_start3A_36 = tpu.memref_slice %arg3[%dma_start3A_34, %dma_start3A_35] : memref<1000000x32xf32, #tpu.memory_space<hbm>> -> memref<1000000x32xf32, #tpu.memory_space<hbm>>
    tpu.enqueue_indirect_dma source(%dma_start3A_36 : memref<1000000x32xf32, #tpu.memory_space<hbm>>) target(%arg10 : memref<100x32xf32, #tpu.memory_space<vmem>>) offsets(%dma_start3A_33 : memref<100xi32, #tpu.memory_space<vmem>>) semaphore(%arg27 : memref<!tpu.dma_semaphore, #tpu.memory_space<semaphore_mem>>)
    %dma_start3A_37 = arith.constant 5 : i32
    %dma_start3A_38 = arith.constant 0 : i32
    %dma_start3A_39 = tpu.memref_slice %arg5[%dma_start3A_37, %dma_start3A_38] : memref<64x100xi32, #tpu.memory_space<vmem>> -> memref<1x100xi32, #tpu.memory_space<vmem>>
    %dma_start3A_40 = tpu.memref_squeeze %dma_start3A_39 : memref<1x100xi32, #tpu.memory_space<vmem>> -> memref<100xi32, #tpu.memory_space<vmem>>
    %dma_start3A_41 = arith.constant 0 : i32
    %dma_start3A_42 = arith.constant 0 : i32
    %dma_start3A_43 = tpu.memref_slice %arg3[%dma_start3A_41, %dma_start3A_42] : memref<1000000x32xf32, #tpu.memory_space<hbm>> -> memref<1000000x32xf32, #tpu.memory_space<hbm>>
    tpu.enqueue_indirect_dma source(%dma_start3A_43 : memref<1000000x32xf32, #tpu.memory_space<hbm>>) target(%arg11 : memref<100x32xf32, #tpu.memory_space<vmem>>) offsets(%dma_start3A_40 : memref<100xi32, #tpu.memory_space<vmem>>) semaphore(%arg28 : memref<!tpu.dma_semaphore, #tpu.memory_space<semaphore_mem>>)
    %dma_start3A_44 = arith.constant 6 : i32
    %dma_start3A_45 = arith.constant 0 : i32
    %dma_start3A_46 = tpu.memref_slice %arg5[%dma_start3A_44, %dma_start3A_45] : memref<64x100xi32, #tpu.memory_space<vmem>> -> memref<1x100xi32, #tpu.memory_space<vmem>>
    %dma_start3A_47 = tpu.memref_squeeze %dma_start3A_46 : memref<1x100xi32, #tpu.memory_space<vmem>> -> memref<100xi32, #tpu.memory_space<vmem>>
    %dma_start3A_48 = arith.constant 0 : i32
    %dma_start3A_49 = arith.constant 0 : i32
    %dma_start3A_50 = tpu.memref_slice %arg3[%dma_start3A_48, %dma_start3A_49] : memref<1000000x32xf32, #tpu.memory_space<hbm>> -> memref<1000000x32xf32, #tpu.memory_space<hbm>>
    tpu.enqueue_indirect_dma source(%dma_start3A_50 : memref<1000000x32xf32, #tpu.memory_space<hbm>>) target(%arg12 : memref<100x32xf32, #tpu.memory_space<vmem>>) offsets(%dma_start3A_47 : memref<100xi32, #tpu.memory_space<vmem>>) semaphore(%arg29 : memref<!tpu.dma_semaphore, #tpu.memory_space<semaphore_mem>>)
    %dma_start3A_51 = arith.constant 7 : i32
    %dma_start3A_52 = arith.constant 0 : i32
    %dma_start3A_53 = tpu.memref_slice %arg5[%dma_start3A_51, %dma_start3A_52] : memref<64x100xi32, #tpu.memory_space<vmem>> -> memref<1x100xi32, #tpu.memory_space<vmem>>
    %dma_start3A_54 = tpu.memref_squeeze %dma_start3A_53 : memref<1x100xi32, #tpu.memory_space<vmem>> -> memref<100xi32, #tpu.memory_space<vmem>>
    %dma_start3A_55 = arith.constant 0 : i32
    %dma_start3A_56 = arith.constant 0 : i32
    %dma_start3A_57 = tpu.memref_slice %arg3[%dma_start3A_55, %dma_start3A_56] : memref<1000000x32xf32, #tpu.memory_space<hbm>> -> memref<1000000x32xf32, #tpu.memory_space<hbm>>
    tpu.enqueue_indirect_dma source(%dma_start3A_57 : memref<1000000x32xf32, #tpu.memory_space<hbm>>) target(%arg13 : memref<100x32xf32, #tpu.memory_space<vmem>>) offsets(%dma_start3A_54 : memref<100xi32, #tpu.memory_space<vmem>>) semaphore(%arg30 : memref<!tpu.dma_semaphore, #tpu.memory_space<semaphore_mem>>)
    %dma_start3A_58 = arith.constant 8 : i32
    %dma_start3A_59 = arith.constant 0 : i32
    %dma_start3A_60 = tpu.memref_slice %arg5[%dma_start3A_58, %dma_start3A_59] : memref<64x100xi32, #tpu.memory_space<vmem>> -> memref<1x100xi32, #tpu.memory_space<vmem>>
    %dma_start3A_61 = tpu.memref_squeeze %dma_start3A_60 : memref<1x100xi32, #tpu.memory_space<vmem>> -> memref<100xi32, #tpu.memory_space<vmem>>
    %dma_start3A_62 = arith.constant 0 : i32
    %dma_start3A_63 = arith.constant 0 : i32
    %dma_start3A_64 = tpu.memref_slice %arg3[%dma_start3A_62, %dma_start3A_63] : memref<1000000x32xf32, #tpu.memory_space<hbm>> -> memref<1000000x32xf32, #tpu.memory_space<hbm>>
    tpu.enqueue_indirect_dma source(%dma_start3A_64 : memref<1000000x32xf32, #tpu.memory_space<hbm>>) target(%arg14 : memref<100x32xf32, #tpu.memory_space<vmem>>) offsets(%dma_start3A_61 : memref<100xi32, #tpu.memory_space<vmem>>) semaphore(%arg31 : memref<!tpu.dma_semaphore, #tpu.memory_space<semaphore_mem>>)
    %dma_start3A_65 = arith.constant 9 : i32
    %dma_start3A_66 = arith.constant 0 : i32
    %dma_start3A_67 = tpu.memref_slice %arg5[%dma_start3A_65, %dma_start3A_66] : memref<64x100xi32, #tpu.memory_space<vmem>> -> memref<1x100xi32, #tpu.memory_space<vmem>>
    %dma_start3A_68 = tpu.memref_squeeze %dma_start3A_67 : memref<1x100xi32, #tpu.memory_space<vmem>> -> memref<100xi32, #tpu.memory_space<vmem>>
    %dma_start3A_69 = arith.constant 0 : i32
    %dma_start3A_70 = arith.constant 0 : i32
    %dma_start3A_71 = tpu.memref_slice %arg3[%dma_start3A_69, %dma_start3A_70] : memref<1000000x32xf32, #tpu.memory_space<hbm>> -> memref<1000000x32xf32, #tpu.memory_space<hbm>>
    tpu.enqueue_indirect_dma source(%dma_start3A_71 : memref<1000000x32xf32, #tpu.memory_space<hbm>>) target(%arg15 : memref<100x32xf32, #tpu.memory_space<vmem>>) offsets(%dma_start3A_68 : memref<100xi32, #tpu.memory_space<vmem>>) semaphore(%arg32 : memref<!tpu.dma_semaphore, #tpu.memory_space<semaphore_mem>>)
    %dma_start3A_72 = arith.constant 10 : i32
    %dma_start3A_73 = arith.constant 0 : i32
    %dma_start3A_74 = tpu.memref_slice %arg5[%dma_start3A_72, %dma_start3A_73] : memref<64x100xi32, #tpu.memory_space<vmem>> -> memref<1x100xi32, #tpu.memory_space<vmem>>
    %dma_start3A_75 = tpu.memref_squeeze %dma_start3A_74 : memref<1x100xi32, #tpu.memory_space<vmem>> -> memref<100xi32, #tpu.memory_space<vmem>>
    %dma_start3A_76 = arith.constant 0 : i32
    %dma_start3A_77 = arith.constant 0 : i32
    %dma_start3A_78 = tpu.memref_slice %arg3[%dma_start3A_76, %dma_start3A_77] : memref<1000000x32xf32, #tpu.memory_space<hbm>> -> memref<1000000x32xf32, #tpu.memory_space<hbm>>
    tpu.enqueue_indirect_dma source(%dma_start3A_78 : memref<1000000x32xf32, #tpu.memory_space<hbm>>) target(%arg16 : memref<100x32xf32, #tpu.memory_space<vmem>>) offsets(%dma_start3A_75 : memref<100xi32, #tpu.memory_space<vmem>>) semaphore(%arg33 : memref<!tpu.dma_semaphore, #tpu.memory_space<semaphore_mem>>)
    %dma_start3A_79 = arith.constant 11 : i32
    %dma_start3A_80 = arith.constant 0 : i32
    %dma_start3A_81 = tpu.memref_slice %arg5[%dma_start3A_79, %dma_start3A_80] : memref<64x100xi32, #tpu.memory_space<vmem>> -> memref<1x100xi32, #tpu.memory_space<vmem>>
    %dma_start3A_82 = tpu.memref_squeeze %dma_start3A_81 : memref<1x100xi32, #tpu.memory_space<vmem>> -> memref<100xi32, #tpu.memory_space<vmem>>
    %dma_start3A_83 = arith.constant 0 : i32
    %dma_start3A_84 = arith.constant 0 : i32
    %dma_start3A_85 = tpu.memref_slice %arg3[%dma_start3A_83, %dma_start3A_84] : memref<1000000x32xf32, #tpu.memory_space<hbm>> -> memref<1000000x32xf32, #tpu.memory_space<hbm>>
    tpu.enqueue_indirect_dma source(%dma_start3A_85 : memref<1000000x32xf32, #tpu.memory_space<hbm>>) target(%arg17 : memref<100x32xf32, #tpu.memory_space<vmem>>) offsets(%dma_start3A_82 : memref<100xi32, #tpu.memory_space<vmem>>) semaphore(%arg34 : memref<!tpu.dma_semaphore, #tpu.memory_space<semaphore_mem>>)
    %dma_start3A_86 = arith.constant 12 : i32
    %dma_start3A_87 = arith.constant 0 : i32
    %dma_start3A_88 = tpu.memref_slice %arg5[%dma_start3A_86, %dma_start3A_87] : memref<64x100xi32, #tpu.memory_space<vmem>> -> memref<1x100xi32, #tpu.memory_space<vmem>>
    %dma_start3A_89 = tpu.memref_squeeze %dma_start3A_88 : memref<1x100xi32, #tpu.memory_space<vmem>> -> memref<100xi32, #tpu.memory_space<vmem>>
    %dma_start3A_90 = arith.constant 0 : i32
    %dma_start3A_91 = arith.constant 0 : i32
    %dma_start3A_92 = tpu.memref_slice %arg3[%dma_start3A_90, %dma_start3A_91] : memref<1000000x32xf32, #tpu.memory_space<hbm>> -> memref<1000000x32xf32, #tpu.memory_space<hbm>>
    tpu.enqueue_indirect_dma source(%dma_start3A_92 : memref<1000000x32xf32, #tpu.memory_space<hbm>>) target(%arg18 : memref<100x32xf32, #tpu.memory_space<vmem>>) offsets(%dma_start3A_89 : memref<100xi32, #tpu.memory_space<vmem>>) semaphore(%arg35 : memref<!tpu.dma_semaphore, #tpu.memory_space<semaphore_mem>>)
    %dma_start3A_93 = arith.constant 13 : i32
    %dma_start3A_94 = arith.constant 0 : i32
    %dma_start3A_95 = tpu.memref_slice %arg5[%dma_start3A_93, %dma_start3A_94] : memref<64x100xi32, #tpu.memory_space<vmem>> -> memref<1x100xi32, #tpu.memory_space<vmem>>
    %dma_start3A_96 = tpu.memref_squeeze %dma_start3A_95 : memref<1x100xi32, #tpu.memory_space<vmem>> -> memref<100xi32, #tpu.memory_space<vmem>>
    %dma_start3A_97 = arith.constant 0 : i32
    %dma_start3A_98 = arith.constant 0 : i32
    %dma_start3A_99 = tpu.memref_slice %arg3[%dma_start3A_97, %dma_start3A_98] : memref<1000000x32xf32, #tpu.memory_space<hbm>> -> memref<1000000x32xf32, #tpu.memory_space<hbm>>
    tpu.enqueue_indirect_dma source(%dma_start3A_99 : memref<1000000x32xf32, #tpu.memory_space<hbm>>) target(%arg19 : memref<100x32xf32, #tpu.memory_space<vmem>>) offsets(%dma_start3A_96 : memref<100xi32, #tpu.memory_space<vmem>>) semaphore(%arg36 : memref<!tpu.dma_semaphore, #tpu.memory_space<semaphore_mem>>)
    %dma_start3A_100 = arith.constant 14 : i32
    %dma_start3A_101 = arith.constant 0 : i32
    %dma_start3A_102 = tpu.memref_slice %arg5[%dma_start3A_100, %dma_start3A_101] : memref<64x100xi32, #tpu.memory_space<vmem>> -> memref<1x100xi32, #tpu.memory_space<vmem>>
    %dma_start3A_103 = tpu.memref_squeeze %dma_start3A_102 : memref<1x100xi32, #tpu.memory_space<vmem>> -> memref<100xi32, #tpu.memory_space<vmem>>
    %dma_start3A_104 = arith.constant 0 : i32
    %dma_start3A_105 = arith.constant 0 : i32
    %dma_start3A_106 = tpu.memref_slice %arg3[%dma_start3A_104, %dma_start3A_105] : memref<1000000x32xf32, #tpu.memory_space<hbm>> -> memref<1000000x32xf32, #tpu.memory_space<hbm>>
    tpu.enqueue_indirect_dma source(%dma_start3A_106 : memref<1000000x32xf32, #tpu.memory_space<hbm>>) target(%arg20 : memref<100x32xf32, #tpu.memory_space<vmem>>) offsets(%dma_start3A_103 : memref<100xi32, #tpu.memory_space<vmem>>) semaphore(%arg37 : memref<!tpu.dma_semaphore, #tpu.memory_space<semaphore_mem>>)
    %dma_start3A_107 = arith.constant 15 : i32
    %dma_start3A_108 = arith.constant 0 : i32
    %dma_start3A_109 = tpu.memref_slice %arg5[%dma_start3A_107, %dma_start3A_108] : memref<64x100xi32, #tpu.memory_space<vmem>> -> memref<1x100xi32, #tpu.memory_space<vmem>>
    %dma_start3A_110 = tpu.memref_squeeze %dma_start3A_109 : memref<1x100xi32, #tpu.memory_space<vmem>> -> memref<100xi32, #tpu.memory_space<vmem>>
    %dma_start3A_111 = arith.constant 0 : i32
    %dma_start3A_112 = arith.constant 0 : i32
    %dma_start3A_113 = tpu.memref_slice %arg3[%dma_start3A_111, %dma_start3A_112] : memref<1000000x32xf32, #tpu.memory_space<hbm>> -> memref<1000000x32xf32, #tpu.memory_space<hbm>>
    tpu.enqueue_indirect_dma source(%dma_start3A_113 : memref<1000000x32xf32, #tpu.memory_space<hbm>>) target(%arg21 : memref<100x32xf32, #tpu.memory_space<vmem>>) offsets(%dma_start3A_110 : memref<100xi32, #tpu.memory_space<vmem>>) semaphore(%arg38 : memref<!tpu.dma_semaphore, #tpu.memory_space<semaphore_mem>>)
    %scan3A = arith.constant 0 : i32
    %scan3A_114 = arith.constant 0 : i32
    %scan3A_115 = arith.constant 3 : i32
    %scan3A_116 = arith.addi %scan3A_114, %scan3A_115 : i32
    %scan3A_117 = arith.constant 1 : i32
    %scan3A_118 = scf.for %scan3A_1062 = %scan3A_114 to %scan3A_116 step %scan3A_117 iter_args(%scan3A_1063 = %scan3A) -> (i32)  : i32 {
      %mul3A_1064 = arith.constant 16 : i32
      %mul3A_1065 = arith.muli %mul3A_1064, %scan3A_1062 : i32
      %add3A_1066 = arith.constant 0 : i32
      %add3A_1067 = arith.addi %mul3A_1065, %add3A_1066 : i32
      %dma_wait3A_1068 = arith.constant 0 : i32
      %dma_wait3A_1069 = tpu.memref_slice %arg5[%add3A_1067, %dma_wait3A_1068] : memref<64x100xi32, #tpu.memory_space<vmem>> -> memref<1x100xi32, #tpu.memory_space<vmem>>
      %dma_wait3A_1070 = tpu.memref_squeeze %dma_wait3A_1069 : memref<1x100xi32, #tpu.memory_space<vmem>> -> memref<100xi32, #tpu.memory_space<vmem>>
      %dma_wait3A_1071 = arith.constant 0 : i32
      %dma_wait3A_1072 = arith.constant 0 : i32
      %dma_wait3A_1073 = tpu.memref_slice %arg3[%dma_wait3A_1071, %dma_wait3A_1072] : memref<1000000x32xf32, #tpu.memory_space<hbm>> -> memref<1000000x32xf32, #tpu.memory_space<hbm>>
      tpu.wait_indirect_dma semaphore(%arg23 : memref<!tpu.dma_semaphore, #tpu.memory_space<semaphore_mem>>) src(%dma_wait3A_1073 : memref<1000000x32xf32, #tpu.memory_space<hbm>>) dst(%arg6 : memref<100x32xf32, #tpu.memory_space<vmem>>)
      %add3A_1074 = arith.constant 0 : i32
      %add3A_1075 = arith.addi %mul3A_1065, %add3A_1074 : i32
      %broadcast_in_dim3A_1076 = arith.constant 0.000000e+00 : f32
      %broadcast_in_dim3A_1077 = vector.broadcast %broadcast_in_dim3A_1076 : f32 to vector<16xf32>
      %get3A_1078 = arith.constant 0 : i32
      %get3A_1079 = arith.index_cast %get3A_1078 : i32 to index
      %get3A_1080 = arith.constant 0 : index
      %get3A_1081 = tpu.vector_load %arg6[%get3A_1079, %get3A_1080] {strides = array<i32>} : memref<100x32xf32, #tpu.memory_space<vmem>>, vector<1x16xf32>,
      %get3A_1082 = vector.shape_cast %get3A_1081 : vector<1x16xf32> to vector<16xf32>
      %add3A_1083 = arith.addf %broadcast_in_dim3A_1077, %get3A_1082 : vector<16xf32>
      %mul3A_1084 = arith.constant 2 : i32
      %mul3A_1085 = arith.muli %mul3A_1084, %add3A_1075 : i32
      %add3A_1086 = arith.constant 0 : i32
      %add3A_1087 = arith.addi %mul3A_1085, %add3A_1086 : i32
      %swap3A_1088 = arith.index_cast %add3A_1087 : i32 to index
      %swap3A_1089 = arith.constant 0 : index
      %swap3A_1090 = tpu.vector_load %arg22[%swap3A_1088, %swap3A_1089] {strides = array<i32>} : memref<128x32xf32, #tpu.memory_space<vmem>>, vector<1x16xf32>,
      %swap3A_1091 = vector.shape_cast %swap3A_1090 : vector<1x16xf32> to vector<16xf32>
      %swap3A_1092 = vector.shape_cast %add3A_1083 : vector<16xf32> to vector<1x16xf32>
      tpu.vector_store %arg22[%swap3A_1088, %swap3A_1089], %swap3A_1092 {strides = array<i32>} : memref<128x32xf32, #tpu.memory_space<vmem>>, vector<1x16xf32>,
      %get3A_1093 = arith.constant 0 : i32
      %get3A_1094 = arith.index_cast %get3A_1093 : i32 to index
      %get3A_1095 = arith.constant 16 : index
      %get3A_1096 = tpu.vector_load %arg6[%get3A_1094, %get3A_1095] {strides = array<i32>} : memref<100x32xf32, #tpu.memory_space<vmem>>, vector<1x16xf32>,
      %get3A_1097 = vector.shape_cast %get3A_1096 : vector<1x16xf32> to vector<16xf32>
      %add3A_1098 = arith.addf %broadcast_in_dim3A_1077, %get3A_1097 : vector<16xf32>
      %mul3A_1099 = arith.constant 2 : i32
      %mul3A_1100 = arith.muli %mul3A_1099, %add3A_1075 : i32
      %add3A_1101 = arith.constant 0 : i32
      %add3A_1102 = arith.addi %mul3A_1100, %add3A_1101 : i32
      %swap3A_1103 = arith.index_cast %add3A_1102 : i32 to index
      %swap3A_1104 = arith.constant 16 : index
      %swap3A_1105 = tpu.vector_load %arg22[%swap3A_1103, %swap3A_1104] {strides = array<i32>} : memref<128x32xf32, #tpu.memory_space<vmem>>, vector<1x16xf32>,
      %swap3A_1106 = vector.shape_cast %swap3A_1105 : vector<1x16xf32> to vector<16xf32>
      %swap3A_1107 = vector.shape_cast %add3A_1098 : vector<16xf32> to vector<1x16xf32>
      tpu.vector_store %arg22[%swap3A_1103, %swap3A_1104], %swap3A_1107 {strides = array<i32>} : memref<128x32xf32, #tpu.memory_space<vmem>>, vector<1x16xf32>,
      %broadcast_in_dim3A_1108 = arith.constant 0.000000e+00 : f32
      %broadcast_in_dim3A_1109 = vector.broadcast %broadcast_in_dim3A_1108 : f32 to vector<16xf32>
      %get3A_1110 = arith.constant 50 : i32
      %get3A_1111 = arith.index_cast %get3A_1110 : i32 to index
      %get3A_1112 = arith.constant 0 : index
      %get3A_1113 = tpu.vector_load %arg6[%get3A_1111, %get3A_1112] {strides = array<i32>} : memref<100x32xf32, #tpu.memory_space<vmem>>, vector<1x16xf32>,
      %get3A_1114 = vector.shape_cast %get3A_1113 : vector<1x16xf32> to vector<16xf32>
      %add3A_1115 = arith.addf %broadcast_in_dim3A_1109, %get3A_1114 : vector<16xf32>
      %mul3A_1116 = arith.constant 2 : i32
      %mul3A_1117 = arith.muli %mul3A_1116, %add3A_1075 : i32
      %add3A_1118 = arith.constant 1 : i32
      %add3A_1119 = arith.addi %mul3A_1117, %add3A_1118 : i32
      %swap3A_1120 = arith.index_cast %add3A_1119 : i32 to index
      %swap3A_1121 = arith.constant 0 : index
      %swap3A_1122 = tpu.vector_load %arg22[%swap3A_1120, %swap3A_1121] {strides = array<i32>} : memref<128x32xf32, #tpu.memory_space<vmem>>, vector<1x16xf32>,
      %swap3A_1123 = vector.shape_cast %swap3A_1122 : vector<1x16xf32> to vector<16xf32>
      %swap3A_1124 = vector.shape_cast %add3A_1115 : vector<16xf32> to vector<1x16xf32>
      tpu.vector_store %arg22[%swap3A_1120, %swap3A_1121], %swap3A_1124 {strides = array<i32>} : memref<128x32xf32, #tpu.memory_space<vmem>>, vector<1x16xf32>,
      %get3A_1125 = arith.constant 50 : i32
      %get3A_1126 = arith.index_cast %get3A_1125 : i32 to index
      %get3A_1127 = arith.constant 16 : index
      %get3A_1128 = tpu.vector_load %arg6[%get3A_1126, %get3A_1127] {strides = array<i32>} : memref<100x32xf32, #tpu.memory_space<vmem>>, vector<1x16xf32>,
      %get3A_1129 = vector.shape_cast %get3A_1128 : vector<1x16xf32> to vector<16xf32>
      %add3A_1130 = arith.addf %broadcast_in_dim3A_1109, %get3A_1129 : vector<16xf32>
      %mul3A_1131 = arith.constant 2 : i32
      %mul3A_1132 = arith.muli %mul3A_1131, %add3A_1075 : i32
      %add3A_1133 = arith.constant 1 : i32
      %add3A_1134 = arith.addi %mul3A_1132, %add3A_1133 : i32
      %swap3A_1135 = arith.index_cast %add3A_1134 : i32 to index
      %swap3A_1136 = arith.constant 16 : index
      %swap3A_1137 = tpu.vector_load %arg22[%swap3A_1135, %swap3A_1136] {strides = array<i32>} : memref<128x32xf32, #tpu.memory_space<vmem>>, vector<1x16xf32>,
      %swap3A_1138 = vector.shape_cast %swap3A_1137 : vector<1x16xf32> to vector<16xf32>
      %swap3A_1139 = vector.shape_cast %add3A_1130 : vector<16xf32> to vector<1x16xf32>
      tpu.vector_store %arg22[%swap3A_1135, %swap3A_1136], %swap3A_1139 {strides = array<i32>} : memref<128x32xf32, #tpu.memory_space<vmem>>, vector<1x16xf32>,
      %add3A_1140 = arith.constant 0 : i32
      %add3A_1141 = arith.addi %mul3A_1065, %add3A_1140 : i32
      %add3A_1142 = arith.constant 16 : i32
      %add3A_1143 = arith.addi %add3A_1141, %add3A_1142 : i32
      %dma_start3A_1144 = arith.constant 0 : i32
      %dma_start3A_1145 = tpu.memref_slice %arg5[%add3A_1143, %dma_start3A_1144] : memref<64x100xi32, #tpu.memory_space<vmem>> -> memref<1x100xi32, #tpu.memory_space<vmem>>
      %dma_start3A_1146 = tpu.memref_squeeze %dma_start3A_1145 : memref<1x100xi32, #tpu.memory_space<vmem>> -> memref<100xi32, #tpu.memory_space<vmem>>
      %dma_start3A_1147 = arith.constant 0 : i32
      %dma_start3A_1148 = arith.constant 0 : i32
      %dma_start3A_1149 = tpu.memref_slice %arg3[%dma_start3A_1147, %dma_start3A_1148] : memref<1000000x32xf32, #tpu.memory_space<hbm>> -> memref<1000000x32xf32, #tpu.memory_space<hbm>>
      tpu.enqueue_indirect_dma source(%dma_start3A_1149 : memref<1000000x32xf32, #tpu.memory_space<hbm>>) target(%arg6 : memref<100x32xf32, #tpu.memory_space<vmem>>) offsets(%dma_start3A_1146 : memref<100xi32, #tpu.memory_space<vmem>>) semaphore(%arg23 : memref<!tpu.dma_semaphore, #tpu.memory_space<semaphore_mem>>)
      %add3A_1150 = arith.constant 1 : i32
      %add3A_1151 = arith.addi %mul3A_1065, %add3A_1150 : i32
      %dma_wait3A_1152 = arith.constant 0 : i32
      %dma_wait3A_1153 = tpu.memref_slice %arg5[%add3A_1151, %dma_wait3A_1152] : memref<64x100xi32, #tpu.memory_space<vmem>> -> memref<1x100xi32, #tpu.memory_space<vmem>>
      %dma_wait3A_1154 = tpu.memref_squeeze %dma_wait3A_1153 : memref<1x100xi32, #tpu.memory_space<vmem>> -> memref<100xi32, #tpu.memory_space<vmem>>
      %dma_wait3A_1155 = arith.constant 0 : i32
      %dma_wait3A_1156 = arith.constant 0 : i32
      %dma_wait3A_1157 = tpu.memref_slice %arg3[%dma_wait3A_1155, %dma_wait3A_1156] : memref<1000000x32xf32, #tpu.memory_space<hbm>> -> memref<1000000x32xf32, #tpu.memory_space<hbm>>
      tpu.wait_indirect_dma semaphore(%arg24 : memref<!tpu.dma_semaphore, #tpu.memory_space<semaphore_mem>>) src(%dma_wait3A_1157 : memref<1000000x32xf32, #tpu.memory_space<hbm>>) dst(%arg7 : memref<100x32xf32, #tpu.memory_space<vmem>>)
      %add3A_1158 = arith.constant 1 : i32
      %add3A_1159 = arith.addi %mul3A_1065, %add3A_1158 : i32
      %broadcast_in_dim3A_1160 = arith.constant 0.000000e+00 : f32
      %broadcast_in_dim3A_1161 = vector.broadcast %broadcast_in_dim3A_1160 : f32 to vector<16xf32>
      %get3A_1162 = arith.constant 0 : i32
      %get3A_1163 = arith.index_cast %get3A_1162 : i32 to index
      %get3A_1164 = arith.constant 0 : index
      %get3A_1165 = tpu.vector_load %arg7[%get3A_1163, %get3A_1164] {strides = array<i32>} : memref<100x32xf32, #tpu.memory_space<vmem>>, vector<1x16xf32>,
      %get3A_1166 = vector.shape_cast %get3A_1165 : vector<1x16xf32> to vector<16xf32>
      %add3A_1167 = arith.addf %broadcast_in_dim3A_1161, %get3A_1166 : vector<16xf32>
      %mul3A_1168 = arith.constant 2 : i32
      %mul3A_1169 = arith.muli %mul3A_1168, %add3A_1159 : i32
      %add3A_1170 = arith.constant 0 : i32
      %add3A_1171 = arith.addi %mul3A_1169, %add3A_1170 : i32
      %swap3A_1172 = arith.index_cast %add3A_1171 : i32 to index
      %swap3A_1173 = arith.constant 0 : index
      %swap3A_1174 = tpu.vector_load %arg22[%swap3A_1172, %swap3A_1173] {strides = array<i32>} : memref<128x32xf32, #tpu.memory_space<vmem>>, vector<1x16xf32>,
      %swap3A_1175 = vector.shape_cast %swap3A_1174 : vector<1x16xf32> to vector<16xf32>
      %swap3A_1176 = vector.shape_cast %add3A_1167 : vector<16xf32> to vector<1x16xf32>
      tpu.vector_store %arg22[%swap3A_1172, %swap3A_1173], %swap3A_1176 {strides = array<i32>} : memref<128x32xf32, #tpu.memory_space<vmem>>, vector<1x16xf32>,
      %get3A_1177 = arith.constant 0 : i32
      %get3A_1178 = arith.index_cast %get3A_1177 : i32 to index
      %get3A_1179 = arith.constant 16 : index
      %get3A_1180 = tpu.vector_load %arg7[%get3A_1178, %get3A_1179] {strides = array<i32>} : memref<100x32xf32, #tpu.memory_space<vmem>>, vector<1x16xf32>,
      %get3A_1181 = vector.shape_cast %get3A_1180 : vector<1x16xf32> to vector<16xf32>
      %add3A_1182 = arith.addf %broadcast_in_dim3A_1161, %get3A_1181 : vector<16xf32>
      %mul3A_1183 = arith.constant 2 : i32
      %mul3A_1184 = arith.muli %mul3A_1183, %add3A_1159 : i32
      %add3A_1185 = arith.constant 0 : i32
      %add3A_1186 = arith.addi %mul3A_1184, %add3A_1185 : i32
      %swap3A_1187 = arith.index_cast %add3A_1186 : i32 to index
      %swap3A_1188 = arith.constant 16 : index
      %swap3A_1189 = tpu.vector_load %arg22[%swap3A_1187, %swap3A_1188] {strides = array<i32>} : memref<128x32xf32, #tpu.memory_space<vmem>>, vector<1x16xf32>,
      %swap3A_1190 = vector.shape_cast %swap3A_1189 : vector<1x16xf32> to vector<16xf32>
      %swap3A_1191 = vector.shape_cast %add3A_1182 : vector<16xf32> to vector<1x16xf32>
      tpu.vector_store %arg22[%swap3A_1187, %swap3A_1188], %swap3A_1191 {strides = array<i32>} : memref<128x32xf32, #tpu.memory_space<vmem>>, vector<1x16xf32>,
      %broadcast_in_dim3A_1192 = arith.constant 0.000000e+00 : f32
      %broadcast_in_dim3A_1193 = vector.broadcast %broadcast_in_dim3A_1192 : f32 to vector<16xf32>
      %get3A_1194 = arith.constant 50 : i32
      %get3A_1195 = arith.index_cast %get3A_1194 : i32 to index
      %get3A_1196 = arith.constant 0 : index
      %get3A_1197 = tpu.vector_load %arg7[%get3A_1195, %get3A_1196] {strides = array<i32>} : memref<100x32xf32, #tpu.memory_space<vmem>>, vector<1x16xf32>,
      %get3A_1198 = vector.shape_cast %get3A_1197 : vector<1x16xf32> to vector<16xf32>
      %add3A_1199 = arith.addf %broadcast_in_dim3A_1193, %get3A_1198 : vector<16xf32>
      %mul3A_1200 = arith.constant 2 : i32
      %mul3A_1201 = arith.muli %mul3A_1200, %add3A_1159 : i32
      %add3A_1202 = arith.constant 1 : i32
      %add3A_1203 = arith.addi %mul3A_1201, %add3A_1202 : i32
      %swap3A_1204 = arith.index_cast %add3A_1203 : i32 to index
      %swap3A_1205 = arith.constant 0 : index
      %swap3A_1206 = tpu.vector_load %arg22[%swap3A_1204, %swap3A_1205] {strides = array<i32>} : memref<128x32xf32, #tpu.memory_space<vmem>>, vector<1x16xf32>,
      %swap3A_1207 = vector.shape_cast %swap3A_1206 : vector<1x16xf32> to vector<16xf32>
      %swap3A_1208 = vector.shape_cast %add3A_1199 : vector<16xf32> to vector<1x16xf32>
      tpu.vector_store %arg22[%swap3A_1204, %swap3A_1205], %swap3A_1208 {strides = array<i32>} : memref<128x32xf32, #tpu.memory_space<vmem>>, vector<1x16xf32>,
      %get3A_1209 = arith.constant 50 : i32
      %get3A_1210 = arith.index_cast %get3A_1209 : i32 to index
      %get3A_1211 = arith.constant 16 : index
      %get3A_1212 = tpu.vector_load %arg7[%get3A_1210, %get3A_1211] {strides = array<i32>} : memref<100x32xf32, #tpu.memory_space<vmem>>, vector<1x16xf32>,
      %get3A_1213 = vector.shape_cast %get3A_1212 : vector<1x16xf32> to vector<16xf32>
      %add3A_1214 = arith.addf %broadcast_in_dim3A_1193, %get3A_1213 : vector<16xf32>
      %mul3A_1215 = arith.constant 2 : i32
      %mul3A_1216 = arith.muli %mul3A_1215, %add3A_1159 : i32
      %add3A_1217 = arith.constant 1 : i32
      %add3A_1218 = arith.addi %mul3A_1216, %add3A_1217 : i32
      %swap3A_1219 = arith.index_cast %add3A_1218 : i32 to index
      %swap3A_1220 = arith.constant 16 : index
      %swap3A_1221 = tpu.vector_load %arg22[%swap3A_1219, %swap3A_1220] {strides = array<i32>} : memref<128x32xf32, #tpu.memory_space<vmem>>, vector<1x16xf32>,
      %swap3A_1222 = vector.shape_cast %swap3A_1221 : vector<1x16xf32> to vector<16xf32>
      %swap3A_1223 = vector.shape_cast %add3A_1214 : vector<16xf32> to vector<1x16xf32>
      tpu.vector_store %arg22[%swap3A_1219, %swap3A_1220], %swap3A_1223 {strides = array<i32>} : memref<128x32xf32, #tpu.memory_space<vmem>>, vector<1x16xf32>,
      %add3A_1224 = arith.constant 1 : i32
      %add3A_1225 = arith.addi %mul3A_1065, %add3A_1224 : i32
      %add3A_1226 = arith.constant 16 : i32
      %add3A_1227 = arith.addi %add3A_1225, %add3A_1226 : i32
      %dma_start3A_1228 = arith.constant 0 : i32
      %dma_start3A_1229 = tpu.memref_slice %arg5[%add3A_1227, %dma_start3A_1228] : memref<64x100xi32, #tpu.memory_space<vmem>> -> memref<1x100xi32, #tpu.memory_space<vmem>>
      %dma_start3A_1230 = tpu.memref_squeeze %dma_start3A_1229 : memref<1x100xi32, #tpu.memory_space<vmem>> -> memref<100xi32, #tpu.memory_space<vmem>>
      %dma_start3A_1231 = arith.constant 0 : i32
      %dma_start3A_1232 = arith.constant 0 : i32
      %dma_start3A_1233 = tpu.memref_slice %arg3[%dma_start3A_1231, %dma_start3A_1232] : memref<1000000x32xf32, #tpu.memory_space<hbm>> -> memref<1000000x32xf32, #tpu.memory_space<hbm>>
      tpu.enqueue_indirect_dma source(%dma_start3A_1233 : memref<1000000x32xf32, #tpu.memory_space<hbm>>) target(%arg7 : memref<100x32xf32, #tpu.memory_space<vmem>>) offsets(%dma_start3A_1230 : memref<100xi32, #tpu.memory_space<vmem>>) semaphore(%arg24 : memref<!tpu.dma_semaphore, #tpu.memory_space<semaphore_mem>>)
      %add3A_1234 = arith.constant 2 : i32
      %add3A_1235 = arith.addi %mul3A_1065, %add3A_1234 : i32
      %dma_wait3A_1236 = arith.constant 0 : i32
      %dma_wait3A_1237 = tpu.memref_slice %arg5[%add3A_1235, %dma_wait3A_1236] : memref<64x100xi32, #tpu.memory_space<vmem>> -> memref<1x100xi32, #tpu.memory_space<vmem>>
      %dma_wait3A_1238 = tpu.memref_squeeze %dma_wait3A_1237 : memref<1x100xi32, #tpu.memory_space<vmem>> -> memref<100xi32, #tpu.memory_space<vmem>>
      %dma_wait3A_1239 = arith.constant 0 : i32
      %dma_wait3A_1240 = arith.constant 0 : i32
      %dma_wait3A_1241 = tpu.memref_slice %arg3[%dma_wait3A_1239, %dma_wait3A_1240] : memref<1000000x32xf32, #tpu.memory_space<hbm>> -> memref<1000000x32xf32, #tpu.memory_space<hbm>>
      tpu.wait_indirect_dma semaphore(%arg25 : memref<!tpu.dma_semaphore, #tpu.memory_space<semaphore_mem>>) src(%dma_wait3A_1241 : memref<1000000x32xf32, #tpu.memory_space<hbm>>) dst(%arg8 : memref<100x32xf32, #tpu.memory_space<vmem>>)
      %add3A_1242 = arith.constant 2 : i32
      %add3A_1243 = arith.addi %mul3A_1065, %add3A_1242 : i32
      %broadcast_in_dim3A_1244 = arith.constant 0.000000e+00 : f32
      %broadcast_in_dim3A_1245 = vector.broadcast %broadcast_in_dim3A_1244 : f32 to vector<16xf32>
      %get3A_1246 = arith.constant 0 : i32
      %get3A_1247 = arith.index_cast %get3A_1246 : i32 to index
      %get3A_1248 = arith.constant 0 : index
      %get3A_1249 = tpu.vector_load %arg8[%get3A_1247, %get3A_1248] {strides = array<i32>} : memref<100x32xf32, #tpu.memory_space<vmem>>, vector<1x16xf32>,
      %get3A_1250 = vector.shape_cast %get3A_1249 : vector<1x16xf32> to vector<16xf32>
      %add3A_1251 = arith.addf %broadcast_in_dim3A_1245, %get3A_1250 : vector<16xf32>
      %mul3A_1252 = arith.constant 2 : i32
      %mul3A_1253 = arith.muli %mul3A_1252, %add3A_1243 : i32
      %add3A_1254 = arith.constant 0 : i32
      %add3A_1255 = arith.addi %mul3A_1253, %add3A_1254 : i32
      %swap3A_1256 = arith.index_cast %add3A_1255 : i32 to index
      %swap3A_1257 = arith.constant 0 : index
      %swap3A_1258 = tpu.vector_load %arg22[%swap3A_1256, %swap3A_1257] {strides = array<i32>} : memref<128x32xf32, #tpu.memory_space<vmem>>, vector<1x16xf32>,
      %swap3A_1259 = vector.shape_cast %swap3A_1258 : vector<1x16xf32> to vector<16xf32>
      %swap3A_1260 = vector.shape_cast %add3A_1251 : vector<16xf32> to vector<1x16xf32>
      tpu.vector_store %arg22[%swap3A_1256, %swap3A_1257], %swap3A_1260 {strides = array<i32>} : memref<128x32xf32, #tpu.memory_space<vmem>>, vector<1x16xf32>,
      %get3A_1261 = arith.constant 0 : i32
      %get3A_1262 = arith.index_cast %get3A_1261 : i32 to index
      %get3A_1263 = arith.constant 16 : index
      %get3A_1264 = tpu.vector_load %arg8[%get3A_1262, %get3A_1263] {strides = array<i32>} : memref<100x32xf32, #tpu.memory_space<vmem>>, vector<1x16xf32>,
      %get3A_1265 = vector.shape_cast %get3A_1264 : vector<1x16xf32> to vector<16xf32>
      %add3A_1266 = arith.addf %broadcast_in_dim3A_1245, %get3A_1265 : vector<16xf32>
      %mul3A_1267 = arith.constant 2 : i32
      %mul3A_1268 = arith.muli %mul3A_1267, %add3A_1243 : i32
      %add3A_1269 = arith.constant 0 : i32
      %add3A_1270 = arith.addi %mul3A_1268, %add3A_1269 : i32
      %swap3A_1271 = arith.index_cast %add3A_1270 : i32 to index
      %swap3A_1272 = arith.constant 16 : index
      %swap3A_1273 = tpu.vector_load %arg22[%swap3A_1271, %swap3A_1272] {strides = array<i32>} : memref<128x32xf32, #tpu.memory_space<vmem>>, vector<1x16xf32>,
      %swap3A_1274 = vector.shape_cast %swap3A_1273 : vector<1x16xf32> to vector<16xf32>
      %swap3A_1275 = vector.shape_cast %add3A_1266 : vector<16xf32> to vector<1x16xf32>
      tpu.vector_store %arg22[%swap3A_1271, %swap3A_1272], %swap3A_1275 {strides = array<i32>} : memref<128x32xf32, #tpu.memory_space<vmem>>, vector<1x16xf32>,
      %broadcast_in_dim3A_1276 = arith.constant 0.000000e+00 : f32
      %broadcast_in_dim3A_1277 = vector.broadcast %broadcast_in_dim3A_1276 : f32 to vector<16xf32>
      %get3A_1278 = arith.constant 50 : i32
      %get3A_1279 = arith.index_cast %get3A_1278 : i32 to index
      %get3A_1280 = arith.constant 0 : index
      %get3A_1281 = tpu.vector_load %arg8[%get3A_1279, %get3A_1280] {strides = array<i32>} : memref<100x32xf32, #tpu.memory_space<vmem>>, vector<1x16xf32>,
      %get3A_1282 = vector.shape_cast %get3A_1281 : vector<1x16xf32> to vector<16xf32>
      %add3A_1283 = arith.addf %broadcast_in_dim3A_1277, %get3A_1282 : vector<16xf32>
      %mul3A_1284 = arith.constant 2 : i32
      %mul3A_1285 = arith.muli %mul3A_1284, %add3A_1243 : i32
      %add3A_1286 = arith.constant 1 : i32
      %add3A_1287 = arith.addi %mul3A_1285, %add3A_1286 : i32
      %swap3A_1288 = arith.index_cast %add3A_1287 : i32 to index
      %swap3A_1289 = arith.constant 0 : index
      %swap3A_1290 = tpu.vector_load %arg22[%swap3A_1288, %swap3A_1289] {strides = array<i32>} : memref<128x32xf32, #tpu.memory_space<vmem>>, vector<1x16xf32>,
      %swap3A_1291 = vector.shape_cast %swap3A_1290 : vector<1x16xf32> to vector<16xf32>
      %swap3A_1292 = vector.shape_cast %add3A_1283 : vector<16xf32> to vector<1x16xf32>
      tpu.vector_store %arg22[%swap3A_1288, %swap3A_1289], %swap3A_1292 {strides = array<i32>} : memref<128x32xf32, #tpu.memory_space<vmem>>, vector<1x16xf32>,
      %get3A_1293 = arith.constant 50 : i32
      %get3A_1294 = arith.index_cast %get3A_1293 : i32 to index
      %get3A_1295 = arith.constant 16 : index
      %get3A_1296 = tpu.vector_load %arg8[%get3A_1294, %get3A_1295] {strides = array<i32>} : memref<100x32xf32, #tpu.memory_space<vmem>>, vector<1x16xf32>,
      %get3A_1297 = vector.shape_cast %get3A_1296 : vector<1x16xf32> to vector<16xf32>
      %add3A_1298 = arith.addf %broadcast_in_dim3A_1277, %get3A_1297 : vector<16xf32>
      %mul3A_1299 = arith.constant 2 : i32
      %mul3A_1300 = arith.muli %mul3A_1299, %add3A_1243 : i32
      %add3A_1301 = arith.constant 1 : i32
      %add3A_1302 = arith.addi %mul3A_1300, %add3A_1301 : i32
      %swap3A_1303 = arith.index_cast %add3A_1302 : i32 to index
      %swap3A_1304 = arith.constant 16 : index
      %swap3A_1305 = tpu.vector_load %arg22[%swap3A_1303, %swap3A_1304] {strides = array<i32>} : memref<128x32xf32, #tpu.memory_space<vmem>>, vector<1x16xf32>,
      %swap3A_1306 = vector.shape_cast %swap3A_1305 : vector<1x16xf32> to vector<16xf32>
      %swap3A_1307 = vector.shape_cast %add3A_1298 : vector<16xf32> to vector<1x16xf32>
      tpu.vector_store %arg22[%swap3A_1303, %swap3A_1304], %swap3A_1307 {strides = array<i32>} : memref<128x32xf32, #tpu.memory_space<vmem>>, vector<1x16xf32>,
      %add3A_1308 = arith.constant 2 : i32
      %add3A_1309 = arith.addi %mul3A_1065, %add3A_1308 : i32
      %add3A_1310 = arith.constant 16 : i32
      %add3A_1311 = arith.addi %add3A_1309, %add3A_1310 : i32
      %dma_start3A_1312 = arith.constant 0 : i32
      %dma_start3A_1313 = tpu.memref_slice %arg5[%add3A_1311, %dma_start3A_1312] : memref<64x100xi32, #tpu.memory_space<vmem>> -> memref<1x100xi32, #tpu.memory_space<vmem>>
      %dma_start3A_1314 = tpu.memref_squeeze %dma_start3A_1313 : memref<1x100xi32, #tpu.memory_space<vmem>> -> memref<100xi32, #tpu.memory_space<vmem>>
      %dma_start3A_1315 = arith.constant 0 : i32
      %dma_start3A_1316 = arith.constant 0 : i32
      %dma_start3A_1317 = tpu.memref_slice %arg3[%dma_start3A_1315, %dma_start3A_1316] : memref<1000000x32xf32, #tpu.memory_space<hbm>> -> memref<1000000x32xf32, #tpu.memory_space<hbm>>
      tpu.enqueue_indirect_dma source(%dma_start3A_1317 : memref<1000000x32xf32, #tpu.memory_space<hbm>>) target(%arg8 : memref<100x32xf32, #tpu.memory_space<vmem>>) offsets(%dma_start3A_1314 : memref<100xi32, #tpu.memory_space<vmem>>) semaphore(%arg25 : memref<!tpu.dma_semaphore, #tpu.memory_space<semaphore_mem>>)
      %add3A_1318 = arith.constant 3 : i32
      %add3A_1319 = arith.addi %mul3A_1065, %add3A_1318 : i32
      %dma_wait3A_1320 = arith.constant 0 : i32
      %dma_wait3A_1321 = tpu.memref_slice %arg5[%add3A_1319, %dma_wait3A_1320] : memref<64x100xi32, #tpu.memory_space<vmem>> -> memref<1x100xi32, #tpu.memory_space<vmem>>
      %dma_wait3A_1322 = tpu.memref_squeeze %dma_wait3A_1321 : memref<1x100xi32, #tpu.memory_space<vmem>> -> memref<100xi32, #tpu.memory_space<vmem>>
      %dma_wait3A_1323 = arith.constant 0 : i32
      %dma_wait3A_1324 = arith.constant 0 : i32
      %dma_wait3A_1325 = tpu.memref_slice %arg3[%dma_wait3A_1323, %dma_wait3A_1324] : memref<1000000x32xf32, #tpu.memory_space<hbm>> -> memref<1000000x32xf32, #tpu.memory_space<hbm>>
      tpu.wait_indirect_dma semaphore(%arg26 : memref<!tpu.dma_semaphore, #tpu.memory_space<semaphore_mem>>) src(%dma_wait3A_1325 : memref<1000000x32xf32, #tpu.memory_space<hbm>>) dst(%arg9 : memref<100x32xf32, #tpu.memory_space<vmem>>)
      %add3A_1326 = arith.constant 3 : i32
      %add3A_1327 = arith.addi %mul3A_1065, %add3A_1326 : i32
      %broadcast_in_dim3A_1328 = arith.constant 0.000000e+00 : f32
      %broadcast_in_dim3A_1329 = vector.broadcast %broadcast_in_dim3A_1328 : f32 to vector<16xf32>
      %get3A_1330 = arith.constant 0 : i32
      %get3A_1331 = arith.index_cast %get3A_1330 : i32 to index
      %get3A_1332 = arith.constant 0 : index
      %get3A_1333 = tpu.vector_load %arg9[%get3A_1331, %get3A_1332] {strides = array<i32>} : memref<100x32xf32, #tpu.memory_space<vmem>>, vector<1x16xf32>,
      %get3A_1334 = vector.shape_cast %get3A_1333 : vector<1x16xf32> to vector<16xf32>
      %add3A_1335 = arith.addf %broadcast_in_dim3A_1329, %get3A_1334 : vector<16xf32>
      %mul3A_1336 = arith.constant 2 : i32
      %mul3A_1337 = arith.muli %mul3A_1336, %add3A_1327 : i32
      %add3A_1338 = arith.constant 0 : i32
      %add3A_1339 = arith.addi %mul3A_1337, %add3A_1338 : i32
      %swap3A_1340 = arith.index_cast %add3A_1339 : i32 to index
      %swap3A_1341 = arith.constant 0 : index
      %swap3A_1342 = tpu.vector_load %arg22[%swap3A_1340, %swap3A_1341] {strides = array<i32>} : memref<128x32xf32, #tpu.memory_space<vmem>>, vector<1x16xf32>,
      %swap3A_1343 = vector.shape_cast %swap3A_1342 : vector<1x16xf32> to vector<16xf32>
      %swap3A_1344 = vector.shape_cast %add3A_1335 : vector<16xf32> to vector<1x16xf32>
      tpu.vector_store %arg22[%swap3A_1340, %swap3A_1341], %swap3A_1344 {strides = array<i32>} : memref<128x32xf32, #tpu.memory_space<vmem>>, vector<1x16xf32>,
      %get3A_1345 = arith.constant 0 : i32
      %get3A_1346 = arith.index_cast %get3A_1345 : i32 to index
      %get3A_1347 = arith.constant 16 : index
      %get3A_1348 = tpu.vector_load %arg9[%get3A_1346, %get3A_1347] {strides = array<i32>} : memref<100x32xf32, #tpu.memory_space<vmem>>, vector<1x16xf32>,
      %get3A_1349 = vector.shape_cast %get3A_1348 : vector<1x16xf32> to vector<16xf32>
      %add3A_1350 = arith.addf %broadcast_in_dim3A_1329, %get3A_1349 : vector<16xf32>
      %mul3A_1351 = arith.constant 2 : i32
      %mul3A_1352 = arith.muli %mul3A_1351, %add3A_1327 : i32
      %add3A_1353 = arith.constant 0 : i32
      %add3A_1354 = arith.addi %mul3A_1352, %add3A_1353 : i32
      %swap3A_1355 = arith.index_cast %add3A_1354 : i32 to index
      %swap3A_1356 = arith.constant 16 : index
      %swap3A_1357 = tpu.vector_load %arg22[%swap3A_1355, %swap3A_1356] {strides = array<i32>} : memref<128x32xf32, #tpu.memory_space<vmem>>, vector<1x16xf32>,
      %swap3A_1358 = vector.shape_cast %swap3A_1357 : vector<1x16xf32> to vector<16xf32>
      %swap3A_1359 = vector.shape_cast %add3A_1350 : vector<16xf32> to vector<1x16xf32>
      tpu.vector_store %arg22[%swap3A_1355, %swap3A_1356], %swap3A_1359 {strides = array<i32>} : memref<128x32xf32, #tpu.memory_space<vmem>>, vector<1x16xf32>,
      %broadcast_in_dim3A_1360 = arith.constant 0.000000e+00 : f32
      %broadcast_in_dim3A_1361 = vector.broadcast %broadcast_in_dim3A_1360 : f32 to vector<16xf32>
      %get3A_1362 = arith.constant 50 : i32
      %get3A_1363 = arith.index_cast %get3A_1362 : i32 to index
      %get3A_1364 = arith.constant 0 : index
      %get3A_1365 = tpu.vector_load %arg9[%get3A_1363, %get3A_1364] {strides = array<i32>} : memref<100x32xf32, #tpu.memory_space<vmem>>, vector<1x16xf32>,
      %get3A_1366 = vector.shape_cast %get3A_1365 : vector<1x16xf32> to vector<16xf32>
      %add3A_1367 = arith.addf %broadcast_in_dim3A_1361, %get3A_1366 : vector<16xf32>
      %mul3A_1368 = arith.constant 2 : i32
      %mul3A_1369 = arith.muli %mul3A_1368, %add3A_1327 : i32
      %add3A_1370 = arith.constant 1 : i32
      %add3A_1371 = arith.addi %mul3A_1369, %add3A_1370 : i32
      %swap3A_1372 = arith.index_cast %add3A_1371 : i32 to index
      %swap3A_1373 = arith.constant 0 : index
      %swap3A_1374 = tpu.vector_load %arg22[%swap3A_1372, %swap3A_1373] {strides = array<i32>} : memref<128x32xf32, #tpu.memory_space<vmem>>, vector<1x16xf32>,
      %swap3A_1375 = vector.shape_cast %swap3A_1374 : vector<1x16xf32> to vector<16xf32>
      %swap3A_1376 = vector.shape_cast %add3A_1367 : vector<16xf32> to vector<1x16xf32>
      tpu.vector_store %arg22[%swap3A_1372, %swap3A_1373], %swap3A_1376 {strides = array<i32>} : memref<128x32xf32, #tpu.memory_space<vmem>>, vector<1x16xf32>,
      %get3A_1377 = arith.constant 50 : i32
      %get3A_1378 = arith.index_cast %get3A_1377 : i32 to index
      %get3A_1379 = arith.constant 16 : index
      %get3A_1380 = tpu.vector_load %arg9[%get3A_1378, %get3A_1379] {strides = array<i32>} : memref<100x32xf32, #tpu.memory_space<vmem>>, vector<1x16xf32>,
      %get3A_1381 = vector.shape_cast %get3A_1380 : vector<1x16xf32> to vector<16xf32>
      %add3A_1382 = arith.addf %broadcast_in_dim3A_1361, %get3A_1381 : vector<16xf32>
      %mul3A_1383 = arith.constant 2 : i32
      %mul3A_1384 = arith.muli %mul3A_1383, %add3A_1327 : i32
      %add3A_1385 = arith.constant 1 : i32
      %add3A_1386 = arith.addi %mul3A_1384, %add3A_1385 : i32
      %swap3A_1387 = arith.index_cast %add3A_1386 : i32 to index
      %swap3A_1388 = arith.constant 16 : index
      %swap3A_1389 = tpu.vector_load %arg22[%swap3A_1387, %swap3A_1388] {strides = array<i32>} : memref<128x32xf32, #tpu.memory_space<vmem>>, vector<1x16xf32>,
      %swap3A_1390 = vector.shape_cast %swap3A_1389 : vector<1x16xf32> to vector<16xf32>
      %swap3A_1391 = vector.shape_cast %add3A_1382 : vector<16xf32> to vector<1x16xf32>
      tpu.vector_store %arg22[%swap3A_1387, %swap3A_1388], %swap3A_1391 {strides = array<i32>} : memref<128x32xf32, #tpu.memory_space<vmem>>, vector<1x16xf32>,
      %add3A_1392 = arith.constant 3 : i32
      %add3A_1393 = arith.addi %mul3A_1065, %add3A_1392 : i32
      %add3A_1394 = arith.constant 16 : i32
      %add3A_1395 = arith.addi %add3A_1393, %add3A_1394 : i32
      %dma_start3A_1396 = arith.constant 0 : i32
      %dma_start3A_1397 = tpu.memref_slice %arg5[%add3A_1395, %dma_start3A_1396] : memref<64x100xi32, #tpu.memory_space<vmem>> -> memref<1x100xi32, #tpu.memory_space<vmem>>
      %dma_start3A_1398 = tpu.memref_squeeze %dma_start3A_1397 : memref<1x100xi32, #tpu.memory_space<vmem>> -> memref<100xi32, #tpu.memory_space<vmem>>
      %dma_start3A_1399 = arith.constant 0 : i32
      %dma_start3A_1400 = arith.constant 0 : i32
      %dma_start3A_1401 = tpu.memref_slice %arg3[%dma_start3A_1399, %dma_start3A_1400] : memref<1000000x32xf32, #tpu.memory_space<hbm>> -> memref<1000000x32xf32, #tpu.memory_space<hbm>>
      tpu.enqueue_indirect_dma source(%dma_start3A_1401 : memref<1000000x32xf32, #tpu.memory_space<hbm>>) target(%arg9 : memref<100x32xf32, #tpu.memory_space<vmem>>) offsets(%dma_start3A_1398 : memref<100xi32, #tpu.memory_space<vmem>>) semaphore(%arg26 : memref<!tpu.dma_semaphore, #tpu.memory_space<semaphore_mem>>)
      %add3A_1402 = arith.constant 4 : i32
      %add3A_1403 = arith.addi %mul3A_1065, %add3A_1402 : i32
      %dma_wait3A_1404 = arith.constant 0 : i32
      %dma_wait3A_1405 = tpu.memref_slice %arg5[%add3A_1403, %dma_wait3A_1404] : memref<64x100xi32, #tpu.memory_space<vmem>> -> memref<1x100xi32, #tpu.memory_space<vmem>>
      %dma_wait3A_1406 = tpu.memref_squeeze %dma_wait3A_1405 : memref<1x100xi32, #tpu.memory_space<vmem>> -> memref<100xi32, #tpu.memory_space<vmem>>
      %dma_wait3A_1407 = arith.constant 0 : i32
      %dma_wait3A_1408 = arith.constant 0 : i32
      %dma_wait3A_1409 = tpu.memref_slice %arg3[%dma_wait3A_1407, %dma_wait3A_1408] : memref<1000000x32xf32, #tpu.memory_space<hbm>> -> memref<1000000x32xf32, #tpu.memory_space<hbm>>
      tpu.wait_indirect_dma semaphore(%arg27 : memref<!tpu.dma_semaphore, #tpu.memory_space<semaphore_mem>>) src(%dma_wait3A_1409 : memref<1000000x32xf32, #tpu.memory_space<hbm>>) dst(%arg10 : memref<100x32xf32, #tpu.memory_space<vmem>>)
      %add3A_1410 = arith.constant 4 : i32
      %add3A_1411 = arith.addi %mul3A_1065, %add3A_1410 : i32
      %broadcast_in_dim3A_1412 = arith.constant 0.000000e+00 : f32
      %broadcast_in_dim3A_1413 = vector.broadcast %broadcast_in_dim3A_1412 : f32 to vector<16xf32>
      %get3A_1414 = arith.constant 0 : i32
      %get3A_1415 = arith.index_cast %get3A_1414 : i32 to index
      %get3A_1416 = arith.constant 0 : index
      %get3A_1417 = tpu.vector_load %arg10[%get3A_1415, %get3A_1416] {strides = array<i32>} : memref<100x32xf32, #tpu.memory_space<vmem>>, vector<1x16xf32>,
      %get3A_1418 = vector.shape_cast %get3A_1417 : vector<1x16xf32> to vector<16xf32>
      %add3A_1419 = arith.addf %broadcast_in_dim3A_1413, %get3A_1418 : vector<16xf32>
      %mul3A_1420 = arith.constant 2 : i32
      %mul3A_1421 = arith.muli %mul3A_1420, %add3A_1411 : i32
      %add3A_1422 = arith.constant 0 : i32
      %add3A_1423 = arith.addi %mul3A_1421, %add3A_1422 : i32
      %swap3A_1424 = arith.index_cast %add3A_1423 : i32 to index
      %swap3A_1425 = arith.constant 0 : index
      %swap3A_1426 = tpu.vector_load %arg22[%swap3A_1424, %swap3A_1425] {strides = array<i32>} : memref<128x32xf32, #tpu.memory_space<vmem>>, vector<1x16xf32>,
      %swap3A_1427 = vector.shape_cast %swap3A_1426 : vector<1x16xf32> to vector<16xf32>
      %swap3A_1428 = vector.shape_cast %add3A_1419 : vector<16xf32> to vector<1x16xf32>
      tpu.vector_store %arg22[%swap3A_1424, %swap3A_1425], %swap3A_1428 {strides = array<i32>} : memref<128x32xf32, #tpu.memory_space<vmem>>, vector<1x16xf32>,
      %get3A_1429 = arith.constant 0 : i32
      %get3A_1430 = arith.index_cast %get3A_1429 : i32 to index
      %get3A_1431 = arith.constant 16 : index
      %get3A_1432 = tpu.vector_load %arg10[%get3A_1430, %get3A_1431] {strides = array<i32>} : memref<100x32xf32, #tpu.memory_space<vmem>>, vector<1x16xf32>,
      %get3A_1433 = vector.shape_cast %get3A_1432 : vector<1x16xf32> to vector<16xf32>
      %add3A_1434 = arith.addf %broadcast_in_dim3A_1413, %get3A_1433 : vector<16xf32>
      %mul3A_1435 = arith.constant 2 : i32
      %mul3A_1436 = arith.muli %mul3A_1435, %add3A_1411 : i32
      %add3A_1437 = arith.constant 0 : i32
      %add3A_1438 = arith.addi %mul3A_1436, %add3A_1437 : i32
      %swap3A_1439 = arith.index_cast %add3A_1438 : i32 to index
      %swap3A_1440 = arith.constant 16 : index
      %swap3A_1441 = tpu.vector_load %arg22[%swap3A_1439, %swap3A_1440] {strides = array<i32>} : memref<128x32xf32, #tpu.memory_space<vmem>>, vector<1x16xf32>,
      %swap3A_1442 = vector.shape_cast %swap3A_1441 : vector<1x16xf32> to vector<16xf32>
      %swap3A_1443 = vector.shape_cast %add3A_1434 : vector<16xf32> to vector<1x16xf32>
      tpu.vector_store %arg22[%swap3A_1439, %swap3A_1440], %swap3A_1443 {strides = array<i32>} : memref<128x32xf32, #tpu.memory_space<vmem>>, vector<1x16xf32>,
      %broadcast_in_dim3A_1444 = arith.constant 0.000000e+00 : f32
      %broadcast_in_dim3A_1445 = vector.broadcast %broadcast_in_dim3A_1444 : f32 to vector<16xf32>
      %get3A_1446 = arith.constant 50 : i32
      %get3A_1447 = arith.index_cast %get3A_1446 : i32 to index
      %get3A_1448 = arith.constant 0 : index
      %get3A_1449 = tpu.vector_load %arg10[%get3A_1447, %get3A_1448] {strides = array<i32>} : memref<100x32xf32, #tpu.memory_space<vmem>>, vector<1x16xf32>,
      %get3A_1450 = vector.shape_cast %get3A_1449 : vector<1x16xf32> to vector<16xf32>
      %add3A_1451 = arith.addf %broadcast_in_dim3A_1445, %get3A_1450 : vector<16xf32>
      %mul3A_1452 = arith.constant 2 : i32
      %mul3A_1453 = arith.muli %mul3A_1452, %add3A_1411 : i32
      %add3A_1454 = arith.constant 1 : i32
      %add3A_1455 = arith.addi %mul3A_1453, %add3A_1454 : i32
      %swap3A_1456 = arith.index_cast %add3A_1455 : i32 to index
      %swap3A_1457 = arith.constant 0 : index
      %swap3A_1458 = tpu.vector_load %arg22[%swap3A_1456, %swap3A_1457] {strides = array<i32>} : memref<128x32xf32, #tpu.memory_space<vmem>>, vector<1x16xf32>,
      %swap3A_1459 = vector.shape_cast %swap3A_1458 : vector<1x16xf32> to vector<16xf32>
      %swap3A_1460 = vector.shape_cast %add3A_1451 : vector<16xf32> to vector<1x16xf32>
      tpu.vector_store %arg22[%swap3A_1456, %swap3A_1457], %swap3A_1460 {strides = array<i32>} : memref<128x32xf32, #tpu.memory_space<vmem>>, vector<1x16xf32>,
      %get3A_1461 = arith.constant 50 : i32
      %get3A_1462 = arith.index_cast %get3A_1461 : i32 to index
      %get3A_1463 = arith.constant 16 : index
      %get3A_1464 = tpu.vector_load %arg10[%get3A_1462, %get3A_1463] {strides = array<i32>} : memref<100x32xf32, #tpu.memory_space<vmem>>, vector<1x16xf32>,
      %get3A_1465 = vector.shape_cast %get3A_1464 : vector<1x16xf32> to vector<16xf32>
      %add3A_1466 = arith.addf %broadcast_in_dim3A_1445, %get3A_1465 : vector<16xf32>
      %mul3A_1467 = arith.constant 2 : i32
      %mul3A_1468 = arith.muli %mul3A_1467, %add3A_1411 : i32
      %add3A_1469 = arith.constant 1 : i32
      %add3A_1470 = arith.addi %mul3A_1468, %add3A_1469 : i32
      %swap3A_1471 = arith.index_cast %add3A_1470 : i32 to index
      %swap3A_1472 = arith.constant 16 : index
      %swap3A_1473 = tpu.vector_load %arg22[%swap3A_1471, %swap3A_1472] {strides = array<i32>} : memref<128x32xf32, #tpu.memory_space<vmem>>, vector<1x16xf32>,
      %swap3A_1474 = vector.shape_cast %swap3A_1473 : vector<1x16xf32> to vector<16xf32>
      %swap3A_1475 = vector.shape_cast %add3A_1466 : vector<16xf32> to vector<1x16xf32>
      tpu.vector_store %arg22[%swap3A_1471, %swap3A_1472], %swap3A_1475 {strides = array<i32>} : memref<128x32xf32, #tpu.memory_space<vmem>>, vector<1x16xf32>,
      %add3A_1476 = arith.constant 4 : i32
      %add3A_1477 = arith.addi %mul3A_1065, %add3A_1476 : i32
      %add3A_1478 = arith.constant 16 : i32
      %add3A_1479 = arith.addi %add3A_1477, %add3A_1478 : i32
      %dma_start3A_1480 = arith.constant 0 : i32
      %dma_start3A_1481 = tpu.memref_slice %arg5[%add3A_1479, %dma_start3A_1480] : memref<64x100xi32, #tpu.memory_space<vmem>> -> memref<1x100xi32, #tpu.memory_space<vmem>>
      %dma_start3A_1482 = tpu.memref_squeeze %dma_start3A_1481 : memref<1x100xi32, #tpu.memory_space<vmem>> -> memref<100xi32, #tpu.memory_space<vmem>>
      %dma_start3A_1483 = arith.constant 0 : i32
      %dma_start3A_1484 = arith.constant 0 : i32
      %dma_start3A_1485 = tpu.memref_slice %arg3[%dma_start3A_1483, %dma_start3A_1484] : memref<1000000x32xf32, #tpu.memory_space<hbm>> -> memref<1000000x32xf32, #tpu.memory_space<hbm>>
      tpu.enqueue_indirect_dma source(%dma_start3A_1485 : memref<1000000x32xf32, #tpu.memory_space<hbm>>) target(%arg10 : memref<100x32xf32, #tpu.memory_space<vmem>>) offsets(%dma_start3A_1482 : memref<100xi32, #tpu.memory_space<vmem>>) semaphore(%arg27 : memref<!tpu.dma_semaphore, #tpu.memory_space<semaphore_mem>>)
      %add3A_1486 = arith.constant 5 : i32
      %add3A_1487 = arith.addi %mul3A_1065, %add3A_1486 : i32
      %dma_wait3A_1488 = arith.constant 0 : i32
      %dma_wait3A_1489 = tpu.memref_slice %arg5[%add3A_1487, %dma_wait3A_1488] : memref<64x100xi32, #tpu.memory_space<vmem>> -> memref<1x100xi32, #tpu.memory_space<vmem>>
      %dma_wait3A_1490 = tpu.memref_squeeze %dma_wait3A_1489 : memref<1x100xi32, #tpu.memory_space<vmem>> -> memref<100xi32, #tpu.memory_space<vmem>>
      %dma_wait3A_1491 = arith.constant 0 : i32
      %dma_wait3A_1492 = arith.constant 0 : i32
      %dma_wait3A_1493 = tpu.memref_slice %arg3[%dma_wait3A_1491, %dma_wait3A_1492] : memref<1000000x32xf32, #tpu.memory_space<hbm>> -> memref<1000000x32xf32, #tpu.memory_space<hbm>>
      tpu.wait_indirect_dma semaphore(%arg28 : memref<!tpu.dma_semaphore, #tpu.memory_space<semaphore_mem>>) src(%dma_wait3A_1493 : memref<1000000x32xf32, #tpu.memory_space<hbm>>) dst(%arg11 : memref<100x32xf32, #tpu.memory_space<vmem>>)
      %add3A_1494 = arith.constant 5 : i32
      %add3A_1495 = arith.addi %mul3A_1065, %add3A_1494 : i32
      %broadcast_in_dim3A_1496 = arith.constant 0.000000e+00 : f32
      %broadcast_in_dim3A_1497 = vector.broadcast %broadcast_in_dim3A_1496 : f32 to vector<16xf32>
      %get3A_1498 = arith.constant 0 : i32
      %get3A_1499 = arith.index_cast %get3A_1498 : i32 to index
      %get3A_1500 = arith.constant 0 : index
      %get3A_1501 = tpu.vector_load %arg11[%get3A_1499, %get3A_1500] {strides = array<i32>} : memref<100x32xf32, #tpu.memory_space<vmem>>, vector<1x16xf32>,
      %get3A_1502 = vector.shape_cast %get3A_1501 : vector<1x16xf32> to vector<16xf32>
      %add3A_1503 = arith.addf %broadcast_in_dim3A_1497, %get3A_1502 : vector<16xf32>
      %mul3A_1504 = arith.constant 2 : i32
      %mul3A_1505 = arith.muli %mul3A_1504, %add3A_1495 : i32
      %add3A_1506 = arith.constant 0 : i32
      %add3A_1507 = arith.addi %mul3A_1505, %add3A_1506 : i32
      %swap3A_1508 = arith.index_cast %add3A_1507 : i32 to index
      %swap3A_1509 = arith.constant 0 : index
      %swap3A_1510 = tpu.vector_load %arg22[%swap3A_1508, %swap3A_1509] {strides = array<i32>} : memref<128x32xf32, #tpu.memory_space<vmem>>, vector<1x16xf32>,
      %swap3A_1511 = vector.shape_cast %swap3A_1510 : vector<1x16xf32> to vector<16xf32>
      %swap3A_1512 = vector.shape_cast %add3A_1503 : vector<16xf32> to vector<1x16xf32>
      tpu.vector_store %arg22[%swap3A_1508, %swap3A_1509], %swap3A_1512 {strides = array<i32>} : memref<128x32xf32, #tpu.memory_space<vmem>>, vector<1x16xf32>,
      %get3A_1513 = arith.constant 0 : i32
      %get3A_1514 = arith.index_cast %get3A_1513 : i32 to index
      %get3A_1515 = arith.constant 16 : index
      %get3A_1516 = tpu.vector_load %arg11[%get3A_1514, %get3A_1515] {strides = array<i32>} : memref<100x32xf32, #tpu.memory_space<vmem>>, vector<1x16xf32>,
      %get3A_1517 = vector.shape_cast %get3A_1516 : vector<1x16xf32> to vector<16xf32>
      %add3A_1518 = arith.addf %broadcast_in_dim3A_1497, %get3A_1517 : vector<16xf32>
      %mul3A_1519 = arith.constant 2 : i32
      %mul3A_1520 = arith.muli %mul3A_1519, %add3A_1495 : i32
      %add3A_1521 = arith.constant 0 : i32
      %add3A_1522 = arith.addi %mul3A_1520, %add3A_1521 : i32
      %swap3A_1523 = arith.index_cast %add3A_1522 : i32 to index
      %swap3A_1524 = arith.constant 16 : index
      %swap3A_1525 = tpu.vector_load %arg22[%swap3A_1523, %swap3A_1524] {strides = array<i32>} : memref<128x32xf32, #tpu.memory_space<vmem>>, vector<1x16xf32>,
      %swap3A_1526 = vector.shape_cast %swap3A_1525 : vector<1x16xf32> to vector<16xf32>
      %swap3A_1527 = vector.shape_cast %add3A_1518 : vector<16xf32> to vector<1x16xf32>
      tpu.vector_store %arg22[%swap3A_1523, %swap3A_1524], %swap3A_1527 {strides = array<i32>} : memref<128x32xf32, #tpu.memory_space<vmem>>, vector<1x16xf32>,
      %broadcast_in_dim3A_1528 = arith.constant 0.000000e+00 : f32
      %broadcast_in_dim3A_1529 = vector.broadcast %broadcast_in_dim3A_1528 : f32 to vector<16xf32>
      %get3A_1530 = arith.constant 50 : i32
      %get3A_1531 = arith.index_cast %get3A_1530 : i32 to index
      %get3A_1532 = arith.constant 0 : index
      %get3A_1533 = tpu.vector_load %arg11[%get3A_1531, %get3A_1532] {strides = array<i32>} : memref<100x32xf32, #tpu.memory_space<vmem>>, vector<1x16xf32>,
      %get3A_1534 = vector.shape_cast %get3A_1533 : vector<1x16xf32> to vector<16xf32>
      %add3A_1535 = arith.addf %broadcast_in_dim3A_1529, %get3A_1534 : vector<16xf32>
      %mul3A_1536 = arith.constant 2 : i32
      %mul3A_1537 = arith.muli %mul3A_1536, %add3A_1495 : i32
      %add3A_1538 = arith.constant 1 : i32
      %add3A_1539 = arith.addi %mul3A_1537, %add3A_1538 : i32
      %swap3A_1540 = arith.index_cast %add3A_1539 : i32 to index
      %swap3A_1541 = arith.constant 0 : index
      %swap3A_1542 = tpu.vector_load %arg22[%swap3A_1540, %swap3A_1541] {strides = array<i32>} : memref<128x32xf32, #tpu.memory_space<vmem>>, vector<1x16xf32>,
      %swap3A_1543 = vector.shape_cast %swap3A_1542 : vector<1x16xf32> to vector<16xf32>
      %swap3A_1544 = vector.shape_cast %add3A_1535 : vector<16xf32> to vector<1x16xf32>
      tpu.vector_store %arg22[%swap3A_1540, %swap3A_1541], %swap3A_1544 {strides = array<i32>} : memref<128x32xf32, #tpu.memory_space<vmem>>, vector<1x16xf32>,
      %get3A_1545 = arith.constant 50 : i32
      %get3A_1546 = arith.index_cast %get3A_1545 : i32 to index
      %get3A_1547 = arith.constant 16 : index
      %get3A_1548 = tpu.vector_load %arg11[%get3A_1546, %get3A_1547] {strides = array<i32>} : memref<100x32xf32, #tpu.memory_space<vmem>>, vector<1x16xf32>,
      %get3A_1549 = vector.shape_cast %get3A_1548 : vector<1x16xf32> to vector<16xf32>
      %add3A_1550 = arith.addf %broadcast_in_dim3A_1529, %get3A_1549 : vector<16xf32>
      %mul3A_1551 = arith.constant 2 : i32
      %mul3A_1552 = arith.muli %mul3A_1551, %add3A_1495 : i32
      %add3A_1553 = arith.constant 1 : i32
      %add3A_1554 = arith.addi %mul3A_1552, %add3A_1553 : i32
      %swap3A_1555 = arith.index_cast %add3A_1554 : i32 to index
      %swap3A_1556 = arith.constant 16 : index
      %swap3A_1557 = tpu.vector_load %arg22[%swap3A_1555, %swap3A_1556] {strides = array<i32>} : memref<128x32xf32, #tpu.memory_space<vmem>>, vector<1x16xf32>,
      %swap3A_1558 = vector.shape_cast %swap3A_1557 : vector<1x16xf32> to vector<16xf32>
      %swap3A_1559 = vector.shape_cast %add3A_1550 : vector<16xf32> to vector<1x16xf32>
      tpu.vector_store %arg22[%swap3A_1555, %swap3A_1556], %swap3A_1559 {strides = array<i32>} : memref<128x32xf32, #tpu.memory_space<vmem>>, vector<1x16xf32>,
      %add3A_1560 = arith.constant 5 : i32
      %add3A_1561 = arith.addi %mul3A_1065, %add3A_1560 : i32
      %add3A_1562 = arith.constant 16 : i32
      %add3A_1563 = arith.addi %add3A_1561, %add3A_1562 : i32
      %dma_start3A_1564 = arith.constant 0 : i32
      %dma_start3A_1565 = tpu.memref_slice %arg5[%add3A_1563, %dma_start3A_1564] : memref<64x100xi32, #tpu.memory_space<vmem>> -> memref<1x100xi32, #tpu.memory_space<vmem>>
      %dma_start3A_1566 = tpu.memref_squeeze %dma_start3A_1565 : memref<1x100xi32, #tpu.memory_space<vmem>> -> memref<100xi32, #tpu.memory_space<vmem>>
      %dma_start3A_1567 = arith.constant 0 : i32
      %dma_start3A_1568 = arith.constant 0 : i32
      %dma_start3A_1569 = tpu.memref_slice %arg3[%dma_start3A_1567, %dma_start3A_1568] : memref<1000000x32xf32, #tpu.memory_space<hbm>> -> memref<1000000x32xf32, #tpu.memory_space<hbm>>
      tpu.enqueue_indirect_dma source(%dma_start3A_1569 : memref<1000000x32xf32, #tpu.memory_space<hbm>>) target(%arg11 : memref<100x32xf32, #tpu.memory_space<vmem>>) offsets(%dma_start3A_1566 : memref<100xi32, #tpu.memory_space<vmem>>) semaphore(%arg28 : memref<!tpu.dma_semaphore, #tpu.memory_space<semaphore_mem>>)
      %add3A_1570 = arith.constant 6 : i32
      %add3A_1571 = arith.addi %mul3A_1065, %add3A_1570 : i32
      %dma_wait3A_1572 = arith.constant 0 : i32
      %dma_wait3A_1573 = tpu.memref_slice %arg5[%add3A_1571, %dma_wait3A_1572] : memref<64x100xi32, #tpu.memory_space<vmem>> -> memref<1x100xi32, #tpu.memory_space<vmem>>
      %dma_wait3A_1574 = tpu.memref_squeeze %dma_wait3A_1573 : memref<1x100xi32, #tpu.memory_space<vmem>> -> memref<100xi32, #tpu.memory_space<vmem>>
      %dma_wait3A_1575 = arith.constant 0 : i32
      %dma_wait3A_1576 = arith.constant 0 : i32
      %dma_wait3A_1577 = tpu.memref_slice %arg3[%dma_wait3A_1575, %dma_wait3A_1576] : memref<1000000x32xf32, #tpu.memory_space<hbm>> -> memref<1000000x32xf32, #tpu.memory_space<hbm>>
      tpu.wait_indirect_dma semaphore(%arg29 : memref<!tpu.dma_semaphore, #tpu.memory_space<semaphore_mem>>) src(%dma_wait3A_1577 : memref<1000000x32xf32, #tpu.memory_space<hbm>>) dst(%arg12 : memref<100x32xf32, #tpu.memory_space<vmem>>)
      %add3A_1578 = arith.constant 6 : i32
      %add3A_1579 = arith.addi %mul3A_1065, %add3A_1578 : i32
      %broadcast_in_dim3A_1580 = arith.constant 0.000000e+00 : f32
      %broadcast_in_dim3A_1581 = vector.broadcast %broadcast_in_dim3A_1580 : f32 to vector<16xf32>
      %get3A_1582 = arith.constant 0 : i32
      %get3A_1583 = arith.index_cast %get3A_1582 : i32 to index
      %get3A_1584 = arith.constant 0 : index
      %get3A_1585 = tpu.vector_load %arg12[%get3A_1583, %get3A_1584] {strides = array<i32>} : memref<100x32xf32, #tpu.memory_space<vmem>>, vector<1x16xf32>,
      %get3A_1586 = vector.shape_cast %get3A_1585 : vector<1x16xf32> to vector<16xf32>
      %add3A_1587 = arith.addf %broadcast_in_dim3A_1581, %get3A_1586 : vector<16xf32>
      %mul3A_1588 = arith.constant 2 : i32
      %mul3A_1589 = arith.muli %mul3A_1588, %add3A_1579 : i32
      %add3A_1590 = arith.constant 0 : i32
      %add3A_1591 = arith.addi %mul3A_1589, %add3A_1590 : i32
      %swap3A_1592 = arith.index_cast %add3A_1591 : i32 to index
      %swap3A_1593 = arith.constant 0 : index
      %swap3A_1594 = tpu.vector_load %arg22[%swap3A_1592, %swap3A_1593] {strides = array<i32>} : memref<128x32xf32, #tpu.memory_space<vmem>>, vector<1x16xf32>,
      %swap3A_1595 = vector.shape_cast %swap3A_1594 : vector<1x16xf32> to vector<16xf32>
      %swap3A_1596 = vector.shape_cast %add3A_1587 : vector<16xf32> to vector<1x16xf32>
      tpu.vector_store %arg22[%swap3A_1592, %swap3A_1593], %swap3A_1596 {strides = array<i32>} : memref<128x32xf32, #tpu.memory_space<vmem>>, vector<1x16xf32>,
      %get3A_1597 = arith.constant 0 : i32
      %get3A_1598 = arith.index_cast %get3A_1597 : i32 to index
      %get3A_1599 = arith.constant 16 : index
      %get3A_1600 = tpu.vector_load %arg12[%get3A_1598, %get3A_1599] {strides = array<i32>} : memref<100x32xf32, #tpu.memory_space<vmem>>, vector<1x16xf32>,
      %get3A_1601 = vector.shape_cast %get3A_1600 : vector<1x16xf32> to vector<16xf32>
      %add3A_1602 = arith.addf %broadcast_in_dim3A_1581, %get3A_1601 : vector<16xf32>
      %mul3A_1603 = arith.constant 2 : i32
      %mul3A_1604 = arith.muli %mul3A_1603, %add3A_1579 : i32
      %add3A_1605 = arith.constant 0 : i32
      %add3A_1606 = arith.addi %mul3A_1604, %add3A_1605 : i32
      %swap3A_1607 = arith.index_cast %add3A_1606 : i32 to index
      %swap3A_1608 = arith.constant 16 : index
      %swap3A_1609 = tpu.vector_load %arg22[%swap3A_1607, %swap3A_1608] {strides = array<i32>} : memref<128x32xf32, #tpu.memory_space<vmem>>, vector<1x16xf32>,
      %swap3A_1610 = vector.shape_cast %swap3A_1609 : vector<1x16xf32> to vector<16xf32>
      %swap3A_1611 = vector.shape_cast %add3A_1602 : vector<16xf32> to vector<1x16xf32>
      tpu.vector_store %arg22[%swap3A_1607, %swap3A_1608], %swap3A_1611 {strides = array<i32>} : memref<128x32xf32, #tpu.memory_space<vmem>>, vector<1x16xf32>,
      %broadcast_in_dim3A_1612 = arith.constant 0.000000e+00 : f32
      %broadcast_in_dim3A_1613 = vector.broadcast %broadcast_in_dim3A_1612 : f32 to vector<16xf32>
      %get3A_1614 = arith.constant 50 : i32
      %get3A_1615 = arith.index_cast %get3A_1614 : i32 to index
      %get3A_1616 = arith.constant 0 : index
      %get3A_1617 = tpu.vector_load %arg12[%get3A_1615, %get3A_1616] {strides = array<i32>} : memref<100x32xf32, #tpu.memory_space<vmem>>, vector<1x16xf32>,
      %get3A_1618 = vector.shape_cast %get3A_1617 : vector<1x16xf32> to vector<16xf32>
      %add3A_1619 = arith.addf %broadcast_in_dim3A_1613, %get3A_1618 : vector<16xf32>
      %mul3A_1620 = arith.constant 2 : i32
      %mul3A_1621 = arith.muli %mul3A_1620, %add3A_1579 : i32
      %add3A_1622 = arith.constant 1 : i32
      %add3A_1623 = arith.addi %mul3A_1621, %add3A_1622 : i32
      %swap3A_1624 = arith.index_cast %add3A_1623 : i32 to index
      %swap3A_1625 = arith.constant 0 : index
      %swap3A_1626 = tpu.vector_load %arg22[%swap3A_1624, %swap3A_1625] {strides = array<i32>} : memref<128x32xf32, #tpu.memory_space<vmem>>, vector<1x16xf32>,
      %swap3A_1627 = vector.shape_cast %swap3A_1626 : vector<1x16xf32> to vector<16xf32>
      %swap3A_1628 = vector.shape_cast %add3A_1619 : vector<16xf32> to vector<1x16xf32>
      tpu.vector_store %arg22[%swap3A_1624, %swap3A_1625], %swap3A_1628 {strides = array<i32>} : memref<128x32xf32, #tpu.memory_space<vmem>>, vector<1x16xf32>,
      %get3A_1629 = arith.constant 50 : i32
      %get3A_1630 = arith.index_cast %get3A_1629 : i32 to index
      %get3A_1631 = arith.constant 16 : index
      %get3A_1632 = tpu.vector_load %arg12[%get3A_1630, %get3A_1631] {strides = array<i32>} : memref<100x32xf32, #tpu.memory_space<vmem>>, vector<1x16xf32>,
      %get3A_1633 = vector.shape_cast %get3A_1632 : vector<1x16xf32> to vector<16xf32>
      %add3A_1634 = arith.addf %broadcast_in_dim3A_1613, %get3A_1633 : vector<16xf32>
      %mul3A_1635 = arith.constant 2 : i32
      %mul3A_1636 = arith.muli %mul3A_1635, %add3A_1579 : i32
      %add3A_1637 = arith.constant 1 : i32
      %add3A_1638 = arith.addi %mul3A_1636, %add3A_1637 : i32
      %swap3A_1639 = arith.index_cast %add3A_1638 : i32 to index
      %swap3A_1640 = arith.constant 16 : index
      %swap3A_1641 = tpu.vector_load %arg22[%swap3A_1639, %swap3A_1640] {strides = array<i32>} : memref<128x32xf32, #tpu.memory_space<vmem>>, vector<1x16xf32>,
      %swap3A_1642 = vector.shape_cast %swap3A_1641 : vector<1x16xf32> to vector<16xf32>
      %swap3A_1643 = vector.shape_cast %add3A_1634 : vector<16xf32> to vector<1x16xf32>
      tpu.vector_store %arg22[%swap3A_1639, %swap3A_1640], %swap3A_1643 {strides = array<i32>} : memref<128x32xf32, #tpu.memory_space<vmem>>, vector<1x16xf32>,
      %add3A_1644 = arith.constant 6 : i32
      %add3A_1645 = arith.addi %mul3A_1065, %add3A_1644 : i32
      %add3A_1646 = arith.constant 16 : i32
      %add3A_1647 = arith.addi %add3A_1645, %add3A_1646 : i32
      %dma_start3A_1648 = arith.constant 0 : i32
      %dma_start3A_1649 = tpu.memref_slice %arg5[%add3A_1647, %dma_start3A_1648] : memref<64x100xi32, #tpu.memory_space<vmem>> -> memref<1x100xi32, #tpu.memory_space<vmem>>
      %dma_start3A_1650 = tpu.memref_squeeze %dma_start3A_1649 : memref<1x100xi32, #tpu.memory_space<vmem>> -> memref<100xi32, #tpu.memory_space<vmem>>
      %dma_start3A_1651 = arith.constant 0 : i32
      %dma_start3A_1652 = arith.constant 0 : i32
      %dma_start3A_1653 = tpu.memref_slice %arg3[%dma_start3A_1651, %dma_start3A_1652] : memref<1000000x32xf32, #tpu.memory_space<hbm>> -> memref<1000000x32xf32, #tpu.memory_space<hbm>>
      tpu.enqueue_indirect_dma source(%dma_start3A_1653 : memref<1000000x32xf32, #tpu.memory_space<hbm>>) target(%arg12 : memref<100x32xf32, #tpu.memory_space<vmem>>) offsets(%dma_start3A_1650 : memref<100xi32, #tpu.memory_space<vmem>>) semaphore(%arg29 : memref<!tpu.dma_semaphore, #tpu.memory_space<semaphore_mem>>)
      %add3A_1654 = arith.constant 7 : i32
      %add3A_1655 = arith.addi %mul3A_1065, %add3A_1654 : i32
      %dma_wait3A_1656 = arith.constant 0 : i32
      %dma_wait3A_1657 = tpu.memref_slice %arg5[%add3A_1655, %dma_wait3A_1656] : memref<64x100xi32, #tpu.memory_space<vmem>> -> memref<1x100xi32, #tpu.memory_space<vmem>>
      %dma_wait3A_1658 = tpu.memref_squeeze %dma_wait3A_1657 : memref<1x100xi32, #tpu.memory_space<vmem>> -> memref<100xi32, #tpu.memory_space<vmem>>
      %dma_wait3A_1659 = arith.constant 0 : i32
      %dma_wait3A_1660 = arith.constant 0 : i32
      %dma_wait3A_1661 = tpu.memref_slice %arg3[%dma_wait3A_1659, %dma_wait3A_1660] : memref<1000000x32xf32, #tpu.memory_space<hbm>> -> memref<1000000x32xf32, #tpu.memory_space<hbm>>
      tpu.wait_indirect_dma semaphore(%arg30 : memref<!tpu.dma_semaphore, #tpu.memory_space<semaphore_mem>>) src(%dma_wait3A_1661 : memref<1000000x32xf32, #tpu.memory_space<hbm>>) dst(%arg13 : memref<100x32xf32, #tpu.memory_space<vmem>>)
      %add3A_1662 = arith.constant 7 : i32
      %add3A_1663 = arith.addi %mul3A_1065, %add3A_1662 : i32
      %broadcast_in_dim3A_1664 = arith.constant 0.000000e+00 : f32
      %broadcast_in_dim3A_1665 = vector.broadcast %broadcast_in_dim3A_1664 : f32 to vector<16xf32>
      %get3A_1666 = arith.constant 0 : i32
      %get3A_1667 = arith.index_cast %get3A_1666 : i32 to index
      %get3A_1668 = arith.constant 0 : index
      %get3A_1669 = tpu.vector_load %arg13[%get3A_1667, %get3A_1668] {strides = array<i32>} : memref<100x32xf32, #tpu.memory_space<vmem>>, vector<1x16xf32>,
      %get3A_1670 = vector.shape_cast %get3A_1669 : vector<1x16xf32> to vector<16xf32>
      %add3A_1671 = arith.addf %broadcast_in_dim3A_1665, %get3A_1670 : vector<16xf32>
      %mul3A_1672 = arith.constant 2 : i32
      %mul3A_1673 = arith.muli %mul3A_1672, %add3A_1663 : i32
      %add3A_1674 = arith.constant 0 : i32
      %add3A_1675 = arith.addi %mul3A_1673, %add3A_1674 : i32
      %swap3A_1676 = arith.index_cast %add3A_1675 : i32 to index
      %swap3A_1677 = arith.constant 0 : index
      %swap3A_1678 = tpu.vector_load %arg22[%swap3A_1676, %swap3A_1677] {strides = array<i32>} : memref<128x32xf32, #tpu.memory_space<vmem>>, vector<1x16xf32>,
      %swap3A_1679 = vector.shape_cast %swap3A_1678 : vector<1x16xf32> to vector<16xf32>
      %swap3A_1680 = vector.shape_cast %add3A_1671 : vector<16xf32> to vector<1x16xf32>
      tpu.vector_store %arg22[%swap3A_1676, %swap3A_1677], %swap3A_1680 {strides = array<i32>} : memref<128x32xf32, #tpu.memory_space<vmem>>, vector<1x16xf32>,
      %get3A_1681 = arith.constant 0 : i32
      %get3A_1682 = arith.index_cast %get3A_1681 : i32 to index
      %get3A_1683 = arith.constant 16 : index
      %get3A_1684 = tpu.vector_load %arg13[%get3A_1682, %get3A_1683] {strides = array<i32>} : memref<100x32xf32, #tpu.memory_space<vmem>>, vector<1x16xf32>,
      %get3A_1685 = vector.shape_cast %get3A_1684 : vector<1x16xf32> to vector<16xf32>
      %add3A_1686 = arith.addf %broadcast_in_dim3A_1665, %get3A_1685 : vector<16xf32>
      %mul3A_1687 = arith.constant 2 : i32
      %mul3A_1688 = arith.muli %mul3A_1687, %add3A_1663 : i32
      %add3A_1689 = arith.constant 0 : i32
      %add3A_1690 = arith.addi %mul3A_1688, %add3A_1689 : i32
      %swap3A_1691 = arith.index_cast %add3A_1690 : i32 to index
      %swap3A_1692 = arith.constant 16 : index
      %swap3A_1693 = tpu.vector_load %arg22[%swap3A_1691, %swap3A_1692] {strides = array<i32>} : memref<128x32xf32, #tpu.memory_space<vmem>>, vector<1x16xf32>,
      %swap3A_1694 = vector.shape_cast %swap3A_1693 : vector<1x16xf32> to vector<16xf32>
      %swap3A_1695 = vector.shape_cast %add3A_1686 : vector<16xf32> to vector<1x16xf32>
      tpu.vector_store %arg22[%swap3A_1691, %swap3A_1692], %swap3A_1695 {strides = array<i32>} : memref<128x32xf32, #tpu.memory_space<vmem>>, vector<1x16xf32>,
      %broadcast_in_dim3A_1696 = arith.constant 0.000000e+00 : f32
      %broadcast_in_dim3A_1697 = vector.broadcast %broadcast_in_dim3A_1696 : f32 to vector<16xf32>
      %get3A_1698 = arith.constant 50 : i32
      %get3A_1699 = arith.index_cast %get3A_1698 : i32 to index
      %get3A_1700 = arith.constant 0 : index
      %get3A_1701 = tpu.vector_load %arg13[%get3A_1699, %get3A_1700] {strides = array<i32>} : memref<100x32xf32, #tpu.memory_space<vmem>>, vector<1x16xf32>,
      %get3A_1702 = vector.shape_cast %get3A_1701 : vector<1x16xf32> to vector<16xf32>
      %add3A_1703 = arith.addf %broadcast_in_dim3A_1697, %get3A_1702 : vector<16xf32>
      %mul3A_1704 = arith.constant 2 : i32
      %mul3A_1705 = arith.muli %mul3A_1704, %add3A_1663 : i32
      %add3A_1706 = arith.constant 1 : i32
      %add3A_1707 = arith.addi %mul3A_1705, %add3A_1706 : i32
      %swap3A_1708 = arith.index_cast %add3A_1707 : i32 to index
      %swap3A_1709 = arith.constant 0 : index
      %swap3A_1710 = tpu.vector_load %arg22[%swap3A_1708, %swap3A_1709] {strides = array<i32>} : memref<128x32xf32, #tpu.memory_space<vmem>>, vector<1x16xf32>,
      %swap3A_1711 = vector.shape_cast %swap3A_1710 : vector<1x16xf32> to vector<16xf32>
      %swap3A_1712 = vector.shape_cast %add3A_1703 : vector<16xf32> to vector<1x16xf32>
      tpu.vector_store %arg22[%swap3A_1708, %swap3A_1709], %swap3A_1712 {strides = array<i32>} : memref<128x32xf32, #tpu.memory_space<vmem>>, vector<1x16xf32>,
      %get3A_1713 = arith.constant 50 : i32
      %get3A_1714 = arith.index_cast %get3A_1713 : i32 to index
      %get3A_1715 = arith.constant 16 : index
      %get3A_1716 = tpu.vector_load %arg13[%get3A_1714, %get3A_1715] {strides = array<i32>} : memref<100x32xf32, #tpu.memory_space<vmem>>, vector<1x16xf32>,
      %get3A_1717 = vector.shape_cast %get3A_1716 : vector<1x16xf32> to vector<16xf32>
      %add3A_1718 = arith.addf %broadcast_in_dim3A_1697, %get3A_1717 : vector<16xf32>
      %mul3A_1719 = arith.constant 2 : i32
      %mul3A_1720 = arith.muli %mul3A_1719, %add3A_1663 : i32
      %add3A_1721 = arith.constant 1 : i32
      %add3A_1722 = arith.addi %mul3A_1720, %add3A_1721 : i32
      %swap3A_1723 = arith.index_cast %add3A_1722 : i32 to index
      %swap3A_1724 = arith.constant 16 : index
      %swap3A_1725 = tpu.vector_load %arg22[%swap3A_1723, %swap3A_1724] {strides = array<i32>} : memref<128x32xf32, #tpu.memory_space<vmem>>, vector<1x16xf32>,
      %swap3A_1726 = vector.shape_cast %swap3A_1725 : vector<1x16xf32> to vector<16xf32>
      %swap3A_1727 = vector.shape_cast %add3A_1718 : vector<16xf32> to vector<1x16xf32>
      tpu.vector_store %arg22[%swap3A_1723, %swap3A_1724], %swap3A_1727 {strides = array<i32>} : memref<128x32xf32, #tpu.memory_space<vmem>>, vector<1x16xf32>,
      %add3A_1728 = arith.constant 7 : i32
      %add3A_1729 = arith.addi %mul3A_1065, %add3A_1728 : i32
      %add3A_1730 = arith.constant 16 : i32
      %add3A_1731 = arith.addi %add3A_1729, %add3A_1730 : i32
      %dma_start3A_1732 = arith.constant 0 : i32
      %dma_start3A_1733 = tpu.memref_slice %arg5[%add3A_1731, %dma_start3A_1732] : memref<64x100xi32, #tpu.memory_space<vmem>> -> memref<1x100xi32, #tpu.memory_space<vmem>>
      %dma_start3A_1734 = tpu.memref_squeeze %dma_start3A_1733 : memref<1x100xi32, #tpu.memory_space<vmem>> -> memref<100xi32, #tpu.memory_space<vmem>>
      %dma_start3A_1735 = arith.constant 0 : i32
      %dma_start3A_1736 = arith.constant 0 : i32
      %dma_start3A_1737 = tpu.memref_slice %arg3[%dma_start3A_1735, %dma_start3A_1736] : memref<1000000x32xf32, #tpu.memory_space<hbm>> -> memref<1000000x32xf32, #tpu.memory_space<hbm>>
      tpu.enqueue_indirect_dma source(%dma_start3A_1737 : memref<1000000x32xf32, #tpu.memory_space<hbm>>) target(%arg13 : memref<100x32xf32, #tpu.memory_space<vmem>>) offsets(%dma_start3A_1734 : memref<100xi32, #tpu.memory_space<vmem>>) semaphore(%arg30 : memref<!tpu.dma_semaphore, #tpu.memory_space<semaphore_mem>>)
      %add3A_1738 = arith.constant 8 : i32
      %add3A_1739 = arith.addi %mul3A_1065, %add3A_1738 : i32
      %dma_wait3A_1740 = arith.constant 0 : i32
      %dma_wait3A_1741 = tpu.memref_slice %arg5[%add3A_1739, %dma_wait3A_1740] : memref<64x100xi32, #tpu.memory_space<vmem>> -> memref<1x100xi32, #tpu.memory_space<vmem>>
      %dma_wait3A_1742 = tpu.memref_squeeze %dma_wait3A_1741 : memref<1x100xi32, #tpu.memory_space<vmem>> -> memref<100xi32, #tpu.memory_space<vmem>>
      %dma_wait3A_1743 = arith.constant 0 : i32
      %dma_wait3A_1744 = arith.constant 0 : i32
      %dma_wait3A_1745 = tpu.memref_slice %arg3[%dma_wait3A_1743, %dma_wait3A_1744] : memref<1000000x32xf32, #tpu.memory_space<hbm>> -> memref<1000000x32xf32, #tpu.memory_space<hbm>>
      tpu.wait_indirect_dma semaphore(%arg31 : memref<!tpu.dma_semaphore, #tpu.memory_space<semaphore_mem>>) src(%dma_wait3A_1745 : memref<1000000x32xf32, #tpu.memory_space<hbm>>) dst(%arg14 : memref<100x32xf32, #tpu.memory_space<vmem>>)
      %add3A_1746 = arith.constant 8 : i32
      %add3A_1747 = arith.addi %mul3A_1065, %add3A_1746 : i32
      %broadcast_in_dim3A_1748 = arith.constant 0.000000e+00 : f32
      %broadcast_in_dim3A_1749 = vector.broadcast %broadcast_in_dim3A_1748 : f32 to vector<16xf32>
      %get3A_1750 = arith.constant 0 : i32
      %get3A_1751 = arith.index_cast %get3A_1750 : i32 to index
      %get3A_1752 = arith.constant 0 : index
      %get3A_1753 = tpu.vector_load %arg14[%get3A_1751, %get3A_1752] {strides = array<i32>} : memref<100x32xf32, #tpu.memory_space<vmem>>, vector<1x16xf32>,
      %get3A_1754 = vector.shape_cast %get3A_1753 : vector<1x16xf32> to vector<16xf32>
      %add3A_1755 = arith.addf %broadcast_in_dim3A_1749, %get3A_1754 : vector<16xf32>
      %mul3A_1756 = arith.constant 2 : i32
      %mul3A_1757 = arith.muli %mul3A_1756, %add3A_1747 : i32
      %add3A_1758 = arith.constant 0 : i32
      %add3A_1759 = arith.addi %mul3A_1757, %add3A_1758 : i32
      %swap3A_1760 = arith.index_cast %add3A_1759 : i32 to index
      %swap3A_1761 = arith.constant 0 : index
      %swap3A_1762 = tpu.vector_load %arg22[%swap3A_1760, %swap3A_1761] {strides = array<i32>} : memref<128x32xf32, #tpu.memory_space<vmem>>, vector<1x16xf32>,
      %swap3A_1763 = vector.shape_cast %swap3A_1762 : vector<1x16xf32> to vector<16xf32>
      %swap3A_1764 = vector.shape_cast %add3A_1755 : vector<16xf32> to vector<1x16xf32>
      tpu.vector_store %arg22[%swap3A_1760, %swap3A_1761], %swap3A_1764 {strides = array<i32>} : memref<128x32xf32, #tpu.memory_space<vmem>>, vector<1x16xf32>,
      %get3A_1765 = arith.constant 0 : i32
      %get3A_1766 = arith.index_cast %get3A_1765 : i32 to index
      %get3A_1767 = arith.constant 16 : index
      %get3A_1768 = tpu.vector_load %arg14[%get3A_1766, %get3A_1767] {strides = array<i32>} : memref<100x32xf32, #tpu.memory_space<vmem>>, vector<1x16xf32>,
      %get3A_1769 = vector.shape_cast %get3A_1768 : vector<1x16xf32> to vector<16xf32>
      %add3A_1770 = arith.addf %broadcast_in_dim3A_1749, %get3A_1769 : vector<16xf32>
      %mul3A_1771 = arith.constant 2 : i32
      %mul3A_1772 = arith.muli %mul3A_1771, %add3A_1747 : i32
      %add3A_1773 = arith.constant 0 : i32
      %add3A_1774 = arith.addi %mul3A_1772, %add3A_1773 : i32
      %swap3A_1775 = arith.index_cast %add3A_1774 : i32 to index
      %swap3A_1776 = arith.constant 16 : index
      %swap3A_1777 = tpu.vector_load %arg22[%swap3A_1775, %swap3A_1776] {strides = array<i32>} : memref<128x32xf32, #tpu.memory_space<vmem>>, vector<1x16xf32>,
      %swap3A_1778 = vector.shape_cast %swap3A_1777 : vector<1x16xf32> to vector<16xf32>
      %swap3A_1779 = vector.shape_cast %add3A_1770 : vector<16xf32> to vector<1x16xf32>
      tpu.vector_store %arg22[%swap3A_1775, %swap3A_1776], %swap3A_1779 {strides = array<i32>} : memref<128x32xf32, #tpu.memory_space<vmem>>, vector<1x16xf32>,
      %broadcast_in_dim3A_1780 = arith.constant 0.000000e+00 : f32
      %broadcast_in_dim3A_1781 = vector.broadcast %broadcast_in_dim3A_1780 : f32 to vector<16xf32>
      %get3A_1782 = arith.constant 50 : i32
      %get3A_1783 = arith.index_cast %get3A_1782 : i32 to index
      %get3A_1784 = arith.constant 0 : index
      %get3A_1785 = tpu.vector_load %arg14[%get3A_1783, %get3A_1784] {strides = array<i32>} : memref<100x32xf32, #tpu.memory_space<vmem>>, vector<1x16xf32>,
      %get3A_1786 = vector.shape_cast %get3A_1785 : vector<1x16xf32> to vector<16xf32>
      %add3A_1787 = arith.addf %broadcast_in_dim3A_1781, %get3A_1786 : vector<16xf32>
      %mul3A_1788 = arith.constant 2 : i32
      %mul3A_1789 = arith.muli %mul3A_1788, %add3A_1747 : i32
      %add3A_1790 = arith.constant 1 : i32
      %add3A_1791 = arith.addi %mul3A_1789, %add3A_1790 : i32
      %swap3A_1792 = arith.index_cast %add3A_1791 : i32 to index
      %swap3A_1793 = arith.constant 0 : index
      %swap3A_1794 = tpu.vector_load %arg22[%swap3A_1792, %swap3A_1793] {strides = array<i32>} : memref<128x32xf32, #tpu.memory_space<vmem>>, vector<1x16xf32>,
      %swap3A_1795 = vector.shape_cast %swap3A_1794 : vector<1x16xf32> to vector<16xf32>
      %swap3A_1796 = vector.shape_cast %add3A_1787 : vector<16xf32> to vector<1x16xf32>
      tpu.vector_store %arg22[%swap3A_1792, %swap3A_1793], %swap3A_1796 {strides = array<i32>} : memref<128x32xf32, #tpu.memory_space<vmem>>, vector<1x16xf32>,
      %get3A_1797 = arith.constant 50 : i32
      %get3A_1798 = arith.index_cast %get3A_1797 : i32 to index
      %get3A_1799 = arith.constant 16 : index
      %get3A_1800 = tpu.vector_load %arg14[%get3A_1798, %get3A_1799] {strides = array<i32>} : memref<100x32xf32, #tpu.memory_space<vmem>>, vector<1x16xf32>,
      %get3A_1801 = vector.shape_cast %get3A_1800 : vector<1x16xf32> to vector<16xf32>
      %add3A_1802 = arith.addf %broadcast_in_dim3A_1781, %get3A_1801 : vector<16xf32>
      %mul3A_1803 = arith.constant 2 : i32
      %mul3A_1804 = arith.muli %mul3A_1803, %add3A_1747 : i32
      %add3A_1805 = arith.constant 1 : i32
      %add3A_1806 = arith.addi %mul3A_1804, %add3A_1805 : i32
      %swap3A_1807 = arith.index_cast %add3A_1806 : i32 to index
      %swap3A_1808 = arith.constant 16 : index
      %swap3A_1809 = tpu.vector_load %arg22[%swap3A_1807, %swap3A_1808] {strides = array<i32>} : memref<128x32xf32, #tpu.memory_space<vmem>>, vector<1x16xf32>,
      %swap3A_1810 = vector.shape_cast %swap3A_1809 : vector<1x16xf32> to vector<16xf32>
      %swap3A_1811 = vector.shape_cast %add3A_1802 : vector<16xf32> to vector<1x16xf32>
      tpu.vector_store %arg22[%swap3A_1807, %swap3A_1808], %swap3A_1811 {strides = array<i32>} : memref<128x32xf32, #tpu.memory_space<vmem>>, vector<1x16xf32>,
      %add3A_1812 = arith.constant 8 : i32
      %add3A_1813 = arith.addi %mul3A_1065, %add3A_1812 : i32
      %add3A_1814 = arith.constant 16 : i32
      %add3A_1815 = arith.addi %add3A_1813, %add3A_1814 : i32
      %dma_start3A_1816 = arith.constant 0 : i32
      %dma_start3A_1817 = tpu.memref_slice %arg5[%add3A_1815, %dma_start3A_1816] : memref<64x100xi32, #tpu.memory_space<vmem>> -> memref<1x100xi32, #tpu.memory_space<vmem>>
      %dma_start3A_1818 = tpu.memref_squeeze %dma_start3A_1817 : memref<1x100xi32, #tpu.memory_space<vmem>> -> memref<100xi32, #tpu.memory_space<vmem>>
      %dma_start3A_1819 = arith.constant 0 : i32
      %dma_start3A_1820 = arith.constant 0 : i32
      %dma_start3A_1821 = tpu.memref_slice %arg3[%dma_start3A_1819, %dma_start3A_1820] : memref<1000000x32xf32, #tpu.memory_space<hbm>> -> memref<1000000x32xf32, #tpu.memory_space<hbm>>
      tpu.enqueue_indirect_dma source(%dma_start3A_1821 : memref<1000000x32xf32, #tpu.memory_space<hbm>>) target(%arg14 : memref<100x32xf32, #tpu.memory_space<vmem>>) offsets(%dma_start3A_1818 : memref<100xi32, #tpu.memory_space<vmem>>) semaphore(%arg31 : memref<!tpu.dma_semaphore, #tpu.memory_space<semaphore_mem>>)
      %add3A_1822 = arith.constant 9 : i32
      %add3A_1823 = arith.addi %mul3A_1065, %add3A_1822 : i32
      %dma_wait3A_1824 = arith.constant 0 : i32
      %dma_wait3A_1825 = tpu.memref_slice %arg5[%add3A_1823, %dma_wait3A_1824] : memref<64x100xi32, #tpu.memory_space<vmem>> -> memref<1x100xi32, #tpu.memory_space<vmem>>
      %dma_wait3A_1826 = tpu.memref_squeeze %dma_wait3A_1825 : memref<1x100xi32, #tpu.memory_space<vmem>> -> memref<100xi32, #tpu.memory_space<vmem>>
      %dma_wait3A_1827 = arith.constant 0 : i32
      %dma_wait3A_1828 = arith.constant 0 : i32
      %dma_wait3A_1829 = tpu.memref_slice %arg3[%dma_wait3A_1827, %dma_wait3A_1828] : memref<1000000x32xf32, #tpu.memory_space<hbm>> -> memref<1000000x32xf32, #tpu.memory_space<hbm>>
      tpu.wait_indirect_dma semaphore(%arg32 : memref<!tpu.dma_semaphore, #tpu.memory_space<semaphore_mem>>) src(%dma_wait3A_1829 : memref<1000000x32xf32, #tpu.memory_space<hbm>>) dst(%arg15 : memref<100x32xf32, #tpu.memory_space<vmem>>)
      %add3A_1830 = arith.constant 9 : i32
      %add3A_1831 = arith.addi %mul3A_1065, %add3A_1830 : i32
      %broadcast_in_dim3A_1832 = arith.constant 0.000000e+00 : f32
      %broadcast_in_dim3A_1833 = vector.broadcast %broadcast_in_dim3A_1832 : f32 to vector<16xf32>
      %get3A_1834 = arith.constant 0 : i32
      %get3A_1835 = arith.index_cast %get3A_1834 : i32 to index
      %get3A_1836 = arith.constant 0 : index
      %get3A_1837 = tpu.vector_load %arg15[%get3A_1835, %get3A_1836] {strides = array<i32>} : memref<100x32xf32, #tpu.memory_space<vmem>>, vector<1x16xf32>,
      %get3A_1838 = vector.shape_cast %get3A_1837 : vector<1x16xf32> to vector<16xf32>
      %add3A_1839 = arith.addf %broadcast_in_dim3A_1833, %get3A_1838 : vector<16xf32>
      %mul3A_1840 = arith.constant 2 : i32
      %mul3A_1841 = arith.muli %mul3A_1840, %add3A_1831 : i32
      %add3A_1842 = arith.constant 0 : i32
      %add3A_1843 = arith.addi %mul3A_1841, %add3A_1842 : i32
      %swap3A_1844 = arith.index_cast %add3A_1843 : i32 to index
      %swap3A_1845 = arith.constant 0 : index
      %swap3A_1846 = tpu.vector_load %arg22[%swap3A_1844, %swap3A_1845] {strides = array<i32>} : memref<128x32xf32, #tpu.memory_space<vmem>>, vector<1x16xf32>,
      %swap3A_1847 = vector.shape_cast %swap3A_1846 : vector<1x16xf32> to vector<16xf32>
      %swap3A_1848 = vector.shape_cast %add3A_1839 : vector<16xf32> to vector<1x16xf32>
      tpu.vector_store %arg22[%swap3A_1844, %swap3A_1845], %swap3A_1848 {strides = array<i32>} : memref<128x32xf32, #tpu.memory_space<vmem>>, vector<1x16xf32>,
      %get3A_1849 = arith.constant 0 : i32
      %get3A_1850 = arith.index_cast %get3A_1849 : i32 to index
      %get3A_1851 = arith.constant 16 : index
      %get3A_1852 = tpu.vector_load %arg15[%get3A_1850, %get3A_1851] {strides = array<i32>} : memref<100x32xf32, #tpu.memory_space<vmem>>, vector<1x16xf32>,
      %get3A_1853 = vector.shape_cast %get3A_1852 : vector<1x16xf32> to vector<16xf32>
      %add3A_1854 = arith.addf %broadcast_in_dim3A_1833, %get3A_1853 : vector<16xf32>
      %mul3A_1855 = arith.constant 2 : i32
      %mul3A_1856 = arith.muli %mul3A_1855, %add3A_1831 : i32
      %add3A_1857 = arith.constant 0 : i32
      %add3A_1858 = arith.addi %mul3A_1856, %add3A_1857 : i32
      %swap3A_1859 = arith.index_cast %add3A_1858 : i32 to index
      %swap3A_1860 = arith.constant 16 : index
      %swap3A_1861 = tpu.vector_load %arg22[%swap3A_1859, %swap3A_1860] {strides = array<i32>} : memref<128x32xf32, #tpu.memory_space<vmem>>, vector<1x16xf32>,
      %swap3A_1862 = vector.shape_cast %swap3A_1861 : vector<1x16xf32> to vector<16xf32>
      %swap3A_1863 = vector.shape_cast %add3A_1854 : vector<16xf32> to vector<1x16xf32>
      tpu.vector_store %arg22[%swap3A_1859, %swap3A_1860], %swap3A_1863 {strides = array<i32>} : memref<128x32xf32, #tpu.memory_space<vmem>>, vector<1x16xf32>,
      %broadcast_in_dim3A_1864 = arith.constant 0.000000e+00 : f32
      %broadcast_in_dim3A_1865 = vector.broadcast %broadcast_in_dim3A_1864 : f32 to vector<16xf32>
      %get3A_1866 = arith.constant 50 : i32
      %get3A_1867 = arith.index_cast %get3A_1866 : i32 to index
      %get3A_1868 = arith.constant 0 : index
      %get3A_1869 = tpu.vector_load %arg15[%get3A_1867, %get3A_1868] {strides = array<i32>} : memref<100x32xf32, #tpu.memory_space<vmem>>, vector<1x16xf32>,
      %get3A_1870 = vector.shape_cast %get3A_1869 : vector<1x16xf32> to vector<16xf32>
      %add3A_1871 = arith.addf %broadcast_in_dim3A_1865, %get3A_1870 : vector<16xf32>
      %mul3A_1872 = arith.constant 2 : i32
      %mul3A_1873 = arith.muli %mul3A_1872, %add3A_1831 : i32
      %add3A_1874 = arith.constant 1 : i32
      %add3A_1875 = arith.addi %mul3A_1873, %add3A_1874 : i32
      %swap3A_1876 = arith.index_cast %add3A_1875 : i32 to index
      %swap3A_1877 = arith.constant 0 : index
      %swap3A_1878 = tpu.vector_load %arg22[%swap3A_1876, %swap3A_1877] {strides = array<i32>} : memref<128x32xf32, #tpu.memory_space<vmem>>, vector<1x16xf32>,
      %swap3A_1879 = vector.shape_cast %swap3A_1878 : vector<1x16xf32> to vector<16xf32>
      %swap3A_1880 = vector.shape_cast %add3A_1871 : vector<16xf32> to vector<1x16xf32>
      tpu.vector_store %arg22[%swap3A_1876, %swap3A_1877], %swap3A_1880 {strides = array<i32>} : memref<128x32xf32, #tpu.memory_space<vmem>>, vector<1x16xf32>,
      %get3A_1881 = arith.constant 50 : i32
      %get3A_1882 = arith.index_cast %get3A_1881 : i32 to index
      %get3A_1883 = arith.constant 16 : index
      %get3A_1884 = tpu.vector_load %arg15[%get3A_1882, %get3A_1883] {strides = array<i32>} : memref<100x32xf32, #tpu.memory_space<vmem>>, vector<1x16xf32>,
      %get3A_1885 = vector.shape_cast %get3A_1884 : vector<1x16xf32> to vector<16xf32>
      %add3A_1886 = arith.addf %broadcast_in_dim3A_1865, %get3A_1885 : vector<16xf32>
      %mul3A_1887 = arith.constant 2 : i32
      %mul3A_1888 = arith.muli %mul3A_1887, %add3A_1831 : i32
      %add3A_1889 = arith.constant 1 : i32
      %add3A_1890 = arith.addi %mul3A_1888, %add3A_1889 : i32
      %swap3A_1891 = arith.index_cast %add3A_1890 : i32 to index
      %swap3A_1892 = arith.constant 16 : index
      %swap3A_1893 = tpu.vector_load %arg22[%swap3A_1891, %swap3A_1892] {strides = array<i32>} : memref<128x32xf32, #tpu.memory_space<vmem>>, vector<1x16xf32>,
      %swap3A_1894 = vector.shape_cast %swap3A_1893 : vector<1x16xf32> to vector<16xf32>
      %swap3A_1895 = vector.shape_cast %add3A_1886 : vector<16xf32> to vector<1x16xf32>
      tpu.vector_store %arg22[%swap3A_1891, %swap3A_1892], %swap3A_1895 {strides = array<i32>} : memref<128x32xf32, #tpu.memory_space<vmem>>, vector<1x16xf32>,
      %add3A_1896 = arith.constant 9 : i32
      %add3A_1897 = arith.addi %mul3A_1065, %add3A_1896 : i32
      %add3A_1898 = arith.constant 16 : i32
      %add3A_1899 = arith.addi %add3A_1897, %add3A_1898 : i32
      %dma_start3A_1900 = arith.constant 0 : i32
      %dma_start3A_1901 = tpu.memref_slice %arg5[%add3A_1899, %dma_start3A_1900] : memref<64x100xi32, #tpu.memory_space<vmem>> -> memref<1x100xi32, #tpu.memory_space<vmem>>
      %dma_start3A_1902 = tpu.memref_squeeze %dma_start3A_1901 : memref<1x100xi32, #tpu.memory_space<vmem>> -> memref<100xi32, #tpu.memory_space<vmem>>
      %dma_start3A_1903 = arith.constant 0 : i32
      %dma_start3A_1904 = arith.constant 0 : i32
      %dma_start3A_1905 = tpu.memref_slice %arg3[%dma_start3A_1903, %dma_start3A_1904] : memref<1000000x32xf32, #tpu.memory_space<hbm>> -> memref<1000000x32xf32, #tpu.memory_space<hbm>>
      tpu.enqueue_indirect_dma source(%dma_start3A_1905 : memref<1000000x32xf32, #tpu.memory_space<hbm>>) target(%arg15 : memref<100x32xf32, #tpu.memory_space<vmem>>) offsets(%dma_start3A_1902 : memref<100xi32, #tpu.memory_space<vmem>>) semaphore(%arg32 : memref<!tpu.dma_semaphore, #tpu.memory_space<semaphore_mem>>)
      %add3A_1906 = arith.constant 10 : i32
      %add3A_1907 = arith.addi %mul3A_1065, %add3A_1906 : i32
      %dma_wait3A_1908 = arith.constant 0 : i32
      %dma_wait3A_1909 = tpu.memref_slice %arg5[%add3A_1907, %dma_wait3A_1908] : memref<64x100xi32, #tpu.memory_space<vmem>> -> memref<1x100xi32, #tpu.memory_space<vmem>>
      %dma_wait3A_1910 = tpu.memref_squeeze %dma_wait3A_1909 : memref<1x100xi32, #tpu.memory_space<vmem>> -> memref<100xi32, #tpu.memory_space<vmem>>
      %dma_wait3A_1911 = arith.constant 0 : i32
      %dma_wait3A_1912 = arith.constant 0 : i32
      %dma_wait3A_1913 = tpu.memref_slice %arg3[%dma_wait3A_1911, %dma_wait3A_1912] : memref<1000000x32xf32, #tpu.memory_space<hbm>> -> memref<1000000x32xf32, #tpu.memory_space<hbm>>
      tpu.wait_indirect_dma semaphore(%arg33 : memref<!tpu.dma_semaphore, #tpu.memory_space<semaphore_mem>>) src(%dma_wait3A_1913 : memref<1000000x32xf32, #tpu.memory_space<hbm>>) dst(%arg16 : memref<100x32xf32, #tpu.memory_space<vmem>>)
      %add3A_1914 = arith.constant 10 : i32
      %add3A_1915 = arith.addi %mul3A_1065, %add3A_1914 : i32
      %broadcast_in_dim3A_1916 = arith.constant 0.000000e+00 : f32
      %broadcast_in_dim3A_1917 = vector.broadcast %broadcast_in_dim3A_1916 : f32 to vector<16xf32>
      %get3A_1918 = arith.constant 0 : i32
      %get3A_1919 = arith.index_cast %get3A_1918 : i32 to index
      %get3A_1920 = arith.constant 0 : index
      %get3A_1921 = tpu.vector_load %arg16[%get3A_1919, %get3A_1920] {strides = array<i32>} : memref<100x32xf32, #tpu.memory_space<vmem>>, vector<1x16xf32>,
      %get3A_1922 = vector.shape_cast %get3A_1921 : vector<1x16xf32> to vector<16xf32>
      %add3A_1923 = arith.addf %broadcast_in_dim3A_1917, %get3A_1922 : vector<16xf32>
      %mul3A_1924 = arith.constant 2 : i32
      %mul3A_1925 = arith.muli %mul3A_1924, %add3A_1915 : i32
      %add3A_1926 = arith.constant 0 : i32
      %add3A_1927 = arith.addi %mul3A_1925, %add3A_1926 : i32
      %swap3A_1928 = arith.index_cast %add3A_1927 : i32 to index
      %swap3A_1929 = arith.constant 0 : index
      %swap3A_1930 = tpu.vector_load %arg22[%swap3A_1928, %swap3A_1929] {strides = array<i32>} : memref<128x32xf32, #tpu.memory_space<vmem>>, vector<1x16xf32>,
      %swap3A_1931 = vector.shape_cast %swap3A_1930 : vector<1x16xf32> to vector<16xf32>
      %swap3A_1932 = vector.shape_cast %add3A_1923 : vector<16xf32> to vector<1x16xf32>
      tpu.vector_store %arg22[%swap3A_1928, %swap3A_1929], %swap3A_1932 {strides = array<i32>} : memref<128x32xf32, #tpu.memory_space<vmem>>, vector<1x16xf32>,
      %get3A_1933 = arith.constant 0 : i32
      %get3A_1934 = arith.index_cast %get3A_1933 : i32 to index
      %get3A_1935 = arith.constant 16 : index
      %get3A_1936 = tpu.vector_load %arg16[%get3A_1934, %get3A_1935] {strides = array<i32>} : memref<100x32xf32, #tpu.memory_space<vmem>>, vector<1x16xf32>,
      %get3A_1937 = vector.shape_cast %get3A_1936 : vector<1x16xf32> to vector<16xf32>
      %add3A_1938 = arith.addf %broadcast_in_dim3A_1917, %get3A_1937 : vector<16xf32>
      %mul3A_1939 = arith.constant 2 : i32
      %mul3A_1940 = arith.muli %mul3A_1939, %add3A_1915 : i32
      %add3A_1941 = arith.constant 0 : i32
      %add3A_1942 = arith.addi %mul3A_1940, %add3A_1941 : i32
      %swap3A_1943 = arith.index_cast %add3A_1942 : i32 to index
      %swap3A_1944 = arith.constant 16 : index
      %swap3A_1945 = tpu.vector_load %arg22[%swap3A_1943, %swap3A_1944] {strides = array<i32>} : memref<128x32xf32, #tpu.memory_space<vmem>>, vector<1x16xf32>,
      %swap3A_1946 = vector.shape_cast %swap3A_1945 : vector<1x16xf32> to vector<16xf32>
      %swap3A_1947 = vector.shape_cast %add3A_1938 : vector<16xf32> to vector<1x16xf32>
      tpu.vector_store %arg22[%swap3A_1943, %swap3A_1944], %swap3A_1947 {strides = array<i32>} : memref<128x32xf32, #tpu.memory_space<vmem>>, vector<1x16xf32>,
      %broadcast_in_dim3A_1948 = arith.constant 0.000000e+00 : f32
      %broadcast_in_dim3A_1949 = vector.broadcast %broadcast_in_dim3A_1948 : f32 to vector<16xf32>
      %get3A_1950 = arith.constant 50 : i32
      %get3A_1951 = arith.index_cast %get3A_1950 : i32 to index
      %get3A_1952 = arith.constant 0 : index
      %get3A_1953 = tpu.vector_load %arg16[%get3A_1951, %get3A_1952] {strides = array<i32>} : memref<100x32xf32, #tpu.memory_space<vmem>>, vector<1x16xf32>,
      %get3A_1954 = vector.shape_cast %get3A_1953 : vector<1x16xf32> to vector<16xf32>
      %add3A_1955 = arith.addf %broadcast_in_dim3A_1949, %get3A_1954 : vector<16xf32>
      %mul3A_1956 = arith.constant 2 : i32
      %mul3A_1957 = arith.muli %mul3A_1956, %add3A_1915 : i32
      %add3A_1958 = arith.constant 1 : i32
      %add3A_1959 = arith.addi %mul3A_1957, %add3A_1958 : i32
      %swap3A_1960 = arith.index_cast %add3A_1959 : i32 to index
      %swap3A_1961 = arith.constant 0 : index
      %swap3A_1962 = tpu.vector_load %arg22[%swap3A_1960, %swap3A_1961] {strides = array<i32>} : memref<128x32xf32, #tpu.memory_space<vmem>>, vector<1x16xf32>,
      %swap3A_1963 = vector.shape_cast %swap3A_1962 : vector<1x16xf32> to vector<16xf32>
      %swap3A_1964 = vector.shape_cast %add3A_1955 : vector<16xf32> to vector<1x16xf32>
      tpu.vector_store %arg22[%swap3A_1960, %swap3A_1961], %swap3A_1964 {strides = array<i32>} : memref<128x32xf32, #tpu.memory_space<vmem>>, vector<1x16xf32>,
      %get3A_1965 = arith.constant 50 : i32
      %get3A_1966 = arith.index_cast %get3A_1965 : i32 to index
      %get3A_1967 = arith.constant 16 : index
      %get3A_1968 = tpu.vector_load %arg16[%get3A_1966, %get3A_1967] {strides = array<i32>} : memref<100x32xf32, #tpu.memory_space<vmem>>, vector<1x16xf32>,
      %get3A_1969 = vector.shape_cast %get3A_1968 : vector<1x16xf32> to vector<16xf32>
      %add3A_1970 = arith.addf %broadcast_in_dim3A_1949, %get3A_1969 : vector<16xf32>
      %mul3A_1971 = arith.constant 2 : i32
      %mul3A_1972 = arith.muli %mul3A_1971, %add3A_1915 : i32
      %add3A_1973 = arith.constant 1 : i32
      %add3A_1974 = arith.addi %mul3A_1972, %add3A_1973 : i32
      %swap3A_1975 = arith.index_cast %add3A_1974 : i32 to index
      %swap3A_1976 = arith.constant 16 : index
      %swap3A_1977 = tpu.vector_load %arg22[%swap3A_1975, %swap3A_1976] {strides = array<i32>} : memref<128x32xf32, #tpu.memory_space<vmem>>, vector<1x16xf32>,
      %swap3A_1978 = vector.shape_cast %swap3A_1977 : vector<1x16xf32> to vector<16xf32>
      %swap3A_1979 = vector.shape_cast %add3A_1970 : vector<16xf32> to vector<1x16xf32>
      tpu.vector_store %arg22[%swap3A_1975, %swap3A_1976], %swap3A_1979 {strides = array<i32>} : memref<128x32xf32, #tpu.memory_space<vmem>>, vector<1x16xf32>,
      %add3A_1980 = arith.constant 10 : i32
      %add3A_1981 = arith.addi %mul3A_1065, %add3A_1980 : i32
      %add3A_1982 = arith.constant 16 : i32
      %add3A_1983 = arith.addi %add3A_1981, %add3A_1982 : i32
      %dma_start3A_1984 = arith.constant 0 : i32
      %dma_start3A_1985 = tpu.memref_slice %arg5[%add3A_1983, %dma_start3A_1984] : memref<64x100xi32, #tpu.memory_space<vmem>> -> memref<1x100xi32, #tpu.memory_space<vmem>>
      %dma_start3A_1986 = tpu.memref_squeeze %dma_start3A_1985 : memref<1x100xi32, #tpu.memory_space<vmem>> -> memref<100xi32, #tpu.memory_space<vmem>>
      %dma_start3A_1987 = arith.constant 0 : i32
      %dma_start3A_1988 = arith.constant 0 : i32
      %dma_start3A_1989 = tpu.memref_slice %arg3[%dma_start3A_1987, %dma_start3A_1988] : memref<1000000x32xf32, #tpu.memory_space<hbm>> -> memref<1000000x32xf32, #tpu.memory_space<hbm>>
      tpu.enqueue_indirect_dma source(%dma_start3A_1989 : memref<1000000x32xf32, #tpu.memory_space<hbm>>) target(%arg16 : memref<100x32xf32, #tpu.memory_space<vmem>>) offsets(%dma_start3A_1986 : memref<100xi32, #tpu.memory_space<vmem>>) semaphore(%arg33 : memref<!tpu.dma_semaphore, #tpu.memory_space<semaphore_mem>>)
      %add3A_1990 = arith.constant 11 : i32
      %add3A_1991 = arith.addi %mul3A_1065, %add3A_1990 : i32
      %dma_wait3A_1992 = arith.constant 0 : i32
      %dma_wait3A_1993 = tpu.memref_slice %arg5[%add3A_1991, %dma_wait3A_1992] : memref<64x100xi32, #tpu.memory_space<vmem>> -> memref<1x100xi32, #tpu.memory_space<vmem>>
      %dma_wait3A_1994 = tpu.memref_squeeze %dma_wait3A_1993 : memref<1x100xi32, #tpu.memory_space<vmem>> -> memref<100xi32, #tpu.memory_space<vmem>>
      %dma_wait3A_1995 = arith.constant 0 : i32
      %dma_wait3A_1996 = arith.constant 0 : i32
      %dma_wait3A_1997 = tpu.memref_slice %arg3[%dma_wait3A_1995, %dma_wait3A_1996] : memref<1000000x32xf32, #tpu.memory_space<hbm>> -> memref<1000000x32xf32, #tpu.memory_space<hbm>>
      tpu.wait_indirect_dma semaphore(%arg34 : memref<!tpu.dma_semaphore, #tpu.memory_space<semaphore_mem>>) src(%dma_wait3A_1997 : memref<1000000x32xf32, #tpu.memory_space<hbm>>) dst(%arg17 : memref<100x32xf32, #tpu.memory_space<vmem>>)
      %add3A_1998 = arith.constant 11 : i32
      %add3A_1999 = arith.addi %mul3A_1065, %add3A_1998 : i32
      %broadcast_in_dim3A_2000 = arith.constant 0.000000e+00 : f32
      %broadcast_in_dim3A_2001 = vector.broadcast %broadcast_in_dim3A_2000 : f32 to vector<16xf32>
      %get3A_2002 = arith.constant 0 : i32
      %get3A_2003 = arith.index_cast %get3A_2002 : i32 to index
      %get3A_2004 = arith.constant 0 : index
      %get3A_2005 = tpu.vector_load %arg17[%get3A_2003, %get3A_2004] {strides = array<i32>} : memref<100x32xf32, #tpu.memory_space<vmem>>, vector<1x16xf32>,
      %get3A_2006 = vector.shape_cast %get3A_2005 : vector<1x16xf32> to vector<16xf32>
      %add3A_2007 = arith.addf %broadcast_in_dim3A_2001, %get3A_2006 : vector<16xf32>
      %mul3A_2008 = arith.constant 2 : i32
      %mul3A_2009 = arith.muli %mul3A_2008, %add3A_1999 : i32
      %add3A_2010 = arith.constant 0 : i32
      %add3A_2011 = arith.addi %mul3A_2009, %add3A_2010 : i32
      %swap3A_2012 = arith.index_cast %add3A_2011 : i32 to index
      %swap3A_2013 = arith.constant 0 : index
      %swap3A_2014 = tpu.vector_load %arg22[%swap3A_2012, %swap3A_2013] {strides = array<i32>} : memref<128x32xf32, #tpu.memory_space<vmem>>, vector<1x16xf32>,
      %swap3A_2015 = vector.shape_cast %swap3A_2014 : vector<1x16xf32> to vector<16xf32>
      %swap3A_2016 = vector.shape_cast %add3A_2007 : vector<16xf32> to vector<1x16xf32>
      tpu.vector_store %arg22[%swap3A_2012, %swap3A_2013], %swap3A_2016 {strides = array<i32>} : memref<128x32xf32, #tpu.memory_space<vmem>>, vector<1x16xf32>,
      %get3A_2017 = arith.constant 0 : i32
      %get3A_2018 = arith.index_cast %get3A_2017 : i32 to index
      %get3A_2019 = arith.constant 16 : index
      %get3A_2020 = tpu.vector_load %arg17[%get3A_2018, %get3A_2019] {strides = array<i32>} : memref<100x32xf32, #tpu.memory_space<vmem>>, vector<1x16xf32>,
      %get3A_2021 = vector.shape_cast %get3A_2020 : vector<1x16xf32> to vector<16xf32>
      %add3A_2022 = arith.addf %broadcast_in_dim3A_2001, %get3A_2021 : vector<16xf32>
      %mul3A_2023 = arith.constant 2 : i32
      %mul3A_2024 = arith.muli %mul3A_2023, %add3A_1999 : i32
      %add3A_2025 = arith.constant 0 : i32
      %add3A_2026 = arith.addi %mul3A_2024, %add3A_2025 : i32
      %swap3A_2027 = arith.index_cast %add3A_2026 : i32 to index
      %swap3A_2028 = arith.constant 16 : index
      %swap3A_2029 = tpu.vector_load %arg22[%swap3A_2027, %swap3A_2028] {strides = array<i32>} : memref<128x32xf32, #tpu.memory_space<vmem>>, vector<1x16xf32>,
      %swap3A_2030 = vector.shape_cast %swap3A_2029 : vector<1x16xf32> to vector<16xf32>
      %swap3A_2031 = vector.shape_cast %add3A_2022 : vector<16xf32> to vector<1x16xf32>
      tpu.vector_store %arg22[%swap3A_2027, %swap3A_2028], %swap3A_2031 {strides = array<i32>} : memref<128x32xf32, #tpu.memory_space<vmem>>, vector<1x16xf32>,
      %broadcast_in_dim3A_2032 = arith.constant 0.000000e+00 : f32
      %broadcast_in_dim3A_2033 = vector.broadcast %broadcast_in_dim3A_2032 : f32 to vector<16xf32>
      %get3A_2034 = arith.constant 50 : i32
      %get3A_2035 = arith.index_cast %get3A_2034 : i32 to index
      %get3A_2036 = arith.constant 0 : index
      %get3A_2037 = tpu.vector_load %arg17[%get3A_2035, %get3A_2036] {strides = array<i32>} : memref<100x32xf32, #tpu.memory_space<vmem>>, vector<1x16xf32>,
      %get3A_2038 = vector.shape_cast %get3A_2037 : vector<1x16xf32> to vector<16xf32>
      %add3A_2039 = arith.addf %broadcast_in_dim3A_2033, %get3A_2038 : vector<16xf32>
      %mul3A_2040 = arith.constant 2 : i32
      %mul3A_2041 = arith.muli %mul3A_2040, %add3A_1999 : i32
      %add3A_2042 = arith.constant 1 : i32
      %add3A_2043 = arith.addi %mul3A_2041, %add3A_2042 : i32
      %swap3A_2044 = arith.index_cast %add3A_2043 : i32 to index
      %swap3A_2045 = arith.constant 0 : index
      %swap3A_2046 = tpu.vector_load %arg22[%swap3A_2044, %swap3A_2045] {strides = array<i32>} : memref<128x32xf32, #tpu.memory_space<vmem>>, vector<1x16xf32>,
      %swap3A_2047 = vector.shape_cast %swap3A_2046 : vector<1x16xf32> to vector<16xf32>
      %swap3A_2048 = vector.shape_cast %add3A_2039 : vector<16xf32> to vector<1x16xf32>
      tpu.vector_store %arg22[%swap3A_2044, %swap3A_2045], %swap3A_2048 {strides = array<i32>} : memref<128x32xf32, #tpu.memory_space<vmem>>, vector<1x16xf32>,
      %get3A_2049 = arith.constant 50 : i32
      %get3A_2050 = arith.index_cast %get3A_2049 : i32 to index
      %get3A_2051 = arith.constant 16 : index
      %get3A_2052 = tpu.vector_load %arg17[%get3A_2050, %get3A_2051] {strides = array<i32>} : memref<100x32xf32, #tpu.memory_space<vmem>>, vector<1x16xf32>,
      %get3A_2053 = vector.shape_cast %get3A_2052 : vector<1x16xf32> to vector<16xf32>
      %add3A_2054 = arith.addf %broadcast_in_dim3A_2033, %get3A_2053 : vector<16xf32>
      %mul3A_2055 = arith.constant 2 : i32
      %mul3A_2056 = arith.muli %mul3A_2055, %add3A_1999 : i32
      %add3A_2057 = arith.constant 1 : i32
      %add3A_2058 = arith.addi %mul3A_2056, %add3A_2057 : i32
      %swap3A_2059 = arith.index_cast %add3A_2058 : i32 to index
      %swap3A_2060 = arith.constant 16 : index
      %swap3A_2061 = tpu.vector_load %arg22[%swap3A_2059, %swap3A_2060] {strides = array<i32>} : memref<128x32xf32, #tpu.memory_space<vmem>>, vector<1x16xf32>,
      %swap3A_2062 = vector.shape_cast %swap3A_2061 : vector<1x16xf32> to vector<16xf32>
      %swap3A_2063 = vector.shape_cast %add3A_2054 : vector<16xf32> to vector<1x16xf32>
      tpu.vector_store %arg22[%swap3A_2059, %swap3A_2060], %swap3A_2063 {strides = array<i32>} : memref<128x32xf32, #tpu.memory_space<vmem>>, vector<1x16xf32>,
      %add3A_2064 = arith.constant 11 : i32
      %add3A_2065 = arith.addi %mul3A_1065, %add3A_2064 : i32
      %add3A_2066 = arith.constant 16 : i32
      %add3A_2067 = arith.addi %add3A_2065, %add3A_2066 : i32
      %dma_start3A_2068 = arith.constant 0 : i32
      %dma_start3A_2069 = tpu.memref_slice %arg5[%add3A_2067, %dma_start3A_2068] : memref<64x100xi32, #tpu.memory_space<vmem>> -> memref<1x100xi32, #tpu.memory_space<vmem>>
      %dma_start3A_2070 = tpu.memref_squeeze %dma_start3A_2069 : memref<1x100xi32, #tpu.memory_space<vmem>> -> memref<100xi32, #tpu.memory_space<vmem>>
      %dma_start3A_2071 = arith.constant 0 : i32
      %dma_start3A_2072 = arith.constant 0 : i32
      %dma_start3A_2073 = tpu.memref_slice %arg3[%dma_start3A_2071, %dma_start3A_2072] : memref<1000000x32xf32, #tpu.memory_space<hbm>> -> memref<1000000x32xf32, #tpu.memory_space<hbm>>
      tpu.enqueue_indirect_dma source(%dma_start3A_2073 : memref<1000000x32xf32, #tpu.memory_space<hbm>>) target(%arg17 : memref<100x32xf32, #tpu.memory_space<vmem>>) offsets(%dma_start3A_2070 : memref<100xi32, #tpu.memory_space<vmem>>) semaphore(%arg34 : memref<!tpu.dma_semaphore, #tpu.memory_space<semaphore_mem>>)
      %add3A_2074 = arith.constant 12 : i32
      %add3A_2075 = arith.addi %mul3A_1065, %add3A_2074 : i32
      %dma_wait3A_2076 = arith.constant 0 : i32
      %dma_wait3A_2077 = tpu.memref_slice %arg5[%add3A_2075, %dma_wait3A_2076] : memref<64x100xi32, #tpu.memory_space<vmem>> -> memref<1x100xi32, #tpu.memory_space<vmem>>
      %dma_wait3A_2078 = tpu.memref_squeeze %dma_wait3A_2077 : memref<1x100xi32, #tpu.memory_space<vmem>> -> memref<100xi32, #tpu.memory_space<vmem>>
      %dma_wait3A_2079 = arith.constant 0 : i32
      %dma_wait3A_2080 = arith.constant 0 : i32
      %dma_wait3A_2081 = tpu.memref_slice %arg3[%dma_wait3A_2079, %dma_wait3A_2080] : memref<1000000x32xf32, #tpu.memory_space<hbm>> -> memref<1000000x32xf32, #tpu.memory_space<hbm>>
      tpu.wait_indirect_dma semaphore(%arg35 : memref<!tpu.dma_semaphore, #tpu.memory_space<semaphore_mem>>) src(%dma_wait3A_2081 : memref<1000000x32xf32, #tpu.memory_space<hbm>>) dst(%arg18 : memref<100x32xf32, #tpu.memory_space<vmem>>)
      %add3A_2082 = arith.constant 12 : i32
      %add3A_2083 = arith.addi %mul3A_1065, %add3A_2082 : i32
      %broadcast_in_dim3A_2084 = arith.constant 0.000000e+00 : f32
      %broadcast_in_dim3A_2085 = vector.broadcast %broadcast_in_dim3A_2084 : f32 to vector<16xf32>
      %get3A_2086 = arith.constant 0 : i32
      %get3A_2087 = arith.index_cast %get3A_2086 : i32 to index
      %get3A_2088 = arith.constant 0 : index
      %get3A_2089 = tpu.vector_load %arg18[%get3A_2087, %get3A_2088] {strides = array<i32>} : memref<100x32xf32, #tpu.memory_space<vmem>>, vector<1x16xf32>,
      %get3A_2090 = vector.shape_cast %get3A_2089 : vector<1x16xf32> to vector<16xf32>
      %add3A_2091 = arith.addf %broadcast_in_dim3A_2085, %get3A_2090 : vector<16xf32>
      %mul3A_2092 = arith.constant 2 : i32
      %mul3A_2093 = arith.muli %mul3A_2092, %add3A_2083 : i32
      %add3A_2094 = arith.constant 0 : i32
      %add3A_2095 = arith.addi %mul3A_2093, %add3A_2094 : i32
      %swap3A_2096 = arith.index_cast %add3A_2095 : i32 to index
      %swap3A_2097 = arith.constant 0 : index
      %swap3A_2098 = tpu.vector_load %arg22[%swap3A_2096, %swap3A_2097] {strides = array<i32>} : memref<128x32xf32, #tpu.memory_space<vmem>>, vector<1x16xf32>,
      %swap3A_2099 = vector.shape_cast %swap3A_2098 : vector<1x16xf32> to vector<16xf32>
      %swap3A_2100 = vector.shape_cast %add3A_2091 : vector<16xf32> to vector<1x16xf32>
      tpu.vector_store %arg22[%swap3A_2096, %swap3A_2097], %swap3A_2100 {strides = array<i32>} : memref<128x32xf32, #tpu.memory_space<vmem>>, vector<1x16xf32>,
      %get3A_2101 = arith.constant 0 : i32
      %get3A_2102 = arith.index_cast %get3A_2101 : i32 to index
      %get3A_2103 = arith.constant 16 : index
      %get3A_2104 = tpu.vector_load %arg18[%get3A_2102, %get3A_2103] {strides = array<i32>} : memref<100x32xf32, #tpu.memory_space<vmem>>, vector<1x16xf32>,
      %get3A_2105 = vector.shape_cast %get3A_2104 : vector<1x16xf32> to vector<16xf32>
      %add3A_2106 = arith.addf %broadcast_in_dim3A_2085, %get3A_2105 : vector<16xf32>
      %mul3A_2107 = arith.constant 2 : i32
      %mul3A_2108 = arith.muli %mul3A_2107, %add3A_2083 : i32
      %add3A_2109 = arith.constant 0 : i32
      %add3A_2110 = arith.addi %mul3A_2108, %add3A_2109 : i32
      %swap3A_2111 = arith.index_cast %add3A_2110 : i32 to index
      %swap3A_2112 = arith.constant 16 : index
      %swap3A_2113 = tpu.vector_load %arg22[%swap3A_2111, %swap3A_2112] {strides = array<i32>} : memref<128x32xf32, #tpu.memory_space<vmem>>, vector<1x16xf32>,
      %swap3A_2114 = vector.shape_cast %swap3A_2113 : vector<1x16xf32> to vector<16xf32>
      %swap3A_2115 = vector.shape_cast %add3A_2106 : vector<16xf32> to vector<1x16xf32>
      tpu.vector_store %arg22[%swap3A_2111, %swap3A_2112], %swap3A_2115 {strides = array<i32>} : memref<128x32xf32, #tpu.memory_space<vmem>>, vector<1x16xf32>,
      %broadcast_in_dim3A_2116 = arith.constant 0.000000e+00 : f32
      %broadcast_in_dim3A_2117 = vector.broadcast %broadcast_in_dim3A_2116 : f32 to vector<16xf32>
      %get3A_2118 = arith.constant 50 : i32
      %get3A_2119 = arith.index_cast %get3A_2118 : i32 to index
      %get3A_2120 = arith.constant 0 : index
      %get3A_2121 = tpu.vector_load %arg18[%get3A_2119, %get3A_2120] {strides = array<i32>} : memref<100x32xf32, #tpu.memory_space<vmem>>, vector<1x16xf32>,
      %get3A_2122 = vector.shape_cast %get3A_2121 : vector<1x16xf32> to vector<16xf32>
      %add3A_2123 = arith.addf %broadcast_in_dim3A_2117, %get3A_2122 : vector<16xf32>
      %mul3A_2124 = arith.constant 2 : i32
      %mul3A_2125 = arith.muli %mul3A_2124, %add3A_2083 : i32
      %add3A_2126 = arith.constant 1 : i32
      %add3A_2127 = arith.addi %mul3A_2125, %add3A_2126 : i32
      %swap3A_2128 = arith.index_cast %add3A_2127 : i32 to index
      %swap3A_2129 = arith.constant 0 : index
      %swap3A_2130 = tpu.vector_load %arg22[%swap3A_2128, %swap3A_2129] {strides = array<i32>} : memref<128x32xf32, #tpu.memory_space<vmem>>, vector<1x16xf32>,
      %swap3A_2131 = vector.shape_cast %swap3A_2130 : vector<1x16xf32> to vector<16xf32>
      %swap3A_2132 = vector.shape_cast %add3A_2123 : vector<16xf32> to vector<1x16xf32>
      tpu.vector_store %arg22[%swap3A_2128, %swap3A_2129], %swap3A_2132 {strides = array<i32>} : memref<128x32xf32, #tpu.memory_space<vmem>>, vector<1x16xf32>,
      %get3A_2133 = arith.constant 50 : i32
      %get3A_2134 = arith.index_cast %get3A_2133 : i32 to index
      %get3A_2135 = arith.constant 16 : index
      %get3A_2136 = tpu.vector_load %arg18[%get3A_2134, %get3A_2135] {strides = array<i32>} : memref<100x32xf32, #tpu.memory_space<vmem>>, vector<1x16xf32>,
      %get3A_2137 = vector.shape_cast %get3A_2136 : vector<1x16xf32> to vector<16xf32>
      %add3A_2138 = arith.addf %broadcast_in_dim3A_2117, %get3A_2137 : vector<16xf32>
      %mul3A_2139 = arith.constant 2 : i32
      %mul3A_2140 = arith.muli %mul3A_2139, %add3A_2083 : i32
      %add3A_2141 = arith.constant 1 : i32
      %add3A_2142 = arith.addi %mul3A_2140, %add3A_2141 : i32
      %swap3A_2143 = arith.index_cast %add3A_2142 : i32 to index
      %swap3A_2144 = arith.constant 16 : index
      %swap3A_2145 = tpu.vector_load %arg22[%swap3A_2143, %swap3A_2144] {strides = array<i32>} : memref<128x32xf32, #tpu.memory_space<vmem>>, vector<1x16xf32>,
      %swap3A_2146 = vector.shape_cast %swap3A_2145 : vector<1x16xf32> to vector<16xf32>
      %swap3A_2147 = vector.shape_cast %add3A_2138 : vector<16xf32> to vector<1x16xf32>
      tpu.vector_store %arg22[%swap3A_2143, %swap3A_2144], %swap3A_2147 {strides = array<i32>} : memref<128x32xf32, #tpu.memory_space<vmem>>, vector<1x16xf32>,
      %add3A_2148 = arith.constant 12 : i32
      %add3A_2149 = arith.addi %mul3A_1065, %add3A_2148 : i32
      %add3A_2150 = arith.constant 16 : i32
      %add3A_2151 = arith.addi %add3A_2149, %add3A_2150 : i32
      %dma_start3A_2152 = arith.constant 0 : i32
      %dma_start3A_2153 = tpu.memref_slice %arg5[%add3A_2151, %dma_start3A_2152] : memref<64x100xi32, #tpu.memory_space<vmem>> -> memref<1x100xi32, #tpu.memory_space<vmem>>
      %dma_start3A_2154 = tpu.memref_squeeze %dma_start3A_2153 : memref<1x100xi32, #tpu.memory_space<vmem>> -> memref<100xi32, #tpu.memory_space<vmem>>
      %dma_start3A_2155 = arith.constant 0 : i32
      %dma_start3A_2156 = arith.constant 0 : i32
      %dma_start3A_2157 = tpu.memref_slice %arg3[%dma_start3A_2155, %dma_start3A_2156] : memref<1000000x32xf32, #tpu.memory_space<hbm>> -> memref<1000000x32xf32, #tpu.memory_space<hbm>>
      tpu.enqueue_indirect_dma source(%dma_start3A_2157 : memref<1000000x32xf32, #tpu.memory_space<hbm>>) target(%arg18 : memref<100x32xf32, #tpu.memory_space<vmem>>) offsets(%dma_start3A_2154 : memref<100xi32, #tpu.memory_space<vmem>>) semaphore(%arg35 : memref<!tpu.dma_semaphore, #tpu.memory_space<semaphore_mem>>)
      %add3A_2158 = arith.constant 13 : i32
      %add3A_2159 = arith.addi %mul3A_1065, %add3A_2158 : i32
      %dma_wait3A_2160 = arith.constant 0 : i32
      %dma_wait3A_2161 = tpu.memref_slice %arg5[%add3A_2159, %dma_wait3A_2160] : memref<64x100xi32, #tpu.memory_space<vmem>> -> memref<1x100xi32, #tpu.memory_space<vmem>>
      %dma_wait3A_2162 = tpu.memref_squeeze %dma_wait3A_2161 : memref<1x100xi32, #tpu.memory_space<vmem>> -> memref<100xi32, #tpu.memory_space<vmem>>
      %dma_wait3A_2163 = arith.constant 0 : i32
      %dma_wait3A_2164 = arith.constant 0 : i32
      %dma_wait3A_2165 = tpu.memref_slice %arg3[%dma_wait3A_2163, %dma_wait3A_2164] : memref<1000000x32xf32, #tpu.memory_space<hbm>> -> memref<1000000x32xf32, #tpu.memory_space<hbm>>
      tpu.wait_indirect_dma semaphore(%arg36 : memref<!tpu.dma_semaphore, #tpu.memory_space<semaphore_mem>>) src(%dma_wait3A_2165 : memref<1000000x32xf32, #tpu.memory_space<hbm>>) dst(%arg19 : memref<100x32xf32, #tpu.memory_space<vmem>>)
      %add3A_2166 = arith.constant 13 : i32
      %add3A_2167 = arith.addi %mul3A_1065, %add3A_2166 : i32
      %broadcast_in_dim3A_2168 = arith.constant 0.000000e+00 : f32
      %broadcast_in_dim3A_2169 = vector.broadcast %broadcast_in_dim3A_2168 : f32 to vector<16xf32>
      %get3A_2170 = arith.constant 0 : i32
      %get3A_2171 = arith.index_cast %get3A_2170 : i32 to index
      %get3A_2172 = arith.constant 0 : index
      %get3A_2173 = tpu.vector_load %arg19[%get3A_2171, %get3A_2172] {strides = array<i32>} : memref<100x32xf32, #tpu.memory_space<vmem>>, vector<1x16xf32>,
      %get3A_2174 = vector.shape_cast %get3A_2173 : vector<1x16xf32> to vector<16xf32>
      %add3A_2175 = arith.addf %broadcast_in_dim3A_2169, %get3A_2174 : vector<16xf32>
      %mul3A_2176 = arith.constant 2 : i32
      %mul3A_2177 = arith.muli %mul3A_2176, %add3A_2167 : i32
      %add3A_2178 = arith.constant 0 : i32
      %add3A_2179 = arith.addi %mul3A_2177, %add3A_2178 : i32
      %swap3A_2180 = arith.index_cast %add3A_2179 : i32 to index
      %swap3A_2181 = arith.constant 0 : index
      %swap3A_2182 = tpu.vector_load %arg22[%swap3A_2180, %swap3A_2181] {strides = array<i32>} : memref<128x32xf32, #tpu.memory_space<vmem>>, vector<1x16xf32>,
      %swap3A_2183 = vector.shape_cast %swap3A_2182 : vector<1x16xf32> to vector<16xf32>
      %swap3A_2184 = vector.shape_cast %add3A_2175 : vector<16xf32> to vector<1x16xf32>
      tpu.vector_store %arg22[%swap3A_2180, %swap3A_2181], %swap3A_2184 {strides = array<i32>} : memref<128x32xf32, #tpu.memory_space<vmem>>, vector<1x16xf32>,
      %get3A_2185 = arith.constant 0 : i32
      %get3A_2186 = arith.index_cast %get3A_2185 : i32 to index
      %get3A_2187 = arith.constant 16 : index
      %get3A_2188 = tpu.vector_load %arg19[%get3A_2186, %get3A_2187] {strides = array<i32>} : memref<100x32xf32, #tpu.memory_space<vmem>>, vector<1x16xf32>,
      %get3A_2189 = vector.shape_cast %get3A_2188 : vector<1x16xf32> to vector<16xf32>
      %add3A_2190 = arith.addf %broadcast_in_dim3A_2169, %get3A_2189 : vector<16xf32>
      %mul3A_2191 = arith.constant 2 : i32
      %mul3A_2192 = arith.muli %mul3A_2191, %add3A_2167 : i32
      %add3A_2193 = arith.constant 0 : i32
      %add3A_2194 = arith.addi %mul3A_2192, %add3A_2193 : i32
      %swap3A_2195 = arith.index_cast %add3A_2194 : i32 to index
      %swap3A_2196 = arith.constant 16 : index
      %swap3A_2197 = tpu.vector_load %arg22[%swap3A_2195, %swap3A_2196] {strides = array<i32>} : memref<128x32xf32, #tpu.memory_space<vmem>>, vector<1x16xf32>,
      %swap3A_2198 = vector.shape_cast %swap3A_2197 : vector<1x16xf32> to vector<16xf32>
      %swap3A_2199 = vector.shape_cast %add3A_2190 : vector<16xf32> to vector<1x16xf32>
      tpu.vector_store %arg22[%swap3A_2195, %swap3A_2196], %swap3A_2199 {strides = array<i32>} : memref<128x32xf32, #tpu.memory_space<vmem>>, vector<1x16xf32>,
      %broadcast_in_dim3A_2200 = arith.constant 0.000000e+00 : f32
      %broadcast_in_dim3A_2201 = vector.broadcast %broadcast_in_dim3A_2200 : f32 to vector<16xf32>
      %get3A_2202 = arith.constant 50 : i32
      %get3A_2203 = arith.index_cast %get3A_2202 : i32 to index
      %get3A_2204 = arith.constant 0 : index
      %get3A_2205 = tpu.vector_load %arg19[%get3A_2203, %get3A_2204] {strides = array<i32>} : memref<100x32xf32, #tpu.memory_space<vmem>>, vector<1x16xf32>,
      %get3A_2206 = vector.shape_cast %get3A_2205 : vector<1x16xf32> to vector<16xf32>
      %add3A_2207 = arith.addf %broadcast_in_dim3A_2201, %get3A_2206 : vector<16xf32>
      %mul3A_2208 = arith.constant 2 : i32
      %mul3A_2209 = arith.muli %mul3A_2208, %add3A_2167 : i32
      %add3A_2210 = arith.constant 1 : i32
      %add3A_2211 = arith.addi %mul3A_2209, %add3A_2210 : i32
      %swap3A_2212 = arith.index_cast %add3A_2211 : i32 to index
      %swap3A_2213 = arith.constant 0 : index
      %swap3A_2214 = tpu.vector_load %arg22[%swap3A_2212, %swap3A_2213] {strides = array<i32>} : memref<128x32xf32, #tpu.memory_space<vmem>>, vector<1x16xf32>,
      %swap3A_2215 = vector.shape_cast %swap3A_2214 : vector<1x16xf32> to vector<16xf32>
      %swap3A_2216 = vector.shape_cast %add3A_2207 : vector<16xf32> to vector<1x16xf32>
      tpu.vector_store %arg22[%swap3A_2212, %swap3A_2213], %swap3A_2216 {strides = array<i32>} : memref<128x32xf32, #tpu.memory_space<vmem>>, vector<1x16xf32>,
      %get3A_2217 = arith.constant 50 : i32
      %get3A_2218 = arith.index_cast %get3A_2217 : i32 to index
      %get3A_2219 = arith.constant 16 : index
      %get3A_2220 = tpu.vector_load %arg19[%get3A_2218, %get3A_2219] {strides = array<i32>} : memref<100x32xf32, #tpu.memory_space<vmem>>, vector<1x16xf32>,
      %get3A_2221 = vector.shape_cast %get3A_2220 : vector<1x16xf32> to vector<16xf32>
      %add3A_2222 = arith.addf %broadcast_in_dim3A_2201, %get3A_2221 : vector<16xf32>
      %mul3A_2223 = arith.constant 2 : i32
      %mul3A_2224 = arith.muli %mul3A_2223, %add3A_2167 : i32
      %add3A_2225 = arith.constant 1 : i32
      %add3A_2226 = arith.addi %mul3A_2224, %add3A_2225 : i32
      %swap3A_2227 = arith.index_cast %add3A_2226 : i32 to index
      %swap3A_2228 = arith.constant 16 : index
      %swap3A_2229 = tpu.vector_load %arg22[%swap3A_2227, %swap3A_2228] {strides = array<i32>} : memref<128x32xf32, #tpu.memory_space<vmem>>, vector<1x16xf32>,
      %swap3A_2230 = vector.shape_cast %swap3A_2229 : vector<1x16xf32> to vector<16xf32>
      %swap3A_2231 = vector.shape_cast %add3A_2222 : vector<16xf32> to vector<1x16xf32>
      tpu.vector_store %arg22[%swap3A_2227, %swap3A_2228], %swap3A_2231 {strides = array<i32>} : memref<128x32xf32, #tpu.memory_space<vmem>>, vector<1x16xf32>,
      %add3A_2232 = arith.constant 13 : i32
      %add3A_2233 = arith.addi %mul3A_1065, %add3A_2232 : i32
      %add3A_2234 = arith.constant 16 : i32
      %add3A_2235 = arith.addi %add3A_2233, %add3A_2234 : i32
      %dma_start3A_2236 = arith.constant 0 : i32
      %dma_start3A_2237 = tpu.memref_slice %arg5[%add3A_2235, %dma_start3A_2236] : memref<64x100xi32, #tpu.memory_space<vmem>> -> memref<1x100xi32, #tpu.memory_space<vmem>>
      %dma_start3A_2238 = tpu.memref_squeeze %dma_start3A_2237 : memref<1x100xi32, #tpu.memory_space<vmem>> -> memref<100xi32, #tpu.memory_space<vmem>>
      %dma_start3A_2239 = arith.constant 0 : i32
      %dma_start3A_2240 = arith.constant 0 : i32
      %dma_start3A_2241 = tpu.memref_slice %arg3[%dma_start3A_2239, %dma_start3A_2240] : memref<1000000x32xf32, #tpu.memory_space<hbm>> -> memref<1000000x32xf32, #tpu.memory_space<hbm>>
      tpu.enqueue_indirect_dma source(%dma_start3A_2241 : memref<1000000x32xf32, #tpu.memory_space<hbm>>) target(%arg19 : memref<100x32xf32, #tpu.memory_space<vmem>>) offsets(%dma_start3A_2238 : memref<100xi32, #tpu.memory_space<vmem>>) semaphore(%arg36 : memref<!tpu.dma_semaphore, #tpu.memory_space<semaphore_mem>>)
      %add3A_2242 = arith.constant 14 : i32
      %add3A_2243 = arith.addi %mul3A_1065, %add3A_2242 : i32
      %dma_wait3A_2244 = arith.constant 0 : i32
      %dma_wait3A_2245 = tpu.memref_slice %arg5[%add3A_2243, %dma_wait3A_2244] : memref<64x100xi32, #tpu.memory_space<vmem>> -> memref<1x100xi32, #tpu.memory_space<vmem>>
      %dma_wait3A_2246 = tpu.memref_squeeze %dma_wait3A_2245 : memref<1x100xi32, #tpu.memory_space<vmem>> -> memref<100xi32, #tpu.memory_space<vmem>>
      %dma_wait3A_2247 = arith.constant 0 : i32
      %dma_wait3A_2248 = arith.constant 0 : i32
      %dma_wait3A_2249 = tpu.memref_slice %arg3[%dma_wait3A_2247, %dma_wait3A_2248] : memref<1000000x32xf32, #tpu.memory_space<hbm>> -> memref<1000000x32xf32, #tpu.memory_space<hbm>>
      tpu.wait_indirect_dma semaphore(%arg37 : memref<!tpu.dma_semaphore, #tpu.memory_space<semaphore_mem>>) src(%dma_wait3A_2249 : memref<1000000x32xf32, #tpu.memory_space<hbm>>) dst(%arg20 : memref<100x32xf32, #tpu.memory_space<vmem>>)
      %add3A_2250 = arith.constant 14 : i32
      %add3A_2251 = arith.addi %mul3A_1065, %add3A_2250 : i32
      %broadcast_in_dim3A_2252 = arith.constant 0.000000e+00 : f32
      %broadcast_in_dim3A_2253 = vector.broadcast %broadcast_in_dim3A_2252 : f32 to vector<16xf32>
      %get3A_2254 = arith.constant 0 : i32
      %get3A_2255 = arith.index_cast %get3A_2254 : i32 to index
      %get3A_2256 = arith.constant 0 : index
      %get3A_2257 = tpu.vector_load %arg20[%get3A_2255, %get3A_2256] {strides = array<i32>} : memref<100x32xf32, #tpu.memory_space<vmem>>, vector<1x16xf32>,
      %get3A_2258 = vector.shape_cast %get3A_2257 : vector<1x16xf32> to vector<16xf32>
      %add3A_2259 = arith.addf %broadcast_in_dim3A_2253, %get3A_2258 : vector<16xf32>
      %mul3A_2260 = arith.constant 2 : i32
      %mul3A_2261 = arith.muli %mul3A_2260, %add3A_2251 : i32
      %add3A_2262 = arith.constant 0 : i32
      %add3A_2263 = arith.addi %mul3A_2261, %add3A_2262 : i32
      %swap3A_2264 = arith.index_cast %add3A_2263 : i32 to index
      %swap3A_2265 = arith.constant 0 : index
      %swap3A_2266 = tpu.vector_load %arg22[%swap3A_2264, %swap3A_2265] {strides = array<i32>} : memref<128x32xf32, #tpu.memory_space<vmem>>, vector<1x16xf32>,
      %swap3A_2267 = vector.shape_cast %swap3A_2266 : vector<1x16xf32> to vector<16xf32>
      %swap3A_2268 = vector.shape_cast %add3A_2259 : vector<16xf32> to vector<1x16xf32>
      tpu.vector_store %arg22[%swap3A_2264, %swap3A_2265], %swap3A_2268 {strides = array<i32>} : memref<128x32xf32, #tpu.memory_space<vmem>>, vector<1x16xf32>,
      %get3A_2269 = arith.constant 0 : i32
      %get3A_2270 = arith.index_cast %get3A_2269 : i32 to index
      %get3A_2271 = arith.constant 16 : index
      %get3A_2272 = tpu.vector_load %arg20[%get3A_2270, %get3A_2271] {strides = array<i32>} : memref<100x32xf32, #tpu.memory_space<vmem>>, vector<1x16xf32>,
      %get3A_2273 = vector.shape_cast %get3A_2272 : vector<1x16xf32> to vector<16xf32>
      %add3A_2274 = arith.addf %broadcast_in_dim3A_2253, %get3A_2273 : vector<16xf32>
      %mul3A_2275 = arith.constant 2 : i32
      %mul3A_2276 = arith.muli %mul3A_2275, %add3A_2251 : i32
      %add3A_2277 = arith.constant 0 : i32
      %add3A_2278 = arith.addi %mul3A_2276, %add3A_2277 : i32
      %swap3A_2279 = arith.index_cast %add3A_2278 : i32 to index
      %swap3A_2280 = arith.constant 16 : index
      %swap3A_2281 = tpu.vector_load %arg22[%swap3A_2279, %swap3A_2280] {strides = array<i32>} : memref<128x32xf32, #tpu.memory_space<vmem>>, vector<1x16xf32>,
      %swap3A_2282 = vector.shape_cast %swap3A_2281 : vector<1x16xf32> to vector<16xf32>
      %swap3A_2283 = vector.shape_cast %add3A_2274 : vector<16xf32> to vector<1x16xf32>
      tpu.vector_store %arg22[%swap3A_2279, %swap3A_2280], %swap3A_2283 {strides = array<i32>} : memref<128x32xf32, #tpu.memory_space<vmem>>, vector<1x16xf32>,
      %broadcast_in_dim3A_2284 = arith.constant 0.000000e+00 : f32
      %broadcast_in_dim3A_2285 = vector.broadcast %broadcast_in_dim3A_2284 : f32 to vector<16xf32>
      %get3A_2286 = arith.constant 50 : i32
      %get3A_2287 = arith.index_cast %get3A_2286 : i32 to index
      %get3A_2288 = arith.constant 0 : index
      %get3A_2289 = tpu.vector_load %arg20[%get3A_2287, %get3A_2288] {strides = array<i32>} : memref<100x32xf32, #tpu.memory_space<vmem>>, vector<1x16xf32>,
      %get3A_2290 = vector.shape_cast %get3A_2289 : vector<1x16xf32> to vector<16xf32>
      %add3A_2291 = arith.addf %broadcast_in_dim3A_2285, %get3A_2290 : vector<16xf32>
      %mul3A_2292 = arith.constant 2 : i32
      %mul3A_2293 = arith.muli %mul3A_2292, %add3A_2251 : i32
      %add3A_2294 = arith.constant 1 : i32
      %add3A_2295 = arith.addi %mul3A_2293, %add3A_2294 : i32
      %swap3A_2296 = arith.index_cast %add3A_2295 : i32 to index
      %swap3A_2297 = arith.constant 0 : index
      %swap3A_2298 = tpu.vector_load %arg22[%swap3A_2296, %swap3A_2297] {strides = array<i32>} : memref<128x32xf32, #tpu.memory_space<vmem>>, vector<1x16xf32>,
      %swap3A_2299 = vector.shape_cast %swap3A_2298 : vector<1x16xf32> to vector<16xf32>
      %swap3A_2300 = vector.shape_cast %add3A_2291 : vector<16xf32> to vector<1x16xf32>
      tpu.vector_store %arg22[%swap3A_2296, %swap3A_2297], %swap3A_2300 {strides = array<i32>} : memref<128x32xf32, #tpu.memory_space<vmem>>, vector<1x16xf32>,
      %get3A_2301 = arith.constant 50 : i32
      %get3A_2302 = arith.index_cast %get3A_2301 : i32 to index
      %get3A_2303 = arith.constant 16 : index
      %get3A_2304 = tpu.vector_load %arg20[%get3A_2302, %get3A_2303] {strides = array<i32>} : memref<100x32xf32, #tpu.memory_space<vmem>>, vector<1x16xf32>,
      %get3A_2305 = vector.shape_cast %get3A_2304 : vector<1x16xf32> to vector<16xf32>
      %add3A_2306 = arith.addf %broadcast_in_dim3A_2285, %get3A_2305 : vector<16xf32>
      %mul3A_2307 = arith.constant 2 : i32
      %mul3A_2308 = arith.muli %mul3A_2307, %add3A_2251 : i32
      %add3A_2309 = arith.constant 1 : i32
      %add3A_2310 = arith.addi %mul3A_2308, %add3A_2309 : i32
      %swap3A_2311 = arith.index_cast %add3A_2310 : i32 to index
      %swap3A_2312 = arith.constant 16 : index
      %swap3A_2313 = tpu.vector_load %arg22[%swap3A_2311, %swap3A_2312] {strides = array<i32>} : memref<128x32xf32, #tpu.memory_space<vmem>>, vector<1x16xf32>,
      %swap3A_2314 = vector.shape_cast %swap3A_2313 : vector<1x16xf32> to vector<16xf32>
      %swap3A_2315 = vector.shape_cast %add3A_2306 : vector<16xf32> to vector<1x16xf32>
      tpu.vector_store %arg22[%swap3A_2311, %swap3A_2312], %swap3A_2315 {strides = array<i32>} : memref<128x32xf32, #tpu.memory_space<vmem>>, vector<1x16xf32>,
      %add3A_2316 = arith.constant 14 : i32
      %add3A_2317 = arith.addi %mul3A_1065, %add3A_2316 : i32
      %add3A_2318 = arith.constant 16 : i32
      %add3A_2319 = arith.addi %add3A_2317, %add3A_2318 : i32
      %dma_start3A_2320 = arith.constant 0 : i32
      %dma_start3A_2321 = tpu.memref_slice %arg5[%add3A_2319, %dma_start3A_2320] : memref<64x100xi32, #tpu.memory_space<vmem>> -> memref<1x100xi32, #tpu.memory_space<vmem>>
      %dma_start3A_2322 = tpu.memref_squeeze %dma_start3A_2321 : memref<1x100xi32, #tpu.memory_space<vmem>> -> memref<100xi32, #tpu.memory_space<vmem>>
      %dma_start3A_2323 = arith.constant 0 : i32
      %dma_start3A_2324 = arith.constant 0 : i32
      %dma_start3A_2325 = tpu.memref_slice %arg3[%dma_start3A_2323, %dma_start3A_2324] : memref<1000000x32xf32, #tpu.memory_space<hbm>> -> memref<1000000x32xf32, #tpu.memory_space<hbm>>
      tpu.enqueue_indirect_dma source(%dma_start3A_2325 : memref<1000000x32xf32, #tpu.memory_space<hbm>>) target(%arg20 : memref<100x32xf32, #tpu.memory_space<vmem>>) offsets(%dma_start3A_2322 : memref<100xi32, #tpu.memory_space<vmem>>) semaphore(%arg37 : memref<!tpu.dma_semaphore, #tpu.memory_space<semaphore_mem>>)
      %add3A_2326 = arith.constant 15 : i32
      %add3A_2327 = arith.addi %mul3A_1065, %add3A_2326 : i32
      %dma_wait3A_2328 = arith.constant 0 : i32
      %dma_wait3A_2329 = tpu.memref_slice %arg5[%add3A_2327, %dma_wait3A_2328] : memref<64x100xi32, #tpu.memory_space<vmem>> -> memref<1x100xi32, #tpu.memory_space<vmem>>
      %dma_wait3A_2330 = tpu.memref_squeeze %dma_wait3A_2329 : memref<1x100xi32, #tpu.memory_space<vmem>> -> memref<100xi32, #tpu.memory_space<vmem>>
      %dma_wait3A_2331 = arith.constant 0 : i32
      %dma_wait3A_2332 = arith.constant 0 : i32
      %dma_wait3A_2333 = tpu.memref_slice %arg3[%dma_wait3A_2331, %dma_wait3A_2332] : memref<1000000x32xf32, #tpu.memory_space<hbm>> -> memref<1000000x32xf32, #tpu.memory_space<hbm>>
      tpu.wait_indirect_dma semaphore(%arg38 : memref<!tpu.dma_semaphore, #tpu.memory_space<semaphore_mem>>) src(%dma_wait3A_2333 : memref<1000000x32xf32, #tpu.memory_space<hbm>>) dst(%arg21 : memref<100x32xf32, #tpu.memory_space<vmem>>)
      %add3A_2334 = arith.constant 15 : i32
      %add3A_2335 = arith.addi %mul3A_1065, %add3A_2334 : i32
      %broadcast_in_dim3A_2336 = arith.constant 0.000000e+00 : f32
      %broadcast_in_dim3A_2337 = vector.broadcast %broadcast_in_dim3A_2336 : f32 to vector<16xf32>
      %get3A_2338 = arith.constant 0 : i32
      %get3A_2339 = arith.index_cast %get3A_2338 : i32 to index
      %get3A_2340 = arith.constant 0 : index
      %get3A_2341 = tpu.vector_load %arg21[%get3A_2339, %get3A_2340] {strides = array<i32>} : memref<100x32xf32, #tpu.memory_space<vmem>>, vector<1x16xf32>,
      %get3A_2342 = vector.shape_cast %get3A_2341 : vector<1x16xf32> to vector<16xf32>
      %add3A_2343 = arith.addf %broadcast_in_dim3A_2337, %get3A_2342 : vector<16xf32>
      %mul3A_2344 = arith.constant 2 : i32
      %mul3A_2345 = arith.muli %mul3A_2344, %add3A_2335 : i32
      %add3A_2346 = arith.constant 0 : i32
      %add3A_2347 = arith.addi %mul3A_2345, %add3A_2346 : i32
      %swap3A_2348 = arith.index_cast %add3A_2347 : i32 to index
      %swap3A_2349 = arith.constant 0 : index
      %swap3A_2350 = tpu.vector_load %arg22[%swap3A_2348, %swap3A_2349] {strides = array<i32>} : memref<128x32xf32, #tpu.memory_space<vmem>>, vector<1x16xf32>,
      %swap3A_2351 = vector.shape_cast %swap3A_2350 : vector<1x16xf32> to vector<16xf32>
      %swap3A_2352 = vector.shape_cast %add3A_2343 : vector<16xf32> to vector<1x16xf32>
      tpu.vector_store %arg22[%swap3A_2348, %swap3A_2349], %swap3A_2352 {strides = array<i32>} : memref<128x32xf32, #tpu.memory_space<vmem>>, vector<1x16xf32>,
      %get3A_2353 = arith.constant 0 : i32
      %get3A_2354 = arith.index_cast %get3A_2353 : i32 to index
      %get3A_2355 = arith.constant 16 : index
      %get3A_2356 = tpu.vector_load %arg21[%get3A_2354, %get3A_2355] {strides = array<i32>} : memref<100x32xf32, #tpu.memory_space<vmem>>, vector<1x16xf32>,
      %get3A_2357 = vector.shape_cast %get3A_2356 : vector<1x16xf32> to vector<16xf32>
      %add3A_2358 = arith.addf %broadcast_in_dim3A_2337, %get3A_2357 : vector<16xf32>
      %mul3A_2359 = arith.constant 2 : i32
      %mul3A_2360 = arith.muli %mul3A_2359, %add3A_2335 : i32
      %add3A_2361 = arith.constant 0 : i32
      %add3A_2362 = arith.addi %mul3A_2360, %add3A_2361 : i32
      %swap3A_2363 = arith.index_cast %add3A_2362 : i32 to index
      %swap3A_2364 = arith.constant 16 : index
      %swap3A_2365 = tpu.vector_load %arg22[%swap3A_2363, %swap3A_2364] {strides = array<i32>} : memref<128x32xf32, #tpu.memory_space<vmem>>, vector<1x16xf32>,
      %swap3A_2366 = vector.shape_cast %swap3A_2365 : vector<1x16xf32> to vector<16xf32>
      %swap3A_2367 = vector.shape_cast %add3A_2358 : vector<16xf32> to vector<1x16xf32>
      tpu.vector_store %arg22[%swap3A_2363, %swap3A_2364], %swap3A_2367 {strides = array<i32>} : memref<128x32xf32, #tpu.memory_space<vmem>>, vector<1x16xf32>,
      %broadcast_in_dim3A_2368 = arith.constant 0.000000e+00 : f32
      %broadcast_in_dim3A_2369 = vector.broadcast %broadcast_in_dim3A_2368 : f32 to vector<16xf32>
      %get3A_2370 = arith.constant 50 : i32
      %get3A_2371 = arith.index_cast %get3A_2370 : i32 to index
      %get3A_2372 = arith.constant 0 : index
      %get3A_2373 = tpu.vector_load %arg21[%get3A_2371, %get3A_2372] {strides = array<i32>} : memref<100x32xf32, #tpu.memory_space<vmem>>, vector<1x16xf32>,
      %get3A_2374 = vector.shape_cast %get3A_2373 : vector<1x16xf32> to vector<16xf32>
      %add3A_2375 = arith.addf %broadcast_in_dim3A_2369, %get3A_2374 : vector<16xf32>
      %mul3A_2376 = arith.constant 2 : i32
      %mul3A_2377 = arith.muli %mul3A_2376, %add3A_2335 : i32
      %add3A_2378 = arith.constant 1 : i32
      %add3A_2379 = arith.addi %mul3A_2377, %add3A_2378 : i32
      %swap3A_2380 = arith.index_cast %add3A_2379 : i32 to index
      %swap3A_2381 = arith.constant 0 : index
      %swap3A_2382 = tpu.vector_load %arg22[%swap3A_2380, %swap3A_2381] {strides = array<i32>} : memref<128x32xf32, #tpu.memory_space<vmem>>, vector<1x16xf32>,
      %swap3A_2383 = vector.shape_cast %swap3A_2382 : vector<1x16xf32> to vector<16xf32>
      %swap3A_2384 = vector.shape_cast %add3A_2375 : vector<16xf32> to vector<1x16xf32>
      tpu.vector_store %arg22[%swap3A_2380, %swap3A_2381], %swap3A_2384 {strides = array<i32>} : memref<128x32xf32, #tpu.memory_space<vmem>>, vector<1x16xf32>,
      %get3A_2385 = arith.constant 50 : i32
      %get3A_2386 = arith.index_cast %get3A_2385 : i32 to index
      %get3A_2387 = arith.constant 16 : index
      %get3A_2388 = tpu.vector_load %arg21[%get3A_2386, %get3A_2387] {strides = array<i32>} : memref<100x32xf32, #tpu.memory_space<vmem>>, vector<1x16xf32>,
      %get3A_2389 = vector.shape_cast %get3A_2388 : vector<1x16xf32> to vector<16xf32>
      %add3A_2390 = arith.addf %broadcast_in_dim3A_2369, %get3A_2389 : vector<16xf32>
      %mul3A_2391 = arith.constant 2 : i32
      %mul3A_2392 = arith.muli %mul3A_2391, %add3A_2335 : i32
      %add3A_2393 = arith.constant 1 : i32
      %add3A_2394 = arith.addi %mul3A_2392, %add3A_2393 : i32
      %swap3A_2395 = arith.index_cast %add3A_2394 : i32 to index
      %swap3A_2396 = arith.constant 16 : index
      %swap3A_2397 = tpu.vector_load %arg22[%swap3A_2395, %swap3A_2396] {strides = array<i32>} : memref<128x32xf32, #tpu.memory_space<vmem>>, vector<1x16xf32>,
      %swap3A_2398 = vector.shape_cast %swap3A_2397 : vector<1x16xf32> to vector<16xf32>
      %swap3A_2399 = vector.shape_cast %add3A_2390 : vector<16xf32> to vector<1x16xf32>
      tpu.vector_store %arg22[%swap3A_2395, %swap3A_2396], %swap3A_2399 {strides = array<i32>} : memref<128x32xf32, #tpu.memory_space<vmem>>, vector<1x16xf32>,
      %add3A_2400 = arith.constant 15 : i32
      %add3A_2401 = arith.addi %mul3A_1065, %add3A_2400 : i32
      %add3A_2402 = arith.constant 16 : i32
      %add3A_2403 = arith.addi %add3A_2401, %add3A_2402 : i32
      %dma_start3A_2404 = arith.constant 0 : i32
      %dma_start3A_2405 = tpu.memref_slice %arg5[%add3A_2403, %dma_start3A_2404] : memref<64x100xi32, #tpu.memory_space<vmem>> -> memref<1x100xi32, #tpu.memory_space<vmem>>
      %dma_start3A_2406 = tpu.memref_squeeze %dma_start3A_2405 : memref<1x100xi32, #tpu.memory_space<vmem>> -> memref<100xi32, #tpu.memory_space<vmem>>
      %dma_start3A_2407 = arith.constant 0 : i32
      %dma_start3A_2408 = arith.constant 0 : i32
      %dma_start3A_2409 = tpu.memref_slice %arg3[%dma_start3A_2407, %dma_start3A_2408] : memref<1000000x32xf32, #tpu.memory_space<hbm>> -> memref<1000000x32xf32, #tpu.memory_space<hbm>>
      tpu.enqueue_indirect_dma source(%dma_start3A_2409 : memref<1000000x32xf32, #tpu.memory_space<hbm>>) target(%arg21 : memref<100x32xf32, #tpu.memory_space<vmem>>) offsets(%dma_start3A_2406 : memref<100xi32, #tpu.memory_space<vmem>>) semaphore(%arg38 : memref<!tpu.dma_semaphore, #tpu.memory_space<semaphore_mem>>)
      %scan3A_2410 = arith.constant 0 : i32
      scf.yield %scan3A_2410 : i32
    }
    %scan3A_119 = arith.constant 3 : i32
    %dma_wait3A = arith.constant 48 : i32
    %dma_wait3A_120 = arith.constant 0 : i32
    %dma_wait3A_121 = tpu.memref_slice %arg5[%dma_wait3A, %dma_wait3A_120] : memref<64x100xi32, #tpu.memory_space<vmem>> -> memref<1x100xi32, #tpu.memory_space<vmem>>
    %dma_wait3A_122 = tpu.memref_squeeze %dma_wait3A_121 : memref<1x100xi32, #tpu.memory_space<vmem>> -> memref<100xi32, #tpu.memory_space<vmem>>
    %dma_wait3A_123 = arith.constant 0 : i32
    %dma_wait3A_124 = arith.constant 0 : i32
    %dma_wait3A_125 = tpu.memref_slice %arg3[%dma_wait3A_123, %dma_wait3A_124] : memref<1000000x32xf32, #tpu.memory_space<hbm>> -> memref<1000000x32xf32, #tpu.memory_space<hbm>>
    tpu.wait_indirect_dma semaphore(%arg23 : memref<!tpu.dma_semaphore, #tpu.memory_space<semaphore_mem>>) src(%dma_wait3A_125 : memref<1000000x32xf32, #tpu.memory_space<hbm>>) dst(%arg6 : memref<100x32xf32, #tpu.memory_space<vmem>>)
    %broadcast_in_dim3A = arith.constant 0.000000e+00 : f32
    %broadcast_in_dim3A_126 = vector.broadcast %broadcast_in_dim3A : f32 to vector<16xf32>
    %get3A = arith.constant 0 : i32
    %get3A_127 = arith.index_cast %get3A : i32 to index
    %get3A_128 = arith.constant 0 : index
    %get3A_129 = tpu.vector_load %arg6[%get3A_127, %get3A_128] {strides = array<i32>} : memref<100x32xf32, #tpu.memory_space<vmem>>, vector<1x16xf32>,
    %get3A_130 = vector.shape_cast %get3A_129 : vector<1x16xf32> to vector<16xf32>
    %add3A_131 = arith.addf %broadcast_in_dim3A_126, %get3A_130 : vector<16xf32>
    %swap3A = arith.constant 96 : i32
    %swap3A_132 = arith.index_cast %swap3A : i32 to index
    %swap3A_133 = arith.constant 0 : index
    %swap3A_134 = tpu.vector_load %arg22[%swap3A_132, %swap3A_133] {strides = array<i32>} : memref<128x32xf32, #tpu.memory_space<vmem>>, vector<1x16xf32>,
    %swap3A_135 = vector.shape_cast %swap3A_134 : vector<1x16xf32> to vector<16xf32>
    %swap3A_136 = vector.shape_cast %add3A_131 : vector<16xf32> to vector<1x16xf32>
    tpu.vector_store %arg22[%swap3A_132, %swap3A_133], %swap3A_136 {strides = array<i32>} : memref<128x32xf32, #tpu.memory_space<vmem>>, vector<1x16xf32>,
    %get3A_137 = arith.constant 0 : i32
    %get3A_138 = arith.index_cast %get3A_137 : i32 to index
    %get3A_139 = arith.constant 16 : index
    %get3A_140 = tpu.vector_load %arg6[%get3A_138, %get3A_139] {strides = array<i32>} : memref<100x32xf32, #tpu.memory_space<vmem>>, vector<1x16xf32>,
    %get3A_141 = vector.shape_cast %get3A_140 : vector<1x16xf32> to vector<16xf32>
    %add3A_142 = arith.addf %broadcast_in_dim3A_126, %get3A_141 : vector<16xf32>
    %swap3A_143 = arith.constant 96 : i32
    %swap3A_144 = arith.index_cast %swap3A_143 : i32 to index
    %swap3A_145 = arith.constant 16 : index
    %swap3A_146 = tpu.vector_load %arg22[%swap3A_144, %swap3A_145] {strides = array<i32>} : memref<128x32xf32, #tpu.memory_space<vmem>>, vector<1x16xf32>,
    %swap3A_147 = vector.shape_cast %swap3A_146 : vector<1x16xf32> to vector<16xf32>
    %swap3A_148 = vector.shape_cast %add3A_142 : vector<16xf32> to vector<1x16xf32>
    tpu.vector_store %arg22[%swap3A_144, %swap3A_145], %swap3A_148 {strides = array<i32>} : memref<128x32xf32, #tpu.memory_space<vmem>>, vector<1x16xf32>,
    %broadcast_in_dim3A_149 = arith.constant 0.000000e+00 : f32
    %broadcast_in_dim3A_150 = vector.broadcast %broadcast_in_dim3A_149 : f32 to vector<16xf32>
    %get3A_151 = arith.constant 50 : i32
    %get3A_152 = arith.index_cast %get3A_151 : i32 to index
    %get3A_153 = arith.constant 0 : index
    %get3A_154 = tpu.vector_load %arg6[%get3A_152, %get3A_153] {strides = array<i32>} : memref<100x32xf32, #tpu.memory_space<vmem>>, vector<1x16xf32>,
    %get3A_155 = vector.shape_cast %get3A_154 : vector<1x16xf32> to vector<16xf32>
    %add3A_156 = arith.addf %broadcast_in_dim3A_150, %get3A_155 : vector<16xf32>
    %swap3A_157 = arith.constant 97 : i32
    %swap3A_158 = arith.index_cast %swap3A_157 : i32 to index
    %swap3A_159 = arith.constant 0 : index
    %swap3A_160 = tpu.vector_load %arg22[%swap3A_158, %swap3A_159] {strides = array<i32>} : memref<128x32xf32, #tpu.memory_space<vmem>>, vector<1x16xf32>,
    %swap3A_161 = vector.shape_cast %swap3A_160 : vector<1x16xf32> to vector<16xf32>
    %swap3A_162 = vector.shape_cast %add3A_156 : vector<16xf32> to vector<1x16xf32>
    tpu.vector_store %arg22[%swap3A_158, %swap3A_159], %swap3A_162 {strides = array<i32>} : memref<128x32xf32, #tpu.memory_space<vmem>>, vector<1x16xf32>,
    %get3A_163 = arith.constant 50 : i32
    %get3A_164 = arith.index_cast %get3A_163 : i32 to index
    %get3A_165 = arith.constant 16 : index
    %get3A_166 = tpu.vector_load %arg6[%get3A_164, %get3A_165] {strides = array<i32>} : memref<100x32xf32, #tpu.memory_space<vmem>>, vector<1x16xf32>,
    %get3A_167 = vector.shape_cast %get3A_166 : vector<1x16xf32> to vector<16xf32>
    %add3A_168 = arith.addf %broadcast_in_dim3A_150, %get3A_167 : vector<16xf32>
    %swap3A_169 = arith.constant 97 : i32
    %swap3A_170 = arith.index_cast %swap3A_169 : i32 to index
    %swap3A_171 = arith.constant 16 : index
    %swap3A_172 = tpu.vector_load %arg22[%swap3A_170, %swap3A_171] {strides = array<i32>} : memref<128x32xf32, #tpu.memory_space<vmem>>, vector<1x16xf32>,
    %swap3A_173 = vector.shape_cast %swap3A_172 : vector<1x16xf32> to vector<16xf32>
    %swap3A_174 = vector.shape_cast %add3A_168 : vector<16xf32> to vector<1x16xf32>
    tpu.vector_store %arg22[%swap3A_170, %swap3A_171], %swap3A_174 {strides = array<i32>} : memref<128x32xf32, #tpu.memory_space<vmem>>, vector<1x16xf32>,
    %dma_wait3A_175 = arith.constant 49 : i32
    %dma_wait3A_176 = arith.constant 0 : i32
    %dma_wait3A_177 = tpu.memref_slice %arg5[%dma_wait3A_175, %dma_wait3A_176] : memref<64x100xi32, #tpu.memory_space<vmem>> -> memref<1x100xi32, #tpu.memory_space<vmem>>
    %dma_wait3A_178 = tpu.memref_squeeze %dma_wait3A_177 : memref<1x100xi32, #tpu.memory_space<vmem>> -> memref<100xi32, #tpu.memory_space<vmem>>
    %dma_wait3A_179 = arith.constant 0 : i32
    %dma_wait3A_180 = arith.constant 0 : i32
    %dma_wait3A_181 = tpu.memref_slice %arg3[%dma_wait3A_179, %dma_wait3A_180] : memref<1000000x32xf32, #tpu.memory_space<hbm>> -> memref<1000000x32xf32, #tpu.memory_space<hbm>>
    tpu.wait_indirect_dma semaphore(%arg24 : memref<!tpu.dma_semaphore, #tpu.memory_space<semaphore_mem>>) src(%dma_wait3A_181 : memref<1000000x32xf32, #tpu.memory_space<hbm>>) dst(%arg7 : memref<100x32xf32, #tpu.memory_space<vmem>>)
    %broadcast_in_dim3A_182 = arith.constant 0.000000e+00 : f32
    %broadcast_in_dim3A_183 = vector.broadcast %broadcast_in_dim3A_182 : f32 to vector<16xf32>
    %get3A_184 = arith.constant 0 : i32
    %get3A_185 = arith.index_cast %get3A_184 : i32 to index
    %get3A_186 = arith.constant 0 : index
    %get3A_187 = tpu.vector_load %arg7[%get3A_185, %get3A_186] {strides = array<i32>} : memref<100x32xf32, #tpu.memory_space<vmem>>, vector<1x16xf32>,
    %get3A_188 = vector.shape_cast %get3A_187 : vector<1x16xf32> to vector<16xf32>
    %add3A_189 = arith.addf %broadcast_in_dim3A_183, %get3A_188 : vector<16xf32>
    %swap3A_190 = arith.constant 98 : i32
    %swap3A_191 = arith.index_cast %swap3A_190 : i32 to index
    %swap3A_192 = arith.constant 0 : index
    %swap3A_193 = tpu.vector_load %arg22[%swap3A_191, %swap3A_192] {strides = array<i32>} : memref<128x32xf32, #tpu.memory_space<vmem>>, vector<1x16xf32>,
    %swap3A_194 = vector.shape_cast %swap3A_193 : vector<1x16xf32> to vector<16xf32>
    %swap3A_195 = vector.shape_cast %add3A_189 : vector<16xf32> to vector<1x16xf32>
    tpu.vector_store %arg22[%swap3A_191, %swap3A_192], %swap3A_195 {strides = array<i32>} : memref<128x32xf32, #tpu.memory_space<vmem>>, vector<1x16xf32>,
    %get3A_196 = arith.constant 0 : i32
    %get3A_197 = arith.index_cast %get3A_196 : i32 to index
    %get3A_198 = arith.constant 16 : index
    %get3A_199 = tpu.vector_load %arg7[%get3A_197, %get3A_198] {strides = array<i32>} : memref<100x32xf32, #tpu.memory_space<vmem>>, vector<1x16xf32>,
    %get3A_200 = vector.shape_cast %get3A_199 : vector<1x16xf32> to vector<16xf32>
    %add3A_201 = arith.addf %broadcast_in_dim3A_183, %get3A_200 : vector<16xf32>
    %swap3A_202 = arith.constant 98 : i32
    %swap3A_203 = arith.index_cast %swap3A_202 : i32 to index
    %swap3A_204 = arith.constant 16 : index
    %swap3A_205 = tpu.vector_load %arg22[%swap3A_203, %swap3A_204] {strides = array<i32>} : memref<128x32xf32, #tpu.memory_space<vmem>>, vector<1x16xf32>,
    %swap3A_206 = vector.shape_cast %swap3A_205 : vector<1x16xf32> to vector<16xf32>
    %swap3A_207 = vector.shape_cast %add3A_201 : vector<16xf32> to vector<1x16xf32>
    tpu.vector_store %arg22[%swap3A_203, %swap3A_204], %swap3A_207 {strides = array<i32>} : memref<128x32xf32, #tpu.memory_space<vmem>>, vector<1x16xf32>,
    %broadcast_in_dim3A_208 = arith.constant 0.000000e+00 : f32
    %broadcast_in_dim3A_209 = vector.broadcast %broadcast_in_dim3A_208 : f32 to vector<16xf32>
    %get3A_210 = arith.constant 50 : i32
    %get3A_211 = arith.index_cast %get3A_210 : i32 to index
    %get3A_212 = arith.constant 0 : index
    %get3A_213 = tpu.vector_load %arg7[%get3A_211, %get3A_212] {strides = array<i32>} : memref<100x32xf32, #tpu.memory_space<vmem>>, vector<1x16xf32>,
    %get3A_214 = vector.shape_cast %get3A_213 : vector<1x16xf32> to vector<16xf32>
    %add3A_215 = arith.addf %broadcast_in_dim3A_209, %get3A_214 : vector<16xf32>
    %swap3A_216 = arith.constant 99 : i32
    %swap3A_217 = arith.index_cast %swap3A_216 : i32 to index
    %swap3A_218 = arith.constant 0 : index
    %swap3A_219 = tpu.vector_load %arg22[%swap3A_217, %swap3A_218] {strides = array<i32>} : memref<128x32xf32, #tpu.memory_space<vmem>>, vector<1x16xf32>,
    %swap3A_220 = vector.shape_cast %swap3A_219 : vector<1x16xf32> to vector<16xf32>
    %swap3A_221 = vector.shape_cast %add3A_215 : vector<16xf32> to vector<1x16xf32>
    tpu.vector_store %arg22[%swap3A_217, %swap3A_218], %swap3A_221 {strides = array<i32>} : memref<128x32xf32, #tpu.memory_space<vmem>>, vector<1x16xf32>,
    %get3A_222 = arith.constant 50 : i32
    %get3A_223 = arith.index_cast %get3A_222 : i32 to index
    %get3A_224 = arith.constant 16 : index
    %get3A_225 = tpu.vector_load %arg7[%get3A_223, %get3A_224] {strides = array<i32>} : memref<100x32xf32, #tpu.memory_space<vmem>>, vector<1x16xf32>,
    %get3A_226 = vector.shape_cast %get3A_225 : vector<1x16xf32> to vector<16xf32>
    %add3A_227 = arith.addf %broadcast_in_dim3A_209, %get3A_226 : vector<16xf32>
    %swap3A_228 = arith.constant 99 : i32
    %swap3A_229 = arith.index_cast %swap3A_228 : i32 to index
    %swap3A_230 = arith.constant 16 : index
    %swap3A_231 = tpu.vector_load %arg22[%swap3A_229, %swap3A_230] {strides = array<i32>} : memref<128x32xf32, #tpu.memory_space<vmem>>, vector<1x16xf32>,
    %swap3A_232 = vector.shape_cast %swap3A_231 : vector<1x16xf32> to vector<16xf32>
    %swap3A_233 = vector.shape_cast %add3A_227 : vector<16xf32> to vector<1x16xf32>
    tpu.vector_store %arg22[%swap3A_229, %swap3A_230], %swap3A_233 {strides = array<i32>} : memref<128x32xf32, #tpu.memory_space<vmem>>, vector<1x16xf32>,
    %dma_wait3A_234 = arith.constant 50 : i32
    %dma_wait3A_235 = arith.constant 0 : i32
    %dma_wait3A_236 = tpu.memref_slice %arg5[%dma_wait3A_234, %dma_wait3A_235] : memref<64x100xi32, #tpu.memory_space<vmem>> -> memref<1x100xi32, #tpu.memory_space<vmem>>
    %dma_wait3A_237 = tpu.memref_squeeze %dma_wait3A_236 : memref<1x100xi32, #tpu.memory_space<vmem>> -> memref<100xi32, #tpu.memory_space<vmem>>
    %dma_wait3A_238 = arith.constant 0 : i32
    %dma_wait3A_239 = arith.constant 0 : i32
    %dma_wait3A_240 = tpu.memref_slice %arg3[%dma_wait3A_238, %dma_wait3A_239] : memref<1000000x32xf32, #tpu.memory_space<hbm>> -> memref<1000000x32xf32, #tpu.memory_space<hbm>>
    tpu.wait_indirect_dma semaphore(%arg25 : memref<!tpu.dma_semaphore, #tpu.memory_space<semaphore_mem>>) src(%dma_wait3A_240 : memref<1000000x32xf32, #tpu.memory_space<hbm>>) dst(%arg8 : memref<100x32xf32, #tpu.memory_space<vmem>>)
    %broadcast_in_dim3A_241 = arith.constant 0.000000e+00 : f32
    %broadcast_in_dim3A_242 = vector.broadcast %broadcast_in_dim3A_241 : f32 to vector<16xf32>
    %get3A_243 = arith.constant 0 : i32
    %get3A_244 = arith.index_cast %get3A_243 : i32 to index
    %get3A_245 = arith.constant 0 : index
    %get3A_246 = tpu.vector_load %arg8[%get3A_244, %get3A_245] {strides = array<i32>} : memref<100x32xf32, #tpu.memory_space<vmem>>, vector<1x16xf32>,
    %get3A_247 = vector.shape_cast %get3A_246 : vector<1x16xf32> to vector<16xf32>
    %add3A_248 = arith.addf %broadcast_in_dim3A_242, %get3A_247 : vector<16xf32>
    %swap3A_249 = arith.constant 100 : i32
    %swap3A_250 = arith.index_cast %swap3A_249 : i32 to index
    %swap3A_251 = arith.constant 0 : index
    %swap3A_252 = tpu.vector_load %arg22[%swap3A_250, %swap3A_251] {strides = array<i32>} : memref<128x32xf32, #tpu.memory_space<vmem>>, vector<1x16xf32>,
    %swap3A_253 = vector.shape_cast %swap3A_252 : vector<1x16xf32> to vector<16xf32>
    %swap3A_254 = vector.shape_cast %add3A_248 : vector<16xf32> to vector<1x16xf32>
    tpu.vector_store %arg22[%swap3A_250, %swap3A_251], %swap3A_254 {strides = array<i32>} : memref<128x32xf32, #tpu.memory_space<vmem>>, vector<1x16xf32>,
    %get3A_255 = arith.constant 0 : i32
    %get3A_256 = arith.index_cast %get3A_255 : i32 to index
    %get3A_257 = arith.constant 16 : index
    %get3A_258 = tpu.vector_load %arg8[%get3A_256, %get3A_257] {strides = array<i32>} : memref<100x32xf32, #tpu.memory_space<vmem>>, vector<1x16xf32>,
    %get3A_259 = vector.shape_cast %get3A_258 : vector<1x16xf32> to vector<16xf32>
    %add3A_260 = arith.addf %broadcast_in_dim3A_242, %get3A_259 : vector<16xf32>
    %swap3A_261 = arith.constant 100 : i32
    %swap3A_262 = arith.index_cast %swap3A_261 : i32 to index
    %swap3A_263 = arith.constant 16 : index
    %swap3A_264 = tpu.vector_load %arg22[%swap3A_262, %swap3A_263] {strides = array<i32>} : memref<128x32xf32, #tpu.memory_space<vmem>>, vector<1x16xf32>,
    %swap3A_265 = vector.shape_cast %swap3A_264 : vector<1x16xf32> to vector<16xf32>
    %swap3A_266 = vector.shape_cast %add3A_260 : vector<16xf32> to vector<1x16xf32>
    tpu.vector_store %arg22[%swap3A_262, %swap3A_263], %swap3A_266 {strides = array<i32>} : memref<128x32xf32, #tpu.memory_space<vmem>>, vector<1x16xf32>,
    %broadcast_in_dim3A_267 = arith.constant 0.000000e+00 : f32
    %broadcast_in_dim3A_268 = vector.broadcast %broadcast_in_dim3A_267 : f32 to vector<16xf32>
    %get3A_269 = arith.constant 50 : i32
    %get3A_270 = arith.index_cast %get3A_269 : i32 to index
    %get3A_271 = arith.constant 0 : index
    %get3A_272 = tpu.vector_load %arg8[%get3A_270, %get3A_271] {strides = array<i32>} : memref<100x32xf32, #tpu.memory_space<vmem>>, vector<1x16xf32>,
    %get3A_273 = vector.shape_cast %get3A_272 : vector<1x16xf32> to vector<16xf32>
    %add3A_274 = arith.addf %broadcast_in_dim3A_268, %get3A_273 : vector<16xf32>
    %swap3A_275 = arith.constant 101 : i32
    %swap3A_276 = arith.index_cast %swap3A_275 : i32 to index
    %swap3A_277 = arith.constant 0 : index
    %swap3A_278 = tpu.vector_load %arg22[%swap3A_276, %swap3A_277] {strides = array<i32>} : memref<128x32xf32, #tpu.memory_space<vmem>>, vector<1x16xf32>,
    %swap3A_279 = vector.shape_cast %swap3A_278 : vector<1x16xf32> to vector<16xf32>
    %swap3A_280 = vector.shape_cast %add3A_274 : vector<16xf32> to vector<1x16xf32>
    tpu.vector_store %arg22[%swap3A_276, %swap3A_277], %swap3A_280 {strides = array<i32>} : memref<128x32xf32, #tpu.memory_space<vmem>>, vector<1x16xf32>,
    %get3A_281 = arith.constant 50 : i32
    %get3A_282 = arith.index_cast %get3A_281 : i32 to index
    %get3A_283 = arith.constant 16 : index
    %get3A_284 = tpu.vector_load %arg8[%get3A_282, %get3A_283] {strides = array<i32>} : memref<100x32xf32, #tpu.memory_space<vmem>>, vector<1x16xf32>,
    %get3A_285 = vector.shape_cast %get3A_284 : vector<1x16xf32> to vector<16xf32>
    %add3A_286 = arith.addf %broadcast_in_dim3A_268, %get3A_285 : vector<16xf32>
    %swap3A_287 = arith.constant 101 : i32
    %swap3A_288 = arith.index_cast %swap3A_287 : i32 to index
    %swap3A_289 = arith.constant 16 : index
    %swap3A_290 = tpu.vector_load %arg22[%swap3A_288, %swap3A_289] {strides = array<i32>} : memref<128x32xf32, #tpu.memory_space<vmem>>, vector<1x16xf32>,
    %swap3A_291 = vector.shape_cast %swap3A_290 : vector<1x16xf32> to vector<16xf32>
    %swap3A_292 = vector.shape_cast %add3A_286 : vector<16xf32> to vector<1x16xf32>
    tpu.vector_store %arg22[%swap3A_288, %swap3A_289], %swap3A_292 {strides = array<i32>} : memref<128x32xf32, #tpu.memory_space<vmem>>, vector<1x16xf32>,
    %dma_wait3A_293 = arith.constant 51 : i32
    %dma_wait3A_294 = arith.constant 0 : i32
    %dma_wait3A_295 = tpu.memref_slice %arg5[%dma_wait3A_293, %dma_wait3A_294] : memref<64x100xi32, #tpu.memory_space<vmem>> -> memref<1x100xi32, #tpu.memory_space<vmem>>
    %dma_wait3A_296 = tpu.memref_squeeze %dma_wait3A_295 : memref<1x100xi32, #tpu.memory_space<vmem>> -> memref<100xi32, #tpu.memory_space<vmem>>
    %dma_wait3A_297 = arith.constant 0 : i32
    %dma_wait3A_298 = arith.constant 0 : i32
    %dma_wait3A_299 = tpu.memref_slice %arg3[%dma_wait3A_297, %dma_wait3A_298] : memref<1000000x32xf32, #tpu.memory_space<hbm>> -> memref<1000000x32xf32, #tpu.memory_space<hbm>>
    tpu.wait_indirect_dma semaphore(%arg26 : memref<!tpu.dma_semaphore, #tpu.memory_space<semaphore_mem>>) src(%dma_wait3A_299 : memref<1000000x32xf32, #tpu.memory_space<hbm>>) dst(%arg9 : memref<100x32xf32, #tpu.memory_space<vmem>>)
    %broadcast_in_dim3A_300 = arith.constant 0.000000e+00 : f32
    %broadcast_in_dim3A_301 = vector.broadcast %broadcast_in_dim3A_300 : f32 to vector<16xf32>
    %get3A_302 = arith.constant 0 : i32
    %get3A_303 = arith.index_cast %get3A_302 : i32 to index
    %get3A_304 = arith.constant 0 : index
    %get3A_305 = tpu.vector_load %arg9[%get3A_303, %get3A_304] {strides = array<i32>} : memref<100x32xf32, #tpu.memory_space<vmem>>, vector<1x16xf32>,
    %get3A_306 = vector.shape_cast %get3A_305 : vector<1x16xf32> to vector<16xf32>
    %add3A_307 = arith.addf %broadcast_in_dim3A_301, %get3A_306 : vector<16xf32>
    %swap3A_308 = arith.constant 102 : i32
    %swap3A_309 = arith.index_cast %swap3A_308 : i32 to index
    %swap3A_310 = arith.constant 0 : index
    %swap3A_311 = tpu.vector_load %arg22[%swap3A_309, %swap3A_310] {strides = array<i32>} : memref<128x32xf32, #tpu.memory_space<vmem>>, vector<1x16xf32>,
    %swap3A_312 = vector.shape_cast %swap3A_311 : vector<1x16xf32> to vector<16xf32>
    %swap3A_313 = vector.shape_cast %add3A_307 : vector<16xf32> to vector<1x16xf32>
    tpu.vector_store %arg22[%swap3A_309, %swap3A_310], %swap3A_313 {strides = array<i32>} : memref<128x32xf32, #tpu.memory_space<vmem>>, vector<1x16xf32>,
    %get3A_314 = arith.constant 0 : i32
    %get3A_315 = arith.index_cast %get3A_314 : i32 to index
    %get3A_316 = arith.constant 16 : index
    %get3A_317 = tpu.vector_load %arg9[%get3A_315, %get3A_316] {strides = array<i32>} : memref<100x32xf32, #tpu.memory_space<vmem>>, vector<1x16xf32>,
    %get3A_318 = vector.shape_cast %get3A_317 : vector<1x16xf32> to vector<16xf32>
    %add3A_319 = arith.addf %broadcast_in_dim3A_301, %get3A_318 : vector<16xf32>
    %swap3A_320 = arith.constant 102 : i32
    %swap3A_321 = arith.index_cast %swap3A_320 : i32 to index
    %swap3A_322 = arith.constant 16 : index
    %swap3A_323 = tpu.vector_load %arg22[%swap3A_321, %swap3A_322] {strides = array<i32>} : memref<128x32xf32, #tpu.memory_space<vmem>>, vector<1x16xf32>,
    %swap3A_324 = vector.shape_cast %swap3A_323 : vector<1x16xf32> to vector<16xf32>
    %swap3A_325 = vector.shape_cast %add3A_319 : vector<16xf32> to vector<1x16xf32>
    tpu.vector_store %arg22[%swap3A_321, %swap3A_322], %swap3A_325 {strides = array<i32>} : memref<128x32xf32, #tpu.memory_space<vmem>>, vector<1x16xf32>,
    %broadcast_in_dim3A_326 = arith.constant 0.000000e+00 : f32
    %broadcast_in_dim3A_327 = vector.broadcast %broadcast_in_dim3A_326 : f32 to vector<16xf32>
    %get3A_328 = arith.constant 50 : i32
    %get3A_329 = arith.index_cast %get3A_328 : i32 to index
    %get3A_330 = arith.constant 0 : index
    %get3A_331 = tpu.vector_load %arg9[%get3A_329, %get3A_330] {strides = array<i32>} : memref<100x32xf32, #tpu.memory_space<vmem>>, vector<1x16xf32>,
    %get3A_332 = vector.shape_cast %get3A_331 : vector<1x16xf32> to vector<16xf32>
    %add3A_333 = arith.addf %broadcast_in_dim3A_327, %get3A_332 : vector<16xf32>
    %swap3A_334 = arith.constant 103 : i32
    %swap3A_335 = arith.index_cast %swap3A_334 : i32 to index
    %swap3A_336 = arith.constant 0 : index
    %swap3A_337 = tpu.vector_load %arg22[%swap3A_335, %swap3A_336] {strides = array<i32>} : memref<128x32xf32, #tpu.memory_space<vmem>>, vector<1x16xf32>,
    %swap3A_338 = vector.shape_cast %swap3A_337 : vector<1x16xf32> to vector<16xf32>
    %swap3A_339 = vector.shape_cast %add3A_333 : vector<16xf32> to vector<1x16xf32>
    tpu.vector_store %arg22[%swap3A_335, %swap3A_336], %swap3A_339 {strides = array<i32>} : memref<128x32xf32, #tpu.memory_space<vmem>>, vector<1x16xf32>,
    %get3A_340 = arith.constant 50 : i32
    %get3A_341 = arith.index_cast %get3A_340 : i32 to index
    %get3A_342 = arith.constant 16 : index
    %get3A_343 = tpu.vector_load %arg9[%get3A_341, %get3A_342] {strides = array<i32>} : memref<100x32xf32, #tpu.memory_space<vmem>>, vector<1x16xf32>,
    %get3A_344 = vector.shape_cast %get3A_343 : vector<1x16xf32> to vector<16xf32>
    %add3A_345 = arith.addf %broadcast_in_dim3A_327, %get3A_344 : vector<16xf32>
    %swap3A_346 = arith.constant 103 : i32
    %swap3A_347 = arith.index_cast %swap3A_346 : i32 to index
    %swap3A_348 = arith.constant 16 : index
    %swap3A_349 = tpu.vector_load %arg22[%swap3A_347, %swap3A_348] {strides = array<i32>} : memref<128x32xf32, #tpu.memory_space<vmem>>, vector<1x16xf32>,
    %swap3A_350 = vector.shape_cast %swap3A_349 : vector<1x16xf32> to vector<16xf32>
    %swap3A_351 = vector.shape_cast %add3A_345 : vector<16xf32> to vector<1x16xf32>
    tpu.vector_store %arg22[%swap3A_347, %swap3A_348], %swap3A_351 {strides = array<i32>} : memref<128x32xf32, #tpu.memory_space<vmem>>, vector<1x16xf32>,
    %dma_wait3A_352 = arith.constant 52 : i32
    %dma_wait3A_353 = arith.constant 0 : i32
    %dma_wait3A_354 = tpu.memref_slice %arg5[%dma_wait3A_352, %dma_wait3A_353] : memref<64x100xi32, #tpu.memory_space<vmem>> -> memref<1x100xi32, #tpu.memory_space<vmem>>
    %dma_wait3A_355 = tpu.memref_squeeze %dma_wait3A_354 : memref<1x100xi32, #tpu.memory_space<vmem>> -> memref<100xi32, #tpu.memory_space<vmem>>
    %dma_wait3A_356 = arith.constant 0 : i32
    %dma_wait3A_357 = arith.constant 0 : i32
    %dma_wait3A_358 = tpu.memref_slice %arg3[%dma_wait3A_356, %dma_wait3A_357] : memref<1000000x32xf32, #tpu.memory_space<hbm>> -> memref<1000000x32xf32, #tpu.memory_space<hbm>>
    tpu.wait_indirect_dma semaphore(%arg27 : memref<!tpu.dma_semaphore, #tpu.memory_space<semaphore_mem>>) src(%dma_wait3A_358 : memref<1000000x32xf32, #tpu.memory_space<hbm>>) dst(%arg10 : memref<100x32xf32, #tpu.memory_space<vmem>>)
    %broadcast_in_dim3A_359 = arith.constant 0.000000e+00 : f32
    %broadcast_in_dim3A_360 = vector.broadcast %broadcast_in_dim3A_359 : f32 to vector<16xf32>
    %get3A_361 = arith.constant 0 : i32
    %get3A_362 = arith.index_cast %get3A_361 : i32 to index
    %get3A_363 = arith.constant 0 : index
    %get3A_364 = tpu.vector_load %arg10[%get3A_362, %get3A_363] {strides = array<i32>} : memref<100x32xf32, #tpu.memory_space<vmem>>, vector<1x16xf32>,
    %get3A_365 = vector.shape_cast %get3A_364 : vector<1x16xf32> to vector<16xf32>
    %add3A_366 = arith.addf %broadcast_in_dim3A_360, %get3A_365 : vector<16xf32>
    %swap3A_367 = arith.constant 104 : i32
    %swap3A_368 = arith.index_cast %swap3A_367 : i32 to index
    %swap3A_369 = arith.constant 0 : index
    %swap3A_370 = tpu.vector_load %arg22[%swap3A_368, %swap3A_369] {strides = array<i32>} : memref<128x32xf32, #tpu.memory_space<vmem>>, vector<1x16xf32>,
    %swap3A_371 = vector.shape_cast %swap3A_370 : vector<1x16xf32> to vector<16xf32>
    %swap3A_372 = vector.shape_cast %add3A_366 : vector<16xf32> to vector<1x16xf32>
    tpu.vector_store %arg22[%swap3A_368, %swap3A_369], %swap3A_372 {strides = array<i32>} : memref<128x32xf32, #tpu.memory_space<vmem>>, vector<1x16xf32>,
    %get3A_373 = arith.constant 0 : i32
    %get3A_374 = arith.index_cast %get3A_373 : i32 to index
    %get3A_375 = arith.constant 16 : index
    %get3A_376 = tpu.vector_load %arg10[%get3A_374, %get3A_375] {strides = array<i32>} : memref<100x32xf32, #tpu.memory_space<vmem>>, vector<1x16xf32>,
    %get3A_377 = vector.shape_cast %get3A_376 : vector<1x16xf32> to vector<16xf32>
    %add3A_378 = arith.addf %broadcast_in_dim3A_360, %get3A_377 : vector<16xf32>
    %swap3A_379 = arith.constant 104 : i32
    %swap3A_380 = arith.index_cast %swap3A_379 : i32 to index
    %swap3A_381 = arith.constant 16 : index
    %swap3A_382 = tpu.vector_load %arg22[%swap3A_380, %swap3A_381] {strides = array<i32>} : memref<128x32xf32, #tpu.memory_space<vmem>>, vector<1x16xf32>,
    %swap3A_383 = vector.shape_cast %swap3A_382 : vector<1x16xf32> to vector<16xf32>
    %swap3A_384 = vector.shape_cast %add3A_378 : vector<16xf32> to vector<1x16xf32>
    tpu.vector_store %arg22[%swap3A_380, %swap3A_381], %swap3A_384 {strides = array<i32>} : memref<128x32xf32, #tpu.memory_space<vmem>>, vector<1x16xf32>,
    %broadcast_in_dim3A_385 = arith.constant 0.000000e+00 : f32
    %broadcast_in_dim3A_386 = vector.broadcast %broadcast_in_dim3A_385 : f32 to vector<16xf32>
    %get3A_387 = arith.constant 50 : i32
    %get3A_388 = arith.index_cast %get3A_387 : i32 to index
    %get3A_389 = arith.constant 0 : index
    %get3A_390 = tpu.vector_load %arg10[%get3A_388, %get3A_389] {strides = array<i32>} : memref<100x32xf32, #tpu.memory_space<vmem>>, vector<1x16xf32>,
    %get3A_391 = vector.shape_cast %get3A_390 : vector<1x16xf32> to vector<16xf32>
    %add3A_392 = arith.addf %broadcast_in_dim3A_386, %get3A_391 : vector<16xf32>
    %swap3A_393 = arith.constant 105 : i32
    %swap3A_394 = arith.index_cast %swap3A_393 : i32 to index
    %swap3A_395 = arith.constant 0 : index
    %swap3A_396 = tpu.vector_load %arg22[%swap3A_394, %swap3A_395] {strides = array<i32>} : memref<128x32xf32, #tpu.memory_space<vmem>>, vector<1x16xf32>,
    %swap3A_397 = vector.shape_cast %swap3A_396 : vector<1x16xf32> to vector<16xf32>
    %swap3A_398 = vector.shape_cast %add3A_392 : vector<16xf32> to vector<1x16xf32>
    tpu.vector_store %arg22[%swap3A_394, %swap3A_395], %swap3A_398 {strides = array<i32>} : memref<128x32xf32, #tpu.memory_space<vmem>>, vector<1x16xf32>,
    %get3A_399 = arith.constant 50 : i32
    %get3A_400 = arith.index_cast %get3A_399 : i32 to index
    %get3A_401 = arith.constant 16 : index
    %get3A_402 = tpu.vector_load %arg10[%get3A_400, %get3A_401] {strides = array<i32>} : memref<100x32xf32, #tpu.memory_space<vmem>>, vector<1x16xf32>,
    %get3A_403 = vector.shape_cast %get3A_402 : vector<1x16xf32> to vector<16xf32>
    %add3A_404 = arith.addf %broadcast_in_dim3A_386, %get3A_403 : vector<16xf32>
    %swap3A_405 = arith.constant 105 : i32
    %swap3A_406 = arith.index_cast %swap3A_405 : i32 to index
    %swap3A_407 = arith.constant 16 : index
    %swap3A_408 = tpu.vector_load %arg22[%swap3A_406, %swap3A_407] {strides = array<i32>} : memref<128x32xf32, #tpu.memory_space<vmem>>, vector<1x16xf32>,
    %swap3A_409 = vector.shape_cast %swap3A_408 : vector<1x16xf32> to vector<16xf32>
    %swap3A_410 = vector.shape_cast %add3A_404 : vector<16xf32> to vector<1x16xf32>
    tpu.vector_store %arg22[%swap3A_406, %swap3A_407], %swap3A_410 {strides = array<i32>} : memref<128x32xf32, #tpu.memory_space<vmem>>, vector<1x16xf32>,
    %dma_wait3A_411 = arith.constant 53 : i32
    %dma_wait3A_412 = arith.constant 0 : i32
    %dma_wait3A_413 = tpu.memref_slice %arg5[%dma_wait3A_411, %dma_wait3A_412] : memref<64x100xi32, #tpu.memory_space<vmem>> -> memref<1x100xi32, #tpu.memory_space<vmem>>
    %dma_wait3A_414 = tpu.memref_squeeze %dma_wait3A_413 : memref<1x100xi32, #tpu.memory_space<vmem>> -> memref<100xi32, #tpu.memory_space<vmem>>
    %dma_wait3A_415 = arith.constant 0 : i32
    %dma_wait3A_416 = arith.constant 0 : i32
    %dma_wait3A_417 = tpu.memref_slice %arg3[%dma_wait3A_415, %dma_wait3A_416] : memref<1000000x32xf32, #tpu.memory_space<hbm>> -> memref<1000000x32xf32, #tpu.memory_space<hbm>>
    tpu.wait_indirect_dma semaphore(%arg28 : memref<!tpu.dma_semaphore, #tpu.memory_space<semaphore_mem>>) src(%dma_wait3A_417 : memref<1000000x32xf32, #tpu.memory_space<hbm>>) dst(%arg11 : memref<100x32xf32, #tpu.memory_space<vmem>>)
    %broadcast_in_dim3A_418 = arith.constant 0.000000e+00 : f32
    %broadcast_in_dim3A_419 = vector.broadcast %broadcast_in_dim3A_418 : f32 to vector<16xf32>
    %get3A_420 = arith.constant 0 : i32
    %get3A_421 = arith.index_cast %get3A_420 : i32 to index
    %get3A_422 = arith.constant 0 : index
    %get3A_423 = tpu.vector_load %arg11[%get3A_421, %get3A_422] {strides = array<i32>} : memref<100x32xf32, #tpu.memory_space<vmem>>, vector<1x16xf32>,
    %get3A_424 = vector.shape_cast %get3A_423 : vector<1x16xf32> to vector<16xf32>
    %add3A_425 = arith.addf %broadcast_in_dim3A_419, %get3A_424 : vector<16xf32>
    %swap3A_426 = arith.constant 106 : i32
    %swap3A_427 = arith.index_cast %swap3A_426 : i32 to index
    %swap3A_428 = arith.constant 0 : index
    %swap3A_429 = tpu.vector_load %arg22[%swap3A_427, %swap3A_428] {strides = array<i32>} : memref<128x32xf32, #tpu.memory_space<vmem>>, vector<1x16xf32>,
    %swap3A_430 = vector.shape_cast %swap3A_429 : vector<1x16xf32> to vector<16xf32>
    %swap3A_431 = vector.shape_cast %add3A_425 : vector<16xf32> to vector<1x16xf32>
    tpu.vector_store %arg22[%swap3A_427, %swap3A_428], %swap3A_431 {strides = array<i32>} : memref<128x32xf32, #tpu.memory_space<vmem>>, vector<1x16xf32>,
    %get3A_432 = arith.constant 0 : i32
    %get3A_433 = arith.index_cast %get3A_432 : i32 to index
    %get3A_434 = arith.constant 16 : index
    %get3A_435 = tpu.vector_load %arg11[%get3A_433, %get3A_434] {strides = array<i32>} : memref<100x32xf32, #tpu.memory_space<vmem>>, vector<1x16xf32>,
    %get3A_436 = vector.shape_cast %get3A_435 : vector<1x16xf32> to vector<16xf32>
    %add3A_437 = arith.addf %broadcast_in_dim3A_419, %get3A_436 : vector<16xf32>
    %swap3A_438 = arith.constant 106 : i32
    %swap3A_439 = arith.index_cast %swap3A_438 : i32 to index
    %swap3A_440 = arith.constant 16 : index
    %swap3A_441 = tpu.vector_load %arg22[%swap3A_439, %swap3A_440] {strides = array<i32>} : memref<128x32xf32, #tpu.memory_space<vmem>>, vector<1x16xf32>,
    %swap3A_442 = vector.shape_cast %swap3A_441 : vector<1x16xf32> to vector<16xf32>
    %swap3A_443 = vector.shape_cast %add3A_437 : vector<16xf32> to vector<1x16xf32>
    tpu.vector_store %arg22[%swap3A_439, %swap3A_440], %swap3A_443 {strides = array<i32>} : memref<128x32xf32, #tpu.memory_space<vmem>>, vector<1x16xf32>,
    %broadcast_in_dim3A_444 = arith.constant 0.000000e+00 : f32
    %broadcast_in_dim3A_445 = vector.broadcast %broadcast_in_dim3A_444 : f32 to vector<16xf32>
    %get3A_446 = arith.constant 50 : i32
    %get3A_447 = arith.index_cast %get3A_446 : i32 to index
    %get3A_448 = arith.constant 0 : index
    %get3A_449 = tpu.vector_load %arg11[%get3A_447, %get3A_448] {strides = array<i32>} : memref<100x32xf32, #tpu.memory_space<vmem>>, vector<1x16xf32>,
    %get3A_450 = vector.shape_cast %get3A_449 : vector<1x16xf32> to vector<16xf32>
    %add3A_451 = arith.addf %broadcast_in_dim3A_445, %get3A_450 : vector<16xf32>
    %swap3A_452 = arith.constant 107 : i32
    %swap3A_453 = arith.index_cast %swap3A_452 : i32 to index
    %swap3A_454 = arith.constant 0 : index
    %swap3A_455 = tpu.vector_load %arg22[%swap3A_453, %swap3A_454] {strides = array<i32>} : memref<128x32xf32, #tpu.memory_space<vmem>>, vector<1x16xf32>,
    %swap3A_456 = vector.shape_cast %swap3A_455 : vector<1x16xf32> to vector<16xf32>
    %swap3A_457 = vector.shape_cast %add3A_451 : vector<16xf32> to vector<1x16xf32>
    tpu.vector_store %arg22[%swap3A_453, %swap3A_454], %swap3A_457 {strides = array<i32>} : memref<128x32xf32, #tpu.memory_space<vmem>>, vector<1x16xf32>,
    %get3A_458 = arith.constant 50 : i32
    %get3A_459 = arith.index_cast %get3A_458 : i32 to index
    %get3A_460 = arith.constant 16 : index
    %get3A_461 = tpu.vector_load %arg11[%get3A_459, %get3A_460] {strides = array<i32>} : memref<100x32xf32, #tpu.memory_space<vmem>>, vector<1x16xf32>,
    %get3A_462 = vector.shape_cast %get3A_461 : vector<1x16xf32> to vector<16xf32>
    %add3A_463 = arith.addf %broadcast_in_dim3A_445, %get3A_462 : vector<16xf32>
    %swap3A_464 = arith.constant 107 : i32
    %swap3A_465 = arith.index_cast %swap3A_464 : i32 to index
    %swap3A_466 = arith.constant 16 : index
    %swap3A_467 = tpu.vector_load %arg22[%swap3A_465, %swap3A_466] {strides = array<i32>} : memref<128x32xf32, #tpu.memory_space<vmem>>, vector<1x16xf32>,
    %swap3A_468 = vector.shape_cast %swap3A_467 : vector<1x16xf32> to vector<16xf32>
    %swap3A_469 = vector.shape_cast %add3A_463 : vector<16xf32> to vector<1x16xf32>
    tpu.vector_store %arg22[%swap3A_465, %swap3A_466], %swap3A_469 {strides = array<i32>} : memref<128x32xf32, #tpu.memory_space<vmem>>, vector<1x16xf32>,
    %dma_wait3A_470 = arith.constant 54 : i32
    %dma_wait3A_471 = arith.constant 0 : i32
    %dma_wait3A_472 = tpu.memref_slice %arg5[%dma_wait3A_470, %dma_wait3A_471] : memref<64x100xi32, #tpu.memory_space<vmem>> -> memref<1x100xi32, #tpu.memory_space<vmem>>
    %dma_wait3A_473 = tpu.memref_squeeze %dma_wait3A_472 : memref<1x100xi32, #tpu.memory_space<vmem>> -> memref<100xi32, #tpu.memory_space<vmem>>
    %dma_wait3A_474 = arith.constant 0 : i32
    %dma_wait3A_475 = arith.constant 0 : i32
    %dma_wait3A_476 = tpu.memref_slice %arg3[%dma_wait3A_474, %dma_wait3A_475] : memref<1000000x32xf32, #tpu.memory_space<hbm>> -> memref<1000000x32xf32, #tpu.memory_space<hbm>>
    tpu.wait_indirect_dma semaphore(%arg29 : memref<!tpu.dma_semaphore, #tpu.memory_space<semaphore_mem>>) src(%dma_wait3A_476 : memref<1000000x32xf32, #tpu.memory_space<hbm>>) dst(%arg12 : memref<100x32xf32, #tpu.memory_space<vmem>>)
    %broadcast_in_dim3A_477 = arith.constant 0.000000e+00 : f32
    %broadcast_in_dim3A_478 = vector.broadcast %broadcast_in_dim3A_477 : f32 to vector<16xf32>
    %get3A_479 = arith.constant 0 : i32
    %get3A_480 = arith.index_cast %get3A_479 : i32 to index
    %get3A_481 = arith.constant 0 : index
    %get3A_482 = tpu.vector_load %arg12[%get3A_480, %get3A_481] {strides = array<i32>} : memref<100x32xf32, #tpu.memory_space<vmem>>, vector<1x16xf32>,
    %get3A_483 = vector.shape_cast %get3A_482 : vector<1x16xf32> to vector<16xf32>
    %add3A_484 = arith.addf %broadcast_in_dim3A_478, %get3A_483 : vector<16xf32>
    %swap3A_485 = arith.constant 108 : i32
    %swap3A_486 = arith.index_cast %swap3A_485 : i32 to index
    %swap3A_487 = arith.constant 0 : index
    %swap3A_488 = tpu.vector_load %arg22[%swap3A_486, %swap3A_487] {strides = array<i32>} : memref<128x32xf32, #tpu.memory_space<vmem>>, vector<1x16xf32>,
    %swap3A_489 = vector.shape_cast %swap3A_488 : vector<1x16xf32> to vector<16xf32>
    %swap3A_490 = vector.shape_cast %add3A_484 : vector<16xf32> to vector<1x16xf32>
    tpu.vector_store %arg22[%swap3A_486, %swap3A_487], %swap3A_490 {strides = array<i32>} : memref<128x32xf32, #tpu.memory_space<vmem>>, vector<1x16xf32>,
    %get3A_491 = arith.constant 0 : i32
    %get3A_492 = arith.index_cast %get3A_491 : i32 to index
    %get3A_493 = arith.constant 16 : index
    %get3A_494 = tpu.vector_load %arg12[%get3A_492, %get3A_493] {strides = array<i32>} : memref<100x32xf32, #tpu.memory_space<vmem>>, vector<1x16xf32>,
    %get3A_495 = vector.shape_cast %get3A_494 : vector<1x16xf32> to vector<16xf32>
    %add3A_496 = arith.addf %broadcast_in_dim3A_478, %get3A_495 : vector<16xf32>
    %swap3A_497 = arith.constant 108 : i32
    %swap3A_498 = arith.index_cast %swap3A_497 : i32 to index
    %swap3A_499 = arith.constant 16 : index
    %swap3A_500 = tpu.vector_load %arg22[%swap3A_498, %swap3A_499] {strides = array<i32>} : memref<128x32xf32, #tpu.memory_space<vmem>>, vector<1x16xf32>,
    %swap3A_501 = vector.shape_cast %swap3A_500 : vector<1x16xf32> to vector<16xf32>
    %swap3A_502 = vector.shape_cast %add3A_496 : vector<16xf32> to vector<1x16xf32>
    tpu.vector_store %arg22[%swap3A_498, %swap3A_499], %swap3A_502 {strides = array<i32>} : memref<128x32xf32, #tpu.memory_space<vmem>>, vector<1x16xf32>,
    %broadcast_in_dim3A_503 = arith.constant 0.000000e+00 : f32
    %broadcast_in_dim3A_504 = vector.broadcast %broadcast_in_dim3A_503 : f32 to vector<16xf32>
    %get3A_505 = arith.constant 50 : i32
    %get3A_506 = arith.index_cast %get3A_505 : i32 to index
    %get3A_507 = arith.constant 0 : index
    %get3A_508 = tpu.vector_load %arg12[%get3A_506, %get3A_507] {strides = array<i32>} : memref<100x32xf32, #tpu.memory_space<vmem>>, vector<1x16xf32>,
    %get3A_509 = vector.shape_cast %get3A_508 : vector<1x16xf32> to vector<16xf32>
    %add3A_510 = arith.addf %broadcast_in_dim3A_504, %get3A_509 : vector<16xf32>
    %swap3A_511 = arith.constant 109 : i32
    %swap3A_512 = arith.index_cast %swap3A_511 : i32 to index
    %swap3A_513 = arith.constant 0 : index
    %swap3A_514 = tpu.vector_load %arg22[%swap3A_512, %swap3A_513] {strides = array<i32>} : memref<128x32xf32, #tpu.memory_space<vmem>>, vector<1x16xf32>,
    %swap3A_515 = vector.shape_cast %swap3A_514 : vector<1x16xf32> to vector<16xf32>
    %swap3A_516 = vector.shape_cast %add3A_510 : vector<16xf32> to vector<1x16xf32>
    tpu.vector_store %arg22[%swap3A_512, %swap3A_513], %swap3A_516 {strides = array<i32>} : memref<128x32xf32, #tpu.memory_space<vmem>>, vector<1x16xf32>,
    %get3A_517 = arith.constant 50 : i32
    %get3A_518 = arith.index_cast %get3A_517 : i32 to index
    %get3A_519 = arith.constant 16 : index
    %get3A_520 = tpu.vector_load %arg12[%get3A_518, %get3A_519] {strides = array<i32>} : memref<100x32xf32, #tpu.memory_space<vmem>>, vector<1x16xf32>,
    %get3A_521 = vector.shape_cast %get3A_520 : vector<1x16xf32> to vector<16xf32>
    %add3A_522 = arith.addf %broadcast_in_dim3A_504, %get3A_521 : vector<16xf32>
    %swap3A_523 = arith.constant 109 : i32
    %swap3A_524 = arith.index_cast %swap3A_523 : i32 to index
    %swap3A_525 = arith.constant 16 : index
    %swap3A_526 = tpu.vector_load %arg22[%swap3A_524, %swap3A_525] {strides = array<i32>} : memref<128x32xf32, #tpu.memory_space<vmem>>, vector<1x16xf32>,
    %swap3A_527 = vector.shape_cast %swap3A_526 : vector<1x16xf32> to vector<16xf32>
    %swap3A_528 = vector.shape_cast %add3A_522 : vector<16xf32> to vector<1x16xf32>
    tpu.vector_store %arg22[%swap3A_524, %swap3A_525], %swap3A_528 {strides = array<i32>} : memref<128x32xf32, #tpu.memory_space<vmem>>, vector<1x16xf32>,
    %dma_wait3A_529 = arith.constant 55 : i32
    %dma_wait3A_530 = arith.constant 0 : i32
    %dma_wait3A_531 = tpu.memref_slice %arg5[%dma_wait3A_529, %dma_wait3A_530] : memref<64x100xi32, #tpu.memory_space<vmem>> -> memref<1x100xi32, #tpu.memory_space<vmem>>
    %dma_wait3A_532 = tpu.memref_squeeze %dma_wait3A_531 : memref<1x100xi32, #tpu.memory_space<vmem>> -> memref<100xi32, #tpu.memory_space<vmem>>
    %dma_wait3A_533 = arith.constant 0 : i32
    %dma_wait3A_534 = arith.constant 0 : i32
    %dma_wait3A_535 = tpu.memref_slice %arg3[%dma_wait3A_533, %dma_wait3A_534] : memref<1000000x32xf32, #tpu.memory_space<hbm>> -> memref<1000000x32xf32, #tpu.memory_space<hbm>>
    tpu.wait_indirect_dma semaphore(%arg30 : memref<!tpu.dma_semaphore, #tpu.memory_space<semaphore_mem>>) src(%dma_wait3A_535 : memref<1000000x32xf32, #tpu.memory_space<hbm>>) dst(%arg13 : memref<100x32xf32, #tpu.memory_space<vmem>>)
    %broadcast_in_dim3A_536 = arith.constant 0.000000e+00 : f32
    %broadcast_in_dim3A_537 = vector.broadcast %broadcast_in_dim3A_536 : f32 to vector<16xf32>
    %get3A_538 = arith.constant 0 : i32
    %get3A_539 = arith.index_cast %get3A_538 : i32 to index
    %get3A_540 = arith.constant 0 : index
    %get3A_541 = tpu.vector_load %arg13[%get3A_539, %get3A_540] {strides = array<i32>} : memref<100x32xf32, #tpu.memory_space<vmem>>, vector<1x16xf32>,
    %get3A_542 = vector.shape_cast %get3A_541 : vector<1x16xf32> to vector<16xf32>
    %add3A_543 = arith.addf %broadcast_in_dim3A_537, %get3A_542 : vector<16xf32>
    %swap3A_544 = arith.constant 110 : i32
    %swap3A_545 = arith.index_cast %swap3A_544 : i32 to index
    %swap3A_546 = arith.constant 0 : index
    %swap3A_547 = tpu.vector_load %arg22[%swap3A_545, %swap3A_546] {strides = array<i32>} : memref<128x32xf32, #tpu.memory_space<vmem>>, vector<1x16xf32>,
    %swap3A_548 = vector.shape_cast %swap3A_547 : vector<1x16xf32> to vector<16xf32>
    %swap3A_549 = vector.shape_cast %add3A_543 : vector<16xf32> to vector<1x16xf32>
    tpu.vector_store %arg22[%swap3A_545, %swap3A_546], %swap3A_549 {strides = array<i32>} : memref<128x32xf32, #tpu.memory_space<vmem>>, vector<1x16xf32>,
    %get3A_550 = arith.constant 0 : i32
    %get3A_551 = arith.index_cast %get3A_550 : i32 to index
    %get3A_552 = arith.constant 16 : index
    %get3A_553 = tpu.vector_load %arg13[%get3A_551, %get3A_552] {strides = array<i32>} : memref<100x32xf32, #tpu.memory_space<vmem>>, vector<1x16xf32>,
    %get3A_554 = vector.shape_cast %get3A_553 : vector<1x16xf32> to vector<16xf32>
    %add3A_555 = arith.addf %broadcast_in_dim3A_537, %get3A_554 : vector<16xf32>
    %swap3A_556 = arith.constant 110 : i32
    %swap3A_557 = arith.index_cast %swap3A_556 : i32 to index
    %swap3A_558 = arith.constant 16 : index
    %swap3A_559 = tpu.vector_load %arg22[%swap3A_557, %swap3A_558] {strides = array<i32>} : memref<128x32xf32, #tpu.memory_space<vmem>>, vector<1x16xf32>,
    %swap3A_560 = vector.shape_cast %swap3A_559 : vector<1x16xf32> to vector<16xf32>
    %swap3A_561 = vector.shape_cast %add3A_555 : vector<16xf32> to vector<1x16xf32>
    tpu.vector_store %arg22[%swap3A_557, %swap3A_558], %swap3A_561 {strides = array<i32>} : memref<128x32xf32, #tpu.memory_space<vmem>>, vector<1x16xf32>,
    %broadcast_in_dim3A_562 = arith.constant 0.000000e+00 : f32
    %broadcast_in_dim3A_563 = vector.broadcast %broadcast_in_dim3A_562 : f32 to vector<16xf32>
    %get3A_564 = arith.constant 50 : i32
    %get3A_565 = arith.index_cast %get3A_564 : i32 to index
    %get3A_566 = arith.constant 0 : index
    %get3A_567 = tpu.vector_load %arg13[%get3A_565, %get3A_566] {strides = array<i32>} : memref<100x32xf32, #tpu.memory_space<vmem>>, vector<1x16xf32>,
    %get3A_568 = vector.shape_cast %get3A_567 : vector<1x16xf32> to vector<16xf32>
    %add3A_569 = arith.addf %broadcast_in_dim3A_563, %get3A_568 : vector<16xf32>
    %swap3A_570 = arith.constant 111 : i32
    %swap3A_571 = arith.index_cast %swap3A_570 : i32 to index
    %swap3A_572 = arith.constant 0 : index
    %swap3A_573 = tpu.vector_load %arg22[%swap3A_571, %swap3A_572] {strides = array<i32>} : memref<128x32xf32, #tpu.memory_space<vmem>>, vector<1x16xf32>,
    %swap3A_574 = vector.shape_cast %swap3A_573 : vector<1x16xf32> to vector<16xf32>
    %swap3A_575 = vector.shape_cast %add3A_569 : vector<16xf32> to vector<1x16xf32>
    tpu.vector_store %arg22[%swap3A_571, %swap3A_572], %swap3A_575 {strides = array<i32>} : memref<128x32xf32, #tpu.memory_space<vmem>>, vector<1x16xf32>,
    %get3A_576 = arith.constant 50 : i32
    %get3A_577 = arith.index_cast %get3A_576 : i32 to index
    %get3A_578 = arith.constant 16 : index
    %get3A_579 = tpu.vector_load %arg13[%get3A_577, %get3A_578] {strides = array<i32>} : memref<100x32xf32, #tpu.memory_space<vmem>>, vector<1x16xf32>,
    %get3A_580 = vector.shape_cast %get3A_579 : vector<1x16xf32> to vector<16xf32>
    %add3A_581 = arith.addf %broadcast_in_dim3A_563, %get3A_580 : vector<16xf32>
    %swap3A_582 = arith.constant 111 : i32
    %swap3A_583 = arith.index_cast %swap3A_582 : i32 to index
    %swap3A_584 = arith.constant 16 : index
    %swap3A_585 = tpu.vector_load %arg22[%swap3A_583, %swap3A_584] {strides = array<i32>} : memref<128x32xf32, #tpu.memory_space<vmem>>, vector<1x16xf32>,
    %swap3A_586 = vector.shape_cast %swap3A_585 : vector<1x16xf32> to vector<16xf32>
    %swap3A_587 = vector.shape_cast %add3A_581 : vector<16xf32> to vector<1x16xf32>
    tpu.vector_store %arg22[%swap3A_583, %swap3A_584], %swap3A_587 {strides = array<i32>} : memref<128x32xf32, #tpu.memory_space<vmem>>, vector<1x16xf32>,
    %dma_wait3A_588 = arith.constant 56 : i32
    %dma_wait3A_589 = arith.constant 0 : i32
    %dma_wait3A_590 = tpu.memref_slice %arg5[%dma_wait3A_588, %dma_wait3A_589] : memref<64x100xi32, #tpu.memory_space<vmem>> -> memref<1x100xi32, #tpu.memory_space<vmem>>
    %dma_wait3A_591 = tpu.memref_squeeze %dma_wait3A_590 : memref<1x100xi32, #tpu.memory_space<vmem>> -> memref<100xi32, #tpu.memory_space<vmem>>
    %dma_wait3A_592 = arith.constant 0 : i32
    %dma_wait3A_593 = arith.constant 0 : i32
    %dma_wait3A_594 = tpu.memref_slice %arg3[%dma_wait3A_592, %dma_wait3A_593] : memref<1000000x32xf32, #tpu.memory_space<hbm>> -> memref<1000000x32xf32, #tpu.memory_space<hbm>>
    tpu.wait_indirect_dma semaphore(%arg31 : memref<!tpu.dma_semaphore, #tpu.memory_space<semaphore_mem>>) src(%dma_wait3A_594 : memref<1000000x32xf32, #tpu.memory_space<hbm>>) dst(%arg14 : memref<100x32xf32, #tpu.memory_space<vmem>>)
    %broadcast_in_dim3A_595 = arith.constant 0.000000e+00 : f32
    %broadcast_in_dim3A_596 = vector.broadcast %broadcast_in_dim3A_595 : f32 to vector<16xf32>
    %get3A_597 = arith.constant 0 : i32
    %get3A_598 = arith.index_cast %get3A_597 : i32 to index
    %get3A_599 = arith.constant 0 : index
    %get3A_600 = tpu.vector_load %arg14[%get3A_598, %get3A_599] {strides = array<i32>} : memref<100x32xf32, #tpu.memory_space<vmem>>, vector<1x16xf32>,
    %get3A_601 = vector.shape_cast %get3A_600 : vector<1x16xf32> to vector<16xf32>
    %add3A_602 = arith.addf %broadcast_in_dim3A_596, %get3A_601 : vector<16xf32>
    %swap3A_603 = arith.constant 112 : i32
    %swap3A_604 = arith.index_cast %swap3A_603 : i32 to index
    %swap3A_605 = arith.constant 0 : index
    %swap3A_606 = tpu.vector_load %arg22[%swap3A_604, %swap3A_605] {strides = array<i32>} : memref<128x32xf32, #tpu.memory_space<vmem>>, vector<1x16xf32>,
    %swap3A_607 = vector.shape_cast %swap3A_606 : vector<1x16xf32> to vector<16xf32>
    %swap3A_608 = vector.shape_cast %add3A_602 : vector<16xf32> to vector<1x16xf32>
    tpu.vector_store %arg22[%swap3A_604, %swap3A_605], %swap3A_608 {strides = array<i32>} : memref<128x32xf32, #tpu.memory_space<vmem>>, vector<1x16xf32>,
    %get3A_609 = arith.constant 0 : i32
    %get3A_610 = arith.index_cast %get3A_609 : i32 to index
    %get3A_611 = arith.constant 16 : index
    %get3A_612 = tpu.vector_load %arg14[%get3A_610, %get3A_611] {strides = array<i32>} : memref<100x32xf32, #tpu.memory_space<vmem>>, vector<1x16xf32>,
    %get3A_613 = vector.shape_cast %get3A_612 : vector<1x16xf32> to vector<16xf32>
    %add3A_614 = arith.addf %broadcast_in_dim3A_596, %get3A_613 : vector<16xf32>
    %swap3A_615 = arith.constant 112 : i32
    %swap3A_616 = arith.index_cast %swap3A_615 : i32 to index
    %swap3A_617 = arith.constant 16 : index
    %swap3A_618 = tpu.vector_load %arg22[%swap3A_616, %swap3A_617] {strides = array<i32>} : memref<128x32xf32, #tpu.memory_space<vmem>>, vector<1x16xf32>,
    %swap3A_619 = vector.shape_cast %swap3A_618 : vector<1x16xf32> to vector<16xf32>
    %swap3A_620 = vector.shape_cast %add3A_614 : vector<16xf32> to vector<1x16xf32>
    tpu.vector_store %arg22[%swap3A_616, %swap3A_617], %swap3A_620 {strides = array<i32>} : memref<128x32xf32, #tpu.memory_space<vmem>>, vector<1x16xf32>,
    %broadcast_in_dim3A_621 = arith.constant 0.000000e+00 : f32
    %broadcast_in_dim3A_622 = vector.broadcast %broadcast_in_dim3A_621 : f32 to vector<16xf32>
    %get3A_623 = arith.constant 50 : i32
    %get3A_624 = arith.index_cast %get3A_623 : i32 to index
    %get3A_625 = arith.constant 0 : index
    %get3A_626 = tpu.vector_load %arg14[%get3A_624, %get3A_625] {strides = array<i32>} : memref<100x32xf32, #tpu.memory_space<vmem>>, vector<1x16xf32>,
    %get3A_627 = vector.shape_cast %get3A_626 : vector<1x16xf32> to vector<16xf32>
    %add3A_628 = arith.addf %broadcast_in_dim3A_622, %get3A_627 : vector<16xf32>
    %swap3A_629 = arith.constant 113 : i32
    %swap3A_630 = arith.index_cast %swap3A_629 : i32 to index
    %swap3A_631 = arith.constant 0 : index
    %swap3A_632 = tpu.vector_load %arg22[%swap3A_630, %swap3A_631] {strides = array<i32>} : memref<128x32xf32, #tpu.memory_space<vmem>>, vector<1x16xf32>,
    %swap3A_633 = vector.shape_cast %swap3A_632 : vector<1x16xf32> to vector<16xf32>
    %swap3A_634 = vector.shape_cast %add3A_628 : vector<16xf32> to vector<1x16xf32>
    tpu.vector_store %arg22[%swap3A_630, %swap3A_631], %swap3A_634 {strides = array<i32>} : memref<128x32xf32, #tpu.memory_space<vmem>>, vector<1x16xf32>,
    %get3A_635 = arith.constant 50 : i32
    %get3A_636 = arith.index_cast %get3A_635 : i32 to index
    %get3A_637 = arith.constant 16 : index
    %get3A_638 = tpu.vector_load %arg14[%get3A_636, %get3A_637] {strides = array<i32>} : memref<100x32xf32, #tpu.memory_space<vmem>>, vector<1x16xf32>,
    %get3A_639 = vector.shape_cast %get3A_638 : vector<1x16xf32> to vector<16xf32>
    %add3A_640 = arith.addf %broadcast_in_dim3A_622, %get3A_639 : vector<16xf32>
    %swap3A_641 = arith.constant 113 : i32
    %swap3A_642 = arith.index_cast %swap3A_641 : i32 to index
    %swap3A_643 = arith.constant 16 : index
    %swap3A_644 = tpu.vector_load %arg22[%swap3A_642, %swap3A_643] {strides = array<i32>} : memref<128x32xf32, #tpu.memory_space<vmem>>, vector<1x16xf32>,
    %swap3A_645 = vector.shape_cast %swap3A_644 : vector<1x16xf32> to vector<16xf32>
    %swap3A_646 = vector.shape_cast %add3A_640 : vector<16xf32> to vector<1x16xf32>
    tpu.vector_store %arg22[%swap3A_642, %swap3A_643], %swap3A_646 {strides = array<i32>} : memref<128x32xf32, #tpu.memory_space<vmem>>, vector<1x16xf32>,
    %dma_wait3A_647 = arith.constant 57 : i32
    %dma_wait3A_648 = arith.constant 0 : i32
    %dma_wait3A_649 = tpu.memref_slice %arg5[%dma_wait3A_647, %dma_wait3A_648] : memref<64x100xi32, #tpu.memory_space<vmem>> -> memref<1x100xi32, #tpu.memory_space<vmem>>
    %dma_wait3A_650 = tpu.memref_squeeze %dma_wait3A_649 : memref<1x100xi32, #tpu.memory_space<vmem>> -> memref<100xi32, #tpu.memory_space<vmem>>
    %dma_wait3A_651 = arith.constant 0 : i32
    %dma_wait3A_652 = arith.constant 0 : i32
    %dma_wait3A_653 = tpu.memref_slice %arg3[%dma_wait3A_651, %dma_wait3A_652] : memref<1000000x32xf32, #tpu.memory_space<hbm>> -> memref<1000000x32xf32, #tpu.memory_space<hbm>>
    tpu.wait_indirect_dma semaphore(%arg32 : memref<!tpu.dma_semaphore, #tpu.memory_space<semaphore_mem>>) src(%dma_wait3A_653 : memref<1000000x32xf32, #tpu.memory_space<hbm>>) dst(%arg15 : memref<100x32xf32, #tpu.memory_space<vmem>>)
    %broadcast_in_dim3A_654 = arith.constant 0.000000e+00 : f32
    %broadcast_in_dim3A_655 = vector.broadcast %broadcast_in_dim3A_654 : f32 to vector<16xf32>
    %get3A_656 = arith.constant 0 : i32
    %get3A_657 = arith.index_cast %get3A_656 : i32 to index
    %get3A_658 = arith.constant 0 : index
    %get3A_659 = tpu.vector_load %arg15[%get3A_657, %get3A_658] {strides = array<i32>} : memref<100x32xf32, #tpu.memory_space<vmem>>, vector<1x16xf32>,
    %get3A_660 = vector.shape_cast %get3A_659 : vector<1x16xf32> to vector<16xf32>
    %add3A_661 = arith.addf %broadcast_in_dim3A_655, %get3A_660 : vector<16xf32>
    %swap3A_662 = arith.constant 114 : i32
    %swap3A_663 = arith.index_cast %swap3A_662 : i32 to index
    %swap3A_664 = arith.constant 0 : index
    %swap3A_665 = tpu.vector_load %arg22[%swap3A_663, %swap3A_664] {strides = array<i32>} : memref<128x32xf32, #tpu.memory_space<vmem>>, vector<1x16xf32>,
    %swap3A_666 = vector.shape_cast %swap3A_665 : vector<1x16xf32> to vector<16xf32>
    %swap3A_667 = vector.shape_cast %add3A_661 : vector<16xf32> to vector<1x16xf32>
    tpu.vector_store %arg22[%swap3A_663, %swap3A_664], %swap3A_667 {strides = array<i32>} : memref<128x32xf32, #tpu.memory_space<vmem>>, vector<1x16xf32>,
    %get3A_668 = arith.constant 0 : i32
    %get3A_669 = arith.index_cast %get3A_668 : i32 to index
    %get3A_670 = arith.constant 16 : index
    %get3A_671 = tpu.vector_load %arg15[%get3A_669, %get3A_670] {strides = array<i32>} : memref<100x32xf32, #tpu.memory_space<vmem>>, vector<1x16xf32>,
    %get3A_672 = vector.shape_cast %get3A_671 : vector<1x16xf32> to vector<16xf32>
    %add3A_673 = arith.addf %broadcast_in_dim3A_655, %get3A_672 : vector<16xf32>
    %swap3A_674 = arith.constant 114 : i32
    %swap3A_675 = arith.index_cast %swap3A_674 : i32 to index
    %swap3A_676 = arith.constant 16 : index
    %swap3A_677 = tpu.vector_load %arg22[%swap3A_675, %swap3A_676] {strides = array<i32>} : memref<128x32xf32, #tpu.memory_space<vmem>>, vector<1x16xf32>,
    %swap3A_678 = vector.shape_cast %swap3A_677 : vector<1x16xf32> to vector<16xf32>
    %swap3A_679 = vector.shape_cast %add3A_673 : vector<16xf32> to vector<1x16xf32>
    tpu.vector_store %arg22[%swap3A_675, %swap3A_676], %swap3A_679 {strides = array<i32>} : memref<128x32xf32, #tpu.memory_space<vmem>>, vector<1x16xf32>,
    %broadcast_in_dim3A_680 = arith.constant 0.000000e+00 : f32
    %broadcast_in_dim3A_681 = vector.broadcast %broadcast_in_dim3A_680 : f32 to vector<16xf32>
    %get3A_682 = arith.constant 50 : i32
    %get3A_683 = arith.index_cast %get3A_682 : i32 to index
    %get3A_684 = arith.constant 0 : index
    %get3A_685 = tpu.vector_load %arg15[%get3A_683, %get3A_684] {strides = array<i32>} : memref<100x32xf32, #tpu.memory_space<vmem>>, vector<1x16xf32>,
    %get3A_686 = vector.shape_cast %get3A_685 : vector<1x16xf32> to vector<16xf32>
    %add3A_687 = arith.addf %broadcast_in_dim3A_681, %get3A_686 : vector<16xf32>
    %swap3A_688 = arith.constant 115 : i32
    %swap3A_689 = arith.index_cast %swap3A_688 : i32 to index
    %swap3A_690 = arith.constant 0 : index
    %swap3A_691 = tpu.vector_load %arg22[%swap3A_689, %swap3A_690] {strides = array<i32>} : memref<128x32xf32, #tpu.memory_space<vmem>>, vector<1x16xf32>,
    %swap3A_692 = vector.shape_cast %swap3A_691 : vector<1x16xf32> to vector<16xf32>
    %swap3A_693 = vector.shape_cast %add3A_687 : vector<16xf32> to vector<1x16xf32>
    tpu.vector_store %arg22[%swap3A_689, %swap3A_690], %swap3A_693 {strides = array<i32>} : memref<128x32xf32, #tpu.memory_space<vmem>>, vector<1x16xf32>,
    %get3A_694 = arith.constant 50 : i32
    %get3A_695 = arith.index_cast %get3A_694 : i32 to index
    %get3A_696 = arith.constant 16 : index
    %get3A_697 = tpu.vector_load %arg15[%get3A_695, %get3A_696] {strides = array<i32>} : memref<100x32xf32, #tpu.memory_space<vmem>>, vector<1x16xf32>,
    %get3A_698 = vector.shape_cast %get3A_697 : vector<1x16xf32> to vector<16xf32>
    %add3A_699 = arith.addf %broadcast_in_dim3A_681, %get3A_698 : vector<16xf32>
    %swap3A_700 = arith.constant 115 : i32
    %swap3A_701 = arith.index_cast %swap3A_700 : i32 to index
    %swap3A_702 = arith.constant 16 : index
    %swap3A_703 = tpu.vector_load %arg22[%swap3A_701, %swap3A_702] {strides = array<i32>} : memref<128x32xf32, #tpu.memory_space<vmem>>, vector<1x16xf32>,
    %swap3A_704 = vector.shape_cast %swap3A_703 : vector<1x16xf32> to vector<16xf32>
    %swap3A_705 = vector.shape_cast %add3A_699 : vector<16xf32> to vector<1x16xf32>
    tpu.vector_store %arg22[%swap3A_701, %swap3A_702], %swap3A_705 {strides = array<i32>} : memref<128x32xf32, #tpu.memory_space<vmem>>, vector<1x16xf32>,
    %dma_wait3A_706 = arith.constant 58 : i32
    %dma_wait3A_707 = arith.constant 0 : i32
    %dma_wait3A_708 = tpu.memref_slice %arg5[%dma_wait3A_706, %dma_wait3A_707] : memref<64x100xi32, #tpu.memory_space<vmem>> -> memref<1x100xi32, #tpu.memory_space<vmem>>
    %dma_wait3A_709 = tpu.memref_squeeze %dma_wait3A_708 : memref<1x100xi32, #tpu.memory_space<vmem>> -> memref<100xi32, #tpu.memory_space<vmem>>
    %dma_wait3A_710 = arith.constant 0 : i32
    %dma_wait3A_711 = arith.constant 0 : i32
    %dma_wait3A_712 = tpu.memref_slice %arg3[%dma_wait3A_710, %dma_wait3A_711] : memref<1000000x32xf32, #tpu.memory_space<hbm>> -> memref<1000000x32xf32, #tpu.memory_space<hbm>>
    tpu.wait_indirect_dma semaphore(%arg33 : memref<!tpu.dma_semaphore, #tpu.memory_space<semaphore_mem>>) src(%dma_wait3A_712 : memref<1000000x32xf32, #tpu.memory_space<hbm>>) dst(%arg16 : memref<100x32xf32, #tpu.memory_space<vmem>>)
    %broadcast_in_dim3A_713 = arith.constant 0.000000e+00 : f32
    %broadcast_in_dim3A_714 = vector.broadcast %broadcast_in_dim3A_713 : f32 to vector<16xf32>
    %get3A_715 = arith.constant 0 : i32
    %get3A_716 = arith.index_cast %get3A_715 : i32 to index
    %get3A_717 = arith.constant 0 : index
    %get3A_718 = tpu.vector_load %arg16[%get3A_716, %get3A_717] {strides = array<i32>} : memref<100x32xf32, #tpu.memory_space<vmem>>, vector<1x16xf32>,
    %get3A_719 = vector.shape_cast %get3A_718 : vector<1x16xf32> to vector<16xf32>
    %add3A_720 = arith.addf %broadcast_in_dim3A_714, %get3A_719 : vector<16xf32>
    %swap3A_721 = arith.constant 116 : i32
    %swap3A_722 = arith.index_cast %swap3A_721 : i32 to index
    %swap3A_723 = arith.constant 0 : index
    %swap3A_724 = tpu.vector_load %arg22[%swap3A_722, %swap3A_723] {strides = array<i32>} : memref<128x32xf32, #tpu.memory_space<vmem>>, vector<1x16xf32>,
    %swap3A_725 = vector.shape_cast %swap3A_724 : vector<1x16xf32> to vector<16xf32>
    %swap3A_726 = vector.shape_cast %add3A_720 : vector<16xf32> to vector<1x16xf32>
    tpu.vector_store %arg22[%swap3A_722, %swap3A_723], %swap3A_726 {strides = array<i32>} : memref<128x32xf32, #tpu.memory_space<vmem>>, vector<1x16xf32>,
    %get3A_727 = arith.constant 0 : i32
    %get3A_728 = arith.index_cast %get3A_727 : i32 to index
    %get3A_729 = arith.constant 16 : index
    %get3A_730 = tpu.vector_load %arg16[%get3A_728, %get3A_729] {strides = array<i32>} : memref<100x32xf32, #tpu.memory_space<vmem>>, vector<1x16xf32>,
    %get3A_731 = vector.shape_cast %get3A_730 : vector<1x16xf32> to vector<16xf32>
    %add3A_732 = arith.addf %broadcast_in_dim3A_714, %get3A_731 : vector<16xf32>
    %swap3A_733 = arith.constant 116 : i32
    %swap3A_734 = arith.index_cast %swap3A_733 : i32 to index
    %swap3A_735 = arith.constant 16 : index
    %swap3A_736 = tpu.vector_load %arg22[%swap3A_734, %swap3A_735] {strides = array<i32>} : memref<128x32xf32, #tpu.memory_space<vmem>>, vector<1x16xf32>,
    %swap3A_737 = vector.shape_cast %swap3A_736 : vector<1x16xf32> to vector<16xf32>
    %swap3A_738 = vector.shape_cast %add3A_732 : vector<16xf32> to vector<1x16xf32>
    tpu.vector_store %arg22[%swap3A_734, %swap3A_735], %swap3A_738 {strides = array<i32>} : memref<128x32xf32, #tpu.memory_space<vmem>>, vector<1x16xf32>,
    %broadcast_in_dim3A_739 = arith.constant 0.000000e+00 : f32
    %broadcast_in_dim3A_740 = vector.broadcast %broadcast_in_dim3A_739 : f32 to vector<16xf32>
    %get3A_741 = arith.constant 50 : i32
    %get3A_742 = arith.index_cast %get3A_741 : i32 to index
    %get3A_743 = arith.constant 0 : index
    %get3A_744 = tpu.vector_load %arg16[%get3A_742, %get3A_743] {strides = array<i32>} : memref<100x32xf32, #tpu.memory_space<vmem>>, vector<1x16xf32>,
    %get3A_745 = vector.shape_cast %get3A_744 : vector<1x16xf32> to vector<16xf32>
    %add3A_746 = arith.addf %broadcast_in_dim3A_740, %get3A_745 : vector<16xf32>
    %swap3A_747 = arith.constant 117 : i32
    %swap3A_748 = arith.index_cast %swap3A_747 : i32 to index
    %swap3A_749 = arith.constant 0 : index
    %swap3A_750 = tpu.vector_load %arg22[%swap3A_748, %swap3A_749] {strides = array<i32>} : memref<128x32xf32, #tpu.memory_space<vmem>>, vector<1x16xf32>,
    %swap3A_751 = vector.shape_cast %swap3A_750 : vector<1x16xf32> to vector<16xf32>
    %swap3A_752 = vector.shape_cast %add3A_746 : vector<16xf32> to vector<1x16xf32>
    tpu.vector_store %arg22[%swap3A_748, %swap3A_749], %swap3A_752 {strides = array<i32>} : memref<128x32xf32, #tpu.memory_space<vmem>>, vector<1x16xf32>,
    %get3A_753 = arith.constant 50 : i32
    %get3A_754 = arith.index_cast %get3A_753 : i32 to index
    %get3A_755 = arith.constant 16 : index
    %get3A_756 = tpu.vector_load %arg16[%get3A_754, %get3A_755] {strides = array<i32>} : memref<100x32xf32, #tpu.memory_space<vmem>>, vector<1x16xf32>,
    %get3A_757 = vector.shape_cast %get3A_756 : vector<1x16xf32> to vector<16xf32>
    %add3A_758 = arith.addf %broadcast_in_dim3A_740, %get3A_757 : vector<16xf32>
    %swap3A_759 = arith.constant 117 : i32
    %swap3A_760 = arith.index_cast %swap3A_759 : i32 to index
    %swap3A_761 = arith.constant 16 : index
    %swap3A_762 = tpu.vector_load %arg22[%swap3A_760, %swap3A_761] {strides = array<i32>} : memref<128x32xf32, #tpu.memory_space<vmem>>, vector<1x16xf32>,
    %swap3A_763 = vector.shape_cast %swap3A_762 : vector<1x16xf32> to vector<16xf32>
    %swap3A_764 = vector.shape_cast %add3A_758 : vector<16xf32> to vector<1x16xf32>
    tpu.vector_store %arg22[%swap3A_760, %swap3A_761], %swap3A_764 {strides = array<i32>} : memref<128x32xf32, #tpu.memory_space<vmem>>, vector<1x16xf32>,
    %dma_wait3A_765 = arith.constant 59 : i32
    %dma_wait3A_766 = arith.constant 0 : i32
    %dma_wait3A_767 = tpu.memref_slice %arg5[%dma_wait3A_765, %dma_wait3A_766] : memref<64x100xi32, #tpu.memory_space<vmem>> -> memref<1x100xi32, #tpu.memory_space<vmem>>
    %dma_wait3A_768 = tpu.memref_squeeze %dma_wait3A_767 : memref<1x100xi32, #tpu.memory_space<vmem>> -> memref<100xi32, #tpu.memory_space<vmem>>
    %dma_wait3A_769 = arith.constant 0 : i32
    %dma_wait3A_770 = arith.constant 0 : i32
    %dma_wait3A_771 = tpu.memref_slice %arg3[%dma_wait3A_769, %dma_wait3A_770] : memref<1000000x32xf32, #tpu.memory_space<hbm>> -> memref<1000000x32xf32, #tpu.memory_space<hbm>>
    tpu.wait_indirect_dma semaphore(%arg34 : memref<!tpu.dma_semaphore, #tpu.memory_space<semaphore_mem>>) src(%dma_wait3A_771 : memref<1000000x32xf32, #tpu.memory_space<hbm>>) dst(%arg17 : memref<100x32xf32, #tpu.memory_space<vmem>>)
    %broadcast_in_dim3A_772 = arith.constant 0.000000e+00 : f32
    %broadcast_in_dim3A_773 = vector.broadcast %broadcast_in_dim3A_772 : f32 to vector<16xf32>
    %get3A_774 = arith.constant 0 : i32
    %get3A_775 = arith.index_cast %get3A_774 : i32 to index
    %get3A_776 = arith.constant 0 : index
    %get3A_777 = tpu.vector_load %arg17[%get3A_775, %get3A_776] {strides = array<i32>} : memref<100x32xf32, #tpu.memory_space<vmem>>, vector<1x16xf32>,
    %get3A_778 = vector.shape_cast %get3A_777 : vector<1x16xf32> to vector<16xf32>
    %add3A_779 = arith.addf %broadcast_in_dim3A_773, %get3A_778 : vector<16xf32>
    %swap3A_780 = arith.constant 118 : i32
    %swap3A_781 = arith.index_cast %swap3A_780 : i32 to index
    %swap3A_782 = arith.constant 0 : index
    %swap3A_783 = tpu.vector_load %arg22[%swap3A_781, %swap3A_782] {strides = array<i32>} : memref<128x32xf32, #tpu.memory_space<vmem>>, vector<1x16xf32>,
    %swap3A_784 = vector.shape_cast %swap3A_783 : vector<1x16xf32> to vector<16xf32>
    %swap3A_785 = vector.shape_cast %add3A_779 : vector<16xf32> to vector<1x16xf32>
    tpu.vector_store %arg22[%swap3A_781, %swap3A_782], %swap3A_785 {strides = array<i32>} : memref<128x32xf32, #tpu.memory_space<vmem>>, vector<1x16xf32>,
    %get3A_786 = arith.constant 0 : i32
    %get3A_787 = arith.index_cast %get3A_786 : i32 to index
    %get3A_788 = arith.constant 16 : index
    %get3A_789 = tpu.vector_load %arg17[%get3A_787, %get3A_788] {strides = array<i32>} : memref<100x32xf32, #tpu.memory_space<vmem>>, vector<1x16xf32>,
    %get3A_790 = vector.shape_cast %get3A_789 : vector<1x16xf32> to vector<16xf32>
    %add3A_791 = arith.addf %broadcast_in_dim3A_773, %get3A_790 : vector<16xf32>
    %swap3A_792 = arith.constant 118 : i32
    %swap3A_793 = arith.index_cast %swap3A_792 : i32 to index
    %swap3A_794 = arith.constant 16 : index
    %swap3A_795 = tpu.vector_load %arg22[%swap3A_793, %swap3A_794] {strides = array<i32>} : memref<128x32xf32, #tpu.memory_space<vmem>>, vector<1x16xf32>,
    %swap3A_796 = vector.shape_cast %swap3A_795 : vector<1x16xf32> to vector<16xf32>
    %swap3A_797 = vector.shape_cast %add3A_791 : vector<16xf32> to vector<1x16xf32>
    tpu.vector_store %arg22[%swap3A_793, %swap3A_794], %swap3A_797 {strides = array<i32>} : memref<128x32xf32, #tpu.memory_space<vmem>>, vector<1x16xf32>,
    %broadcast_in_dim3A_798 = arith.constant 0.000000e+00 : f32
    %broadcast_in_dim3A_799 = vector.broadcast %broadcast_in_dim3A_798 : f32 to vector<16xf32>
    %get3A_800 = arith.constant 50 : i32
    %get3A_801 = arith.index_cast %get3A_800 : i32 to index
    %get3A_802 = arith.constant 0 : index
    %get3A_803 = tpu.vector_load %arg17[%get3A_801, %get3A_802] {strides = array<i32>} : memref<100x32xf32, #tpu.memory_space<vmem>>, vector<1x16xf32>,
    %get3A_804 = vector.shape_cast %get3A_803 : vector<1x16xf32> to vector<16xf32>
    %add3A_805 = arith.addf %broadcast_in_dim3A_799, %get3A_804 : vector<16xf32>
    %swap3A_806 = arith.constant 119 : i32
    %swap3A_807 = arith.index_cast %swap3A_806 : i32 to index
    %swap3A_808 = arith.constant 0 : index
    %swap3A_809 = tpu.vector_load %arg22[%swap3A_807, %swap3A_808] {strides = array<i32>} : memref<128x32xf32, #tpu.memory_space<vmem>>, vector<1x16xf32>,
    %swap3A_810 = vector.shape_cast %swap3A_809 : vector<1x16xf32> to vector<16xf32>
    %swap3A_811 = vector.shape_cast %add3A_805 : vector<16xf32> to vector<1x16xf32>
    tpu.vector_store %arg22[%swap3A_807, %swap3A_808], %swap3A_811 {strides = array<i32>} : memref<128x32xf32, #tpu.memory_space<vmem>>, vector<1x16xf32>,
    %get3A_812 = arith.constant 50 : i32
    %get3A_813 = arith.index_cast %get3A_812 : i32 to index
    %get3A_814 = arith.constant 16 : index
    %get3A_815 = tpu.vector_load %arg17[%get3A_813, %get3A_814] {strides = array<i32>} : memref<100x32xf32, #tpu.memory_space<vmem>>, vector<1x16xf32>,
    %get3A_816 = vector.shape_cast %get3A_815 : vector<1x16xf32> to vector<16xf32>
    %add3A_817 = arith.addf %broadcast_in_dim3A_799, %get3A_816 : vector<16xf32>
    %swap3A_818 = arith.constant 119 : i32
    %swap3A_819 = arith.index_cast %swap3A_818 : i32 to index
    %swap3A_820 = arith.constant 16 : index
    %swap3A_821 = tpu.vector_load %arg22[%swap3A_819, %swap3A_820] {strides = array<i32>} : memref<128x32xf32, #tpu.memory_space<vmem>>, vector<1x16xf32>,
    %swap3A_822 = vector.shape_cast %swap3A_821 : vector<1x16xf32> to vector<16xf32>
    %swap3A_823 = vector.shape_cast %add3A_817 : vector<16xf32> to vector<1x16xf32>
    tpu.vector_store %arg22[%swap3A_819, %swap3A_820], %swap3A_823 {strides = array<i32>} : memref<128x32xf32, #tpu.memory_space<vmem>>, vector<1x16xf32>,
    %dma_wait3A_824 = arith.constant 60 : i32
    %dma_wait3A_825 = arith.constant 0 : i32
    %dma_wait3A_826 = tpu.memref_slice %arg5[%dma_wait3A_824, %dma_wait3A_825] : memref<64x100xi32, #tpu.memory_space<vmem>> -> memref<1x100xi32, #tpu.memory_space<vmem>>
    %dma_wait3A_827 = tpu.memref_squeeze %dma_wait3A_826 : memref<1x100xi32, #tpu.memory_space<vmem>> -> memref<100xi32, #tpu.memory_space<vmem>>
    %dma_wait3A_828 = arith.constant 0 : i32
    %dma_wait3A_829 = arith.constant 0 : i32
    %dma_wait3A_830 = tpu.memref_slice %arg3[%dma_wait3A_828, %dma_wait3A_829] : memref<1000000x32xf32, #tpu.memory_space<hbm>> -> memref<1000000x32xf32, #tpu.memory_space<hbm>>
    tpu.wait_indirect_dma semaphore(%arg35 : memref<!tpu.dma_semaphore, #tpu.memory_space<semaphore_mem>>) src(%dma_wait3A_830 : memref<1000000x32xf32, #tpu.memory_space<hbm>>) dst(%arg18 : memref<100x32xf32, #tpu.memory_space<vmem>>)
    %broadcast_in_dim3A_831 = arith.constant 0.000000e+00 : f32
    %broadcast_in_dim3A_832 = vector.broadcast %broadcast_in_dim3A_831 : f32 to vector<16xf32>
    %get3A_833 = arith.constant 0 : i32
    %get3A_834 = arith.index_cast %get3A_833 : i32 to index
    %get3A_835 = arith.constant 0 : index
    %get3A_836 = tpu.vector_load %arg18[%get3A_834, %get3A_835] {strides = array<i32>} : memref<100x32xf32, #tpu.memory_space<vmem>>, vector<1x16xf32>,
    %get3A_837 = vector.shape_cast %get3A_836 : vector<1x16xf32> to vector<16xf32>
    %add3A_838 = arith.addf %broadcast_in_dim3A_832, %get3A_837 : vector<16xf32>
    %swap3A_839 = arith.constant 120 : i32
    %swap3A_840 = arith.index_cast %swap3A_839 : i32 to index
    %swap3A_841 = arith.constant 0 : index
    %swap3A_842 = tpu.vector_load %arg22[%swap3A_840, %swap3A_841] {strides = array<i32>} : memref<128x32xf32, #tpu.memory_space<vmem>>, vector<1x16xf32>,
    %swap3A_843 = vector.shape_cast %swap3A_842 : vector<1x16xf32> to vector<16xf32>
    %swap3A_844 = vector.shape_cast %add3A_838 : vector<16xf32> to vector<1x16xf32>
    tpu.vector_store %arg22[%swap3A_840, %swap3A_841], %swap3A_844 {strides = array<i32>} : memref<128x32xf32, #tpu.memory_space<vmem>>, vector<1x16xf32>,
    %get3A_845 = arith.constant 0 : i32
    %get3A_846 = arith.index_cast %get3A_845 : i32 to index
    %get3A_847 = arith.constant 16 : index
    %get3A_848 = tpu.vector_load %arg18[%get3A_846, %get3A_847] {strides = array<i32>} : memref<100x32xf32, #tpu.memory_space<vmem>>, vector<1x16xf32>,
    %get3A_849 = vector.shape_cast %get3A_848 : vector<1x16xf32> to vector<16xf32>
    %add3A_850 = arith.addf %broadcast_in_dim3A_832, %get3A_849 : vector<16xf32>
    %swap3A_851 = arith.constant 120 : i32
    %swap3A_852 = arith.index_cast %swap3A_851 : i32 to index
    %swap3A_853 = arith.constant 16 : index
    %swap3A_854 = tpu.vector_load %arg22[%swap3A_852, %swap3A_853] {strides = array<i32>} : memref<128x32xf32, #tpu.memory_space<vmem>>, vector<1x16xf32>,
    %swap3A_855 = vector.shape_cast %swap3A_854 : vector<1x16xf32> to vector<16xf32>
    %swap3A_856 = vector.shape_cast %add3A_850 : vector<16xf32> to vector<1x16xf32>
    tpu.vector_store %arg22[%swap3A_852, %swap3A_853], %swap3A_856 {strides = array<i32>} : memref<128x32xf32, #tpu.memory_space<vmem>>, vector<1x16xf32>,
    %broadcast_in_dim3A_857 = arith.constant 0.000000e+00 : f32
    %broadcast_in_dim3A_858 = vector.broadcast %broadcast_in_dim3A_857 : f32 to vector<16xf32>
    %get3A_859 = arith.constant 50 : i32
    %get3A_860 = arith.index_cast %get3A_859 : i32 to index
    %get3A_861 = arith.constant 0 : index
    %get3A_862 = tpu.vector_load %arg18[%get3A_860, %get3A_861] {strides = array<i32>} : memref<100x32xf32, #tpu.memory_space<vmem>>, vector<1x16xf32>,
    %get3A_863 = vector.shape_cast %get3A_862 : vector<1x16xf32> to vector<16xf32>
    %add3A_864 = arith.addf %broadcast_in_dim3A_858, %get3A_863 : vector<16xf32>
    %swap3A_865 = arith.constant 121 : i32
    %swap3A_866 = arith.index_cast %swap3A_865 : i32 to index
    %swap3A_867 = arith.constant 0 : index
    %swap3A_868 = tpu.vector_load %arg22[%swap3A_866, %swap3A_867] {strides = array<i32>} : memref<128x32xf32, #tpu.memory_space<vmem>>, vector<1x16xf32>,
    %swap3A_869 = vector.shape_cast %swap3A_868 : vector<1x16xf32> to vector<16xf32>
    %swap3A_870 = vector.shape_cast %add3A_864 : vector<16xf32> to vector<1x16xf32>
    tpu.vector_store %arg22[%swap3A_866, %swap3A_867], %swap3A_870 {strides = array<i32>} : memref<128x32xf32, #tpu.memory_space<vmem>>, vector<1x16xf32>,
    %get3A_871 = arith.constant 50 : i32
    %get3A_872 = arith.index_cast %get3A_871 : i32 to index
    %get3A_873 = arith.constant 16 : index
    %get3A_874 = tpu.vector_load %arg18[%get3A_872, %get3A_873] {strides = array<i32>} : memref<100x32xf32, #tpu.memory_space<vmem>>, vector<1x16xf32>,
    %get3A_875 = vector.shape_cast %get3A_874 : vector<1x16xf32> to vector<16xf32>
    %add3A_876 = arith.addf %broadcast_in_dim3A_858, %get3A_875 : vector<16xf32>
    %swap3A_877 = arith.constant 121 : i32
    %swap3A_878 = arith.index_cast %swap3A_877 : i32 to index
    %swap3A_879 = arith.constant 16 : index
    %swap3A_880 = tpu.vector_load %arg22[%swap3A_878, %swap3A_879] {strides = array<i32>} : memref<128x32xf32, #tpu.memory_space<vmem>>, vector<1x16xf32>,
    %swap3A_881 = vector.shape_cast %swap3A_880 : vector<1x16xf32> to vector<16xf32>
    %swap3A_882 = vector.shape_cast %add3A_876 : vector<16xf32> to vector<1x16xf32>
    tpu.vector_store %arg22[%swap3A_878, %swap3A_879], %swap3A_882 {strides = array<i32>} : memref<128x32xf32, #tpu.memory_space<vmem>>, vector<1x16xf32>,
    %dma_wait3A_883 = arith.constant 61 : i32
    %dma_wait3A_884 = arith.constant 0 : i32
    %dma_wait3A_885 = tpu.memref_slice %arg5[%dma_wait3A_883, %dma_wait3A_884] : memref<64x100xi32, #tpu.memory_space<vmem>> -> memref<1x100xi32, #tpu.memory_space<vmem>>
    %dma_wait3A_886 = tpu.memref_squeeze %dma_wait3A_885 : memref<1x100xi32, #tpu.memory_space<vmem>> -> memref<100xi32, #tpu.memory_space<vmem>>
    %dma_wait3A_887 = arith.constant 0 : i32
    %dma_wait3A_888 = arith.constant 0 : i32
    %dma_wait3A_889 = tpu.memref_slice %arg3[%dma_wait3A_887, %dma_wait3A_888] : memref<1000000x32xf32, #tpu.memory_space<hbm>> -> memref<1000000x32xf32, #tpu.memory_space<hbm>>
    tpu.wait_indirect_dma semaphore(%arg36 : memref<!tpu.dma_semaphore, #tpu.memory_space<semaphore_mem>>) src(%dma_wait3A_889 : memref<1000000x32xf32, #tpu.memory_space<hbm>>) dst(%arg19 : memref<100x32xf32, #tpu.memory_space<vmem>>)
    %broadcast_in_dim3A_890 = arith.constant 0.000000e+00 : f32
    %broadcast_in_dim3A_891 = vector.broadcast %broadcast_in_dim3A_890 : f32 to vector<16xf32>
    %get3A_892 = arith.constant 0 : i32
    %get3A_893 = arith.index_cast %get3A_892 : i32 to index
    %get3A_894 = arith.constant 0 : index
    %get3A_895 = tpu.vector_load %arg19[%get3A_893, %get3A_894] {strides = array<i32>} : memref<100x32xf32, #tpu.memory_space<vmem>>, vector<1x16xf32>,
    %get3A_896 = vector.shape_cast %get3A_895 : vector<1x16xf32> to vector<16xf32>
    %add3A_897 = arith.addf %broadcast_in_dim3A_891, %get3A_896 : vector<16xf32>
    %swap3A_898 = arith.constant 122 : i32
    %swap3A_899 = arith.index_cast %swap3A_898 : i32 to index
    %swap3A_900 = arith.constant 0 : index
    %swap3A_901 = tpu.vector_load %arg22[%swap3A_899, %swap3A_900] {strides = array<i32>} : memref<128x32xf32, #tpu.memory_space<vmem>>, vector<1x16xf32>,
    %swap3A_902 = vector.shape_cast %swap3A_901 : vector<1x16xf32> to vector<16xf32>
    %swap3A_903 = vector.shape_cast %add3A_897 : vector<16xf32> to vector<1x16xf32>
    tpu.vector_store %arg22[%swap3A_899, %swap3A_900], %swap3A_903 {strides = array<i32>} : memref<128x32xf32, #tpu.memory_space<vmem>>, vector<1x16xf32>,
    %get3A_904 = arith.constant 0 : i32
    %get3A_905 = arith.index_cast %get3A_904 : i32 to index
    %get3A_906 = arith.constant 16 : index
    %get3A_907 = tpu.vector_load %arg19[%get3A_905, %get3A_906] {strides = array<i32>} : memref<100x32xf32, #tpu.memory_space<vmem>>, vector<1x16xf32>,
    %get3A_908 = vector.shape_cast %get3A_907 : vector<1x16xf32> to vector<16xf32>
    %add3A_909 = arith.addf %broadcast_in_dim3A_891, %get3A_908 : vector<16xf32>
    %swap3A_910 = arith.constant 122 : i32
    %swap3A_911 = arith.index_cast %swap3A_910 : i32 to index
    %swap3A_912 = arith.constant 16 : index
    %swap3A_913 = tpu.vector_load %arg22[%swap3A_911, %swap3A_912] {strides = array<i32>} : memref<128x32xf32, #tpu.memory_space<vmem>>, vector<1x16xf32>,
    %swap3A_914 = vector.shape_cast %swap3A_913 : vector<1x16xf32> to vector<16xf32>
    %swap3A_915 = vector.shape_cast %add3A_909 : vector<16xf32> to vector<1x16xf32>
    tpu.vector_store %arg22[%swap3A_911, %swap3A_912], %swap3A_915 {strides = array<i32>} : memref<128x32xf32, #tpu.memory_space<vmem>>, vector<1x16xf32>,
    %broadcast_in_dim3A_916 = arith.constant 0.000000e+00 : f32
    %broadcast_in_dim3A_917 = vector.broadcast %broadcast_in_dim3A_916 : f32 to vector<16xf32>
    %get3A_918 = arith.constant 50 : i32
    %get3A_919 = arith.index_cast %get3A_918 : i32 to index
    %get3A_920 = arith.constant 0 : index
    %get3A_921 = tpu.vector_load %arg19[%get3A_919, %get3A_920] {strides = array<i32>} : memref<100x32xf32, #tpu.memory_space<vmem>>, vector<1x16xf32>,
    %get3A_922 = vector.shape_cast %get3A_921 : vector<1x16xf32> to vector<16xf32>
    %add3A_923 = arith.addf %broadcast_in_dim3A_917, %get3A_922 : vector<16xf32>
    %swap3A_924 = arith.constant 123 : i32
    %swap3A_925 = arith.index_cast %swap3A_924 : i32 to index
    %swap3A_926 = arith.constant 0 : index
    %swap3A_927 = tpu.vector_load %arg22[%swap3A_925, %swap3A_926] {strides = array<i32>} : memref<128x32xf32, #tpu.memory_space<vmem>>, vector<1x16xf32>,
    %swap3A_928 = vector.shape_cast %swap3A_927 : vector<1x16xf32> to vector<16xf32>
    %swap3A_929 = vector.shape_cast %add3A_923 : vector<16xf32> to vector<1x16xf32>
    tpu.vector_store %arg22[%swap3A_925, %swap3A_926], %swap3A_929 {strides = array<i32>} : memref<128x32xf32, #tpu.memory_space<vmem>>, vector<1x16xf32>,
    %get3A_930 = arith.constant 50 : i32
    %get3A_931 = arith.index_cast %get3A_930 : i32 to index
    %get3A_932 = arith.constant 16 : index
    %get3A_933 = tpu.vector_load %arg19[%get3A_931, %get3A_932] {strides = array<i32>} : memref<100x32xf32, #tpu.memory_space<vmem>>, vector<1x16xf32>,
    %get3A_934 = vector.shape_cast %get3A_933 : vector<1x16xf32> to vector<16xf32>
    %add3A_935 = arith.addf %broadcast_in_dim3A_917, %get3A_934 : vector<16xf32>
    %swap3A_936 = arith.constant 123 : i32
    %swap3A_937 = arith.index_cast %swap3A_936 : i32 to index
    %swap3A_938 = arith.constant 16 : index
    %swap3A_939 = tpu.vector_load %arg22[%swap3A_937, %swap3A_938] {strides = array<i32>} : memref<128x32xf32, #tpu.memory_space<vmem>>, vector<1x16xf32>,
    %swap3A_940 = vector.shape_cast %swap3A_939 : vector<1x16xf32> to vector<16xf32>
    %swap3A_941 = vector.shape_cast %add3A_935 : vector<16xf32> to vector<1x16xf32>
    tpu.vector_store %arg22[%swap3A_937, %swap3A_938], %swap3A_941 {strides = array<i32>} : memref<128x32xf32, #tpu.memory_space<vmem>>, vector<1x16xf32>,
    %dma_wait3A_942 = arith.constant 62 : i32
    %dma_wait3A_943 = arith.constant 0 : i32
    %dma_wait3A_944 = tpu.memref_slice %arg5[%dma_wait3A_942, %dma_wait3A_943] : memref<64x100xi32, #tpu.memory_space<vmem>> -> memref<1x100xi32, #tpu.memory_space<vmem>>
    %dma_wait3A_945 = tpu.memref_squeeze %dma_wait3A_944 : memref<1x100xi32, #tpu.memory_space<vmem>> -> memref<100xi32, #tpu.memory_space<vmem>>
    %dma_wait3A_946 = arith.constant 0 : i32
    %dma_wait3A_947 = arith.constant 0 : i32
    %dma_wait3A_948 = tpu.memref_slice %arg3[%dma_wait3A_946, %dma_wait3A_947] : memref<1000000x32xf32, #tpu.memory_space<hbm>> -> memref<1000000x32xf32, #tpu.memory_space<hbm>>
    tpu.wait_indirect_dma semaphore(%arg37 : memref<!tpu.dma_semaphore, #tpu.memory_space<semaphore_mem>>) src(%dma_wait3A_948 : memref<1000000x32xf32, #tpu.memory_space<hbm>>) dst(%arg20 : memref<100x32xf32, #tpu.memory_space<vmem>>)
    %broadcast_in_dim3A_949 = arith.constant 0.000000e+00 : f32
    %broadcast_in_dim3A_950 = vector.broadcast %broadcast_in_dim3A_949 : f32 to vector<16xf32>
    %get3A_951 = arith.constant 0 : i32
    %get3A_952 = arith.index_cast %get3A_951 : i32 to index
    %get3A_953 = arith.constant 0 : index
    %get3A_954 = tpu.vector_load %arg20[%get3A_952, %get3A_953] {strides = array<i32>} : memref<100x32xf32, #tpu.memory_space<vmem>>, vector<1x16xf32>,
    %get3A_955 = vector.shape_cast %get3A_954 : vector<1x16xf32> to vector<16xf32>
    %add3A_956 = arith.addf %broadcast_in_dim3A_950, %get3A_955 : vector<16xf32>
    %swap3A_957 = arith.constant 124 : i32
    %swap3A_958 = arith.index_cast %swap3A_957 : i32 to index
    %swap3A_959 = arith.constant 0 : index
    %swap3A_960 = tpu.vector_load %arg22[%swap3A_958, %swap3A_959] {strides = array<i32>} : memref<128x32xf32, #tpu.memory_space<vmem>>, vector<1x16xf32>,
    %swap3A_961 = vector.shape_cast %swap3A_960 : vector<1x16xf32> to vector<16xf32>
    %swap3A_962 = vector.shape_cast %add3A_956 : vector<16xf32> to vector<1x16xf32>
    tpu.vector_store %arg22[%swap3A_958, %swap3A_959], %swap3A_962 {strides = array<i32>} : memref<128x32xf32, #tpu.memory_space<vmem>>, vector<1x16xf32>,
    %get3A_963 = arith.constant 0 : i32
    %get3A_964 = arith.index_cast %get3A_963 : i32 to index
    %get3A_965 = arith.constant 16 : index
    %get3A_966 = tpu.vector_load %arg20[%get3A_964, %get3A_965] {strides = array<i32>} : memref<100x32xf32, #tpu.memory_space<vmem>>, vector<1x16xf32>,
    %get3A_967 = vector.shape_cast %get3A_966 : vector<1x16xf32> to vector<16xf32>
    %add3A_968 = arith.addf %broadcast_in_dim3A_950, %get3A_967 : vector<16xf32>
    %swap3A_969 = arith.constant 124 : i32
    %swap3A_970 = arith.index_cast %swap3A_969 : i32 to index
    %swap3A_971 = arith.constant 16 : index
    %swap3A_972 = tpu.vector_load %arg22[%swap3A_970, %swap3A_971] {strides = array<i32>} : memref<128x32xf32, #tpu.memory_space<vmem>>, vector<1x16xf32>,
    %swap3A_973 = vector.shape_cast %swap3A_972 : vector<1x16xf32> to vector<16xf32>
    %swap3A_974 = vector.shape_cast %add3A_968 : vector<16xf32> to vector<1x16xf32>
    tpu.vector_store %arg22[%swap3A_970, %swap3A_971], %swap3A_974 {strides = array<i32>} : memref<128x32xf32, #tpu.memory_space<vmem>>, vector<1x16xf32>,
    %broadcast_in_dim3A_975 = arith.constant 0.000000e+00 : f32
    %broadcast_in_dim3A_976 = vector.broadcast %broadcast_in_dim3A_975 : f32 to vector<16xf32>
    %get3A_977 = arith.constant 50 : i32
    %get3A_978 = arith.index_cast %get3A_977 : i32 to index
    %get3A_979 = arith.constant 0 : index
    %get3A_980 = tpu.vector_load %arg20[%get3A_978, %get3A_979] {strides = array<i32>} : memref<100x32xf32, #tpu.memory_space<vmem>>, vector<1x16xf32>,
    %get3A_981 = vector.shape_cast %get3A_980 : vector<1x16xf32> to vector<16xf32>
    %add3A_982 = arith.addf %broadcast_in_dim3A_976, %get3A_981 : vector<16xf32>
    %swap3A_983 = arith.constant 125 : i32
    %swap3A_984 = arith.index_cast %swap3A_983 : i32 to index
    %swap3A_985 = arith.constant 0 : index
    %swap3A_986 = tpu.vector_load %arg22[%swap3A_984, %swap3A_985] {strides = array<i32>} : memref<128x32xf32, #tpu.memory_space<vmem>>, vector<1x16xf32>,
    %swap3A_987 = vector.shape_cast %swap3A_986 : vector<1x16xf32> to vector<16xf32>
    %swap3A_988 = vector.shape_cast %add3A_982 : vector<16xf32> to vector<1x16xf32>
    tpu.vector_store %arg22[%swap3A_984, %swap3A_985], %swap3A_988 {strides = array<i32>} : memref<128x32xf32, #tpu.memory_space<vmem>>, vector<1x16xf32>,
    %get3A_989 = arith.constant 50 : i32
    %get3A_990 = arith.index_cast %get3A_989 : i32 to index
    %get3A_991 = arith.constant 16 : index
    %get3A_992 = tpu.vector_load %arg20[%get3A_990, %get3A_991] {strides = array<i32>} : memref<100x32xf32, #tpu.memory_space<vmem>>, vector<1x16xf32>,
    %get3A_993 = vector.shape_cast %get3A_992 : vector<1x16xf32> to vector<16xf32>
    %add3A_994 = arith.addf %broadcast_in_dim3A_976, %get3A_993 : vector<16xf32>
    %swap3A_995 = arith.constant 125 : i32
    %swap3A_996 = arith.index_cast %swap3A_995 : i32 to index
    %swap3A_997 = arith.constant 16 : index
    %swap3A_998 = tpu.vector_load %arg22[%swap3A_996, %swap3A_997] {strides = array<i32>} : memref<128x32xf32, #tpu.memory_space<vmem>>, vector<1x16xf32>,
    %swap3A_999 = vector.shape_cast %swap3A_998 : vector<1x16xf32> to vector<16xf32>
    %swap3A_1000 = vector.shape_cast %add3A_994 : vector<16xf32> to vector<1x16xf32>
    tpu.vector_store %arg22[%swap3A_996, %swap3A_997], %swap3A_1000 {strides = array<i32>} : memref<128x32xf32, #tpu.memory_space<vmem>>, vector<1x16xf32>,
    %dma_wait3A_1001 = arith.constant 63 : i32
    %dma_wait3A_1002 = arith.constant 0 : i32
    %dma_wait3A_1003 = tpu.memref_slice %arg5[%dma_wait3A_1001, %dma_wait3A_1002] : memref<64x100xi32, #tpu.memory_space<vmem>> -> memref<1x100xi32, #tpu.memory_space<vmem>>
    %dma_wait3A_1004 = tpu.memref_squeeze %dma_wait3A_1003 : memref<1x100xi32, #tpu.memory_space<vmem>> -> memref<100xi32, #tpu.memory_space<vmem>>
    %dma_wait3A_1005 = arith.constant 0 : i32
    %dma_wait3A_1006 = arith.constant 0 : i32
    %dma_wait3A_1007 = tpu.memref_slice %arg3[%dma_wait3A_1005, %dma_wait3A_1006] : memref<1000000x32xf32, #tpu.memory_space<hbm>> -> memref<1000000x32xf32, #tpu.memory_space<hbm>>
    tpu.wait_indirect_dma semaphore(%arg38 : memref<!tpu.dma_semaphore, #tpu.memory_space<semaphore_mem>>) src(%dma_wait3A_1007 : memref<1000000x32xf32, #tpu.memory_space<hbm>>) dst(%arg21 : memref<100x32xf32, #tpu.memory_space<vmem>>)
    %broadcast_in_dim3A_1008 = arith.constant 0.000000e+00 : f32
    %broadcast_in_dim3A_1009 = vector.broadcast %broadcast_in_dim3A_1008 : f32 to vector<16xf32>
    %get3A_1010 = arith.constant 0 : i32
    %get3A_1011 = arith.index_cast %get3A_1010 : i32 to index
    %get3A_1012 = arith.constant 0 : index
    %get3A_1013 = tpu.vector_load %arg21[%get3A_1011, %get3A_1012] {strides = array<i32>} : memref<100x32xf32, #tpu.memory_space<vmem>>, vector<1x16xf32>,
    %get3A_1014 = vector.shape_cast %get3A_1013 : vector<1x16xf32> to vector<16xf32>
    %add3A_1015 = arith.addf %broadcast_in_dim3A_1009, %get3A_1014 : vector<16xf32>
    %swap3A_1016 = arith.constant 126 : i32
    %swap3A_1017 = arith.index_cast %swap3A_1016 : i32 to index
    %swap3A_1018 = arith.constant 0 : index
    %swap3A_1019 = tpu.vector_load %arg22[%swap3A_1017, %swap3A_1018] {strides = array<i32>} : memref<128x32xf32, #tpu.memory_space<vmem>>, vector<1x16xf32>,
    %swap3A_1020 = vector.shape_cast %swap3A_1019 : vector<1x16xf32> to vector<16xf32>
    %swap3A_1021 = vector.shape_cast %add3A_1015 : vector<16xf32> to vector<1x16xf32>
    tpu.vector_store %arg22[%swap3A_1017, %swap3A_1018], %swap3A_1021 {strides = array<i32>} : memref<128x32xf32, #tpu.memory_space<vmem>>, vector<1x16xf32>,
    %get3A_1022 = arith.constant 0 : i32
    %get3A_1023 = arith.index_cast %get3A_1022 : i32 to index
    %get3A_1024 = arith.constant 16 : index
    %get3A_1025 = tpu.vector_load %arg21[%get3A_1023, %get3A_1024] {strides = array<i32>} : memref<100x32xf32, #tpu.memory_space<vmem>>, vector<1x16xf32>,
    %get3A_1026 = vector.shape_cast %get3A_1025 : vector<1x16xf32> to vector<16xf32>
    %add3A_1027 = arith.addf %broadcast_in_dim3A_1009, %get3A_1026 : vector<16xf32>
    %swap3A_1028 = arith.constant 126 : i32
    %swap3A_1029 = arith.index_cast %swap3A_1028 : i32 to index
    %swap3A_1030 = arith.constant 16 : index
    %swap3A_1031 = tpu.vector_load %arg22[%swap3A_1029, %swap3A_1030] {strides = array<i32>} : memref<128x32xf32, #tpu.memory_space<vmem>>, vector<1x16xf32>,
    %swap3A_1032 = vector.shape_cast %swap3A_1031 : vector<1x16xf32> to vector<16xf32>
    %swap3A_1033 = vector.shape_cast %add3A_1027 : vector<16xf32> to vector<1x16xf32>
    tpu.vector_store %arg22[%swap3A_1029, %swap3A_1030], %swap3A_1033 {strides = array<i32>} : memref<128x32xf32, #tpu.memory_space<vmem>>, vector<1x16xf32>,
    %broadcast_in_dim3A_1034 = arith.constant 0.000000e+00 : f32
    %broadcast_in_dim3A_1035 = vector.broadcast %broadcast_in_dim3A_1034 : f32 to vector<16xf32>
    %get3A_1036 = arith.constant 50 : i32
    %get3A_1037 = arith.index_cast %get3A_1036 : i32 to index
    %get3A_1038 = arith.constant 0 : index
    %get3A_1039 = tpu.vector_load %arg21[%get3A_1037, %get3A_1038] {strides = array<i32>} : memref<100x32xf32, #tpu.memory_space<vmem>>, vector<1x16xf32>,
    %get3A_1040 = vector.shape_cast %get3A_1039 : vector<1x16xf32> to vector<16xf32>
    %add3A_1041 = arith.addf %broadcast_in_dim3A_1035, %get3A_1040 : vector<16xf32>
    %swap3A_1042 = arith.constant 127 : i32
    %swap3A_1043 = arith.index_cast %swap3A_1042 : i32 to index
    %swap3A_1044 = arith.constant 0 : index
    %swap3A_1045 = tpu.vector_load %arg22[%swap3A_1043, %swap3A_1044] {strides = array<i32>} : memref<128x32xf32, #tpu.memory_space<vmem>>, vector<1x16xf32>,
    %swap3A_1046 = vector.shape_cast %swap3A_1045 : vector<1x16xf32> to vector<16xf32>
    %swap3A_1047 = vector.shape_cast %add3A_1041 : vector<16xf32> to vector<1x16xf32>
    tpu.vector_store %arg22[%swap3A_1043, %swap3A_1044], %swap3A_1047 {strides = array<i32>} : memref<128x32xf32, #tpu.memory_space<vmem>>, vector<1x16xf32>,
    %get3A_1048 = arith.constant 50 : i32
    %get3A_1049 = arith.index_cast %get3A_1048 : i32 to index
    %get3A_1050 = arith.constant 16 : index
    %get3A_1051 = tpu.vector_load %arg21[%get3A_1049, %get3A_1050] {strides = array<i32>} : memref<100x32xf32, #tpu.memory_space<vmem>>, vector<1x16xf32>,
    %get3A_1052 = vector.shape_cast %get3A_1051 : vector<1x16xf32> to vector<16xf32>
    %add3A_1053 = arith.addf %broadcast_in_dim3A_1035, %get3A_1052 : vector<16xf32>
    %swap3A_1054 = arith.constant 127 : i32
    %swap3A_1055 = arith.index_cast %swap3A_1054 : i32 to index
    %swap3A_1056 = arith.constant 16 : index
    %swap3A_1057 = tpu.vector_load %arg22[%swap3A_1055, %swap3A_1056] {strides = array<i32>} : memref<128x32xf32, #tpu.memory_space<vmem>>, vector<1x16xf32>,
    %swap3A_1058 = vector.shape_cast %swap3A_1057 : vector<1x16xf32> to vector<16xf32>
    %swap3A_1059 = vector.shape_cast %add3A_1053 : vector<16xf32> to vector<1x16xf32>
    tpu.vector_store %arg22[%swap3A_1055, %swap3A_1056], %swap3A_1059 {strides = array<i32>} : memref<128x32xf32, #tpu.memory_space<vmem>>, vector<1x16xf32>,
    %mul3A_1060 = arith.constant 128 : i32
    %mul3A_1061 = arith.muli %add3A, %mul3A_1060 : i32
    "tpu.region"() ({
      %run_scoped3A = tpu.sem_alloc : memref<!tpu.dma_semaphore, #tpu.memory_space<semaphore_mem>>
      %dma_start3A_1062 = arith.constant 0 : i32
      %dma_start3A_1063 = tpu.memref_slice %arg4[%mul3A_1061, %dma_start3A_1062] : memref<4096x32xf32, #tpu.memory_space<hbm>> -> memref<128x32xf32, #tpu.memory_space<hbm>>
      %dma_start3A_1064 = arith.constant 0 : i32
      %dma_start3A_1065 = tpu.memref_slice %arg4[%mul3A_1061, %dma_start3A_1064] : memref<4096x32xf32, #tpu.memory_space<hbm>> -> memref<128x32xf32, #tpu.memory_space<hbm>>
      tpu.enqueue_dma source(%arg22 : memref<128x32xf32, #tpu.memory_space<vmem>>) target(%dma_start3A_1065 : memref<128x32xf32, #tpu.memory_space<hbm>>) target_semaphore(%run_scoped3A : memref<!tpu.dma_semaphore, #tpu.memory_space<semaphore_mem>>)
      %dma_wait3A_1066 = arith.constant 0 : i32
      %dma_wait3A_1067 = tpu.memref_slice %arg4[%mul3A_1061, %dma_wait3A_1066] : memref<4096x32xf32, #tpu.memory_space<hbm>> -> memref<128x32xf32, #tpu.memory_space<hbm>>
      %dma_wait3A_1068 = arith.constant 0 : i32
      %dma_wait3A_1069 = tpu.memref_slice %arg4[%mul3A_1061, %dma_wait3A_1068] : memref<4096x32xf32, #tpu.memory_space<hbm>> -> memref<128x32xf32, #tpu.memory_space<hbm>>
      tpu.wait_dma2 semaphore(%run_scoped3A : memref<!tpu.dma_semaphore, #tpu.memory_space<semaphore_mem>>) src(%arg22 : memref<128x32xf32, #tpu.memory_space<vmem>>) dst(%dma_wait3A_1069 : memref<128x32xf32, #tpu.memory_space<hbm>>)
      tpu.yield
    }) : () -> ()
    return
  }
}

</mosaic_0001>

<sc_bundles>
// kernel: kernel.3.cloned.1.call-start
scs
__scs_entry_jumppad:
0x0: {  	(pc) =	sbr.rel $0x88, $3  }
0x1: {  	(tag) =	ssettag $0x0;
	lr =	simm.s32 $0x1  }
0x2: {  	[smem:$0x3F9F] =	sst lr;
	_ =	strace $0xD0000000  }
0x3: {  	_ = 	snop  }
0x4: {  	_ = 	snop  }
0x5: {  	_ = 	snop  }
0x6: {  	_ = 	snop  }
0x7: {  	_ = 	snop  }
__scs_overlays_trampoline_lowered:
0x8: {  	[smem:$0x3FAE] =	sst s0  }
0x9: {  	[smem:$0x3FAF] =	sst s1  }
0xa: {  	[smem:$0x3FB0] =	sst s2  }
0xb: {  	[smem:$0x3FB1] =	sst s3  }
0xc: {  	[smem:$0x3FB2] =	sst s4  }
0xd: {  	[smem:$0x3FB3] =	sst s5  }
0xe: {  	[smem:$0x3FB4] =	sst s6  }
0xf: {  	[smem:$0x3FB5] =	sst s7  }
0x10: {  	[smem:$0x3FB6] =	sst s8  }
0x11: {  	[smem:$0x3FB7] =	sst s9;
	s0 =	simm.s32 @!p0 $0x0  }
0x12: {  	s1 =	sld [smem:$0x3F9D];
	s0 =	simm.s32 @p0 $0x1  }
0x13: {  	[smem:$0x3FB8] =	sst s0;
	s0 =	simm.s32 @!p1 $0x0  }
0x14: {  	s2 =	sld [smem:$0x3F9C];
	s0 =	simm.s32 @p1 $0x1  }
0x15: {  	[smem:$0x3FB9] =	sst s0;
	s0 =	simm.s32 @!p2 $0x0  }
0x16: {  	s3 =	sld [smem:$0x3FDB];
	s0 =	simm.s32 @p2 $0x1  }
0x17: {  	s4 =	simm.s32 $0x1BF5;
	[smem:$0x3FBB] =	sst s0  }
0x18: {  	s0 =	sld [smem:$0x3F9E];
	_ =	swait.ge [sflag:s4], $0x0  }
0x19: {  	s7 =	sld [smem:$0x3F9F]  }
0x1a: {  	s8 =	sadd.s32 $0xFFFFE003, lr  }
0x1b: {  	s9 =	sadd.s32 $0xFFFFFEF7, lr;
	s5 =	simm.s32 $0xFFFFFFFF;
	p2 =	slt.u32 s8, $0xFFFFF086  }
0x1c: {  	p1 =	slt.u32 s9, $0xF7A;
	s5 =	simm.s32 @!p2 $0x0  }
0x1d: {  	s5 =	simm.s32 @p1 $0x1;
	p0 =	seq.s32 s7, s2  }
0x1e: {  	s7 =	smul.u32 @!p0 $0xF7A, s2;
	p2 =	seq.s32 @!p0 s5, $0x0  }
0x1f: {  	s9 =	smul.u32 $0xF7A, s1;
	s8 =	simm.s32 @!p0 $0x1BF5;
	p2 =	por !p2, p0  }
0x20: {  	[sflag:s8] =	ssyncset.s32 @!p0 $0xFFFFF086;
	s6 =	sadd.s32 @!p0 s3, s7;
	s7 =	simm.s32 @!p0 $0x108  }
0x21: {  	s3 =	sadd.s32 s3, s9;
	s6 =	sadd.s32 @!p0 $0x88, s6;
	s7 =	simm.s32 @p2 $0x1082  }
0x22: {  	[simem:s7], [sflag:s8] =	dma.local @!p0 [hbm:s6], $0xF7A  }
0x23: {  	s9 =	sor.u32 $0xD0000000, s2;
	s6 =	simm.s32 $0x108;
	_ =	swait.ge @!p0 [sflag:s8], $0x0  }
0x24: {  	s3 =	sadd.s32 $0x88, s3;
	s6 =	simm.s32 @!p1 $0x1082;
	[sflag:s4] =	ssyncset.s32 $0xFFFFF086  }
0x25: {  	[simem:s6], [sflag:s4] =	dma.local [hbm:s3], $0xF7A  }
0x26: {  	[smem:$0x3F9F] =	sst s1;
	(tag) =	ssettag s2;
	_ =	strace s9  }
0x27: {  	s1 =	sld [smem:$0x3FAF]  }
0x28: {  	s2 =	sld [smem:$0x3FB0]  }
0x29: {  	s4 =	sld [smem:$0x3FB2]  }
0x2a: {  	p0 =	seq.s32 s5, $0x0;
	s5 =	sld [smem:$0x3FB3]  }
0x2b: {  	s6 =	sld [smem:$0x3FB4]  }
0x2c: {  	s7 =	sld [smem:$0x3FB5]  }
0x2d: {  	s3 =	simm.s32 $0x108;
	s8 =	sld [smem:$0x3FB6]  }
0x2e: {  	s3 =	simm.s32 @!p0 $0x1082;
	s9 =	sld [smem:$0x3FB7]  }
0x2f: {  	lr =	sadd.s32 s0, s3;
	s0 =	sld [smem:$0x3FAE]  }
0x30: {  	s3 =	sld [smem:$0x3FB1]  }
0x31: {  	[smem:$0x3FBA] =	sst s10  }
0x32: {  	s10 =	sld [smem:$0x3FB8];
	_ =	sdelay $0x3  }
0x33: {  	p0 =	seq.s32 s10, $0x1;
	s10 =	sld [smem:$0x3FBA];
	_ =	sdelay $0x3  }
0x34: {  	[smem:$0x3FBA] =	sst s10  }
0x35: {  	s10 =	sld [smem:$0x3FB9];
	_ =	sdelay $0x3  }
0x36: {  	p1 =	seq.s32 s10, $0x1;
	s10 =	sld [smem:$0x3FBA];
	_ =	sdelay $0x3  }
0x37: {  	[smem:$0x3FBA] =	sst s10  }
0x38: {  	s10 =	sld [smem:$0x3FBB]  }
0x39: {  	_ = 	snop;
	(pc) =	sbr.ind lr, $3  }
0x3a: {  	_ = 	snop  }
0x3b: {  	_ = 	snop  }
0x3c: {  	p2 =	seq.s32 s10, $0x1;
	s10 =	sld [smem:$0x3FBA]  }
0x3d: {  	_ =	shalt  }
0x3e: {  	_ =	shalt  }
0x3f: {  	_ =	shalt  }
0x40: {  	_ =	shalt  }
0x41: {  	_ =	shalt  }
0x42: {  	_ =	shalt  }
0x43: {  	_ =	shalt  }
0x44: {  	_ =	shalt  }
0x45: {  	_ =	shalt  }
0x46: {  	_ =	shalt  }
0x47: {  	_ =	shalt  }
0x48: {  	_ =	shalt  }
0x49: {  	_ =	shalt  }
0x4a: {  	_ =	shalt  }
0x4b: {  	_ =	shalt  }
0x4c: {  	_ =	shalt  }
0x4d: {  	_ =	shalt  }
0x4e: {  	_ =	shalt  }
0x4f: {  	_ =	shalt  }
0x50: {  	_ =	shalt  }
0x51: {  	_ =	shalt  }
0x52: {  	_ =	shalt  }
0x53: {  	_ =	shalt  }
0x54: {  	_ =	shalt  }
0x55: {  	_ =	shalt  }
0x56: {  	_ =	shalt  }
0x57: {  	_ =	shalt  }
0x58: {  	_ =	shalt  }
0x59: {  	_ =	shalt  }
0x5a: {  	_ =	shalt  }
0x5b: {  	_ =	shalt  }
0x5c: {  	_ =	shalt  }
0x5d: {  	_ =	shalt  }
0x5e: {  	_ =	shalt  }
0x5f: {  	_ =	shalt  }
0x60: {  	_ =	shalt  }
0x61: {  	_ =	shalt  }
0x62: {  	_ =	shalt  }
0x63: {  	_ =	shalt  }
0x64: {  	_ =	shalt  }
0x65: {  	_ =	shalt  }
0x66: {  	_ =	shalt  }
0x67: {  	_ =	shalt  }
0x68: {  	_ =	shalt  }
0x69: {  	_ =	shalt  }
0x6a: {  	_ =	shalt  }
0x6b: {  	_ =	shalt  }
0x6c: {  	_ =	shalt  }
0x6d: {  	_ =	shalt  }
0x6e: {  	_ =	shalt  }
0x6f: {  	_ =	shalt  }
0x70: {  	_ =	shalt  }
0x71: {  	_ =	shalt  }
0x72: {  	_ =	shalt  }
0x73: {  	_ =	shalt  }
0x74: {  	_ =	shalt  }
0x75: {  	_ =	shalt  }
0x76: {  	_ =	shalt  }
0x77: {  	_ =	shalt  }
0x78: {  	_ =	shalt  }
0x79: {  	_ =	shalt  }
0x7a: {  	_ =	shalt  }
0x7b: {  	_ =	shalt  }
0x7c: {  	_ =	shalt  }
0x7d: {  	_ =	shalt  }
0x7e: {  	_ =	shalt  }
0x7f: {  	_ =	shalt  }
0x80: {  	_ =	shalt  }
0x81: {  	_ =	shalt  }
0x82: {  	_ =	shalt  }
0x83: {  	_ =	shalt  }
0x84: {  	_ =	shalt  }
0x85: {  	_ =	shalt  }
0x86: {  	_ =	shalt  }
0x87: {  	_ =	shalt  }
.Lfunc_end0:
.L_simem_size_0:
called_computation_lowered:
.L_overlay_start_0:
0x88: {  	s2 =	sld [smem:$0x3FD9]  }
0x89: {  	s3 =	sld [smem:$0x3FFE];
	_ =	sdelay $0x1  }
0x8a: {  	s1 =	srdreg.scid  }
0x8b: {  	s0 =	sand.u32 $0x1, s1  }
0x8c: {  	s17 =	sshll.u32 s0, $0xA;
	s2 =	sadd.s32 s3, s2  }
0x8d: {  	s2 =	sadd.s32 s2, s17  }
0x8e: {  	[smem:$0x3FC6] =	sst s2  }
0x8f: {  	_ = 	snop  }
0x90: {  	s2 =	sld [smem:$0x3FD0];
	(tm) =	ssettm $0x1  }
0x91: {  	s18 =	sld [smem:$0x3FFB];
	_ =	sdelay $0x3  }
0x92: {  	_ =	strace s18  }
0x93: {  	s3 =	sld [smem:$0x3FFC];
	_ =	sdelay $0x3  }
0x94: {  	_ =	strace s3  }
0x95: {  	s3 =	sld [smem:$0x3FFD];
	_ =	sdelay $0x3  }
0x96: {  	_ =	strace s3  }
0x97: {  	_ =	strace $0x8FFFFFFF  }
0x98: {  	s19 =	sld [smem:$0x3FDB];
	_ =	sdelay $0x1  }
0x99: {  	s4 =	simm.s32 $_scs_section_size  }
0x9a: {  	s5 =	simm.s32 $_size__tile_overlayer_lowered;
	s6 =	simm.s32 $_tile_overlayer_lowered  }
0x9b: {  	s22 =	simm.s32 $0x1BFF;
	s21 =	sshll.u32 s6, $0x1;
	s3 =	sadd.s32 s4, s19  }
0x9c: {  	s7 =	simm.s32 $0x0;
	s20 =	sshll.u32 s5, $0x1;
	s5 =	sadd.s32 s21, s3  }
0x9d: {  	[timem:s7], [sflag:s22] =	dma.local [hbm:s5], s20  }
0x9e: {  	_ =	swait.ge [sflag:s22], s20  }
0x9f: {  	s4 =	ssub.s32 $0x0, s20;
	[sflag:s22] =	ssyncset.done $0x0  }
0xa0: {  	[sflag:s22] =	ssyncadd.s32 s4;
	_ =	sdelay $0x1  }
0xa1: {  	s23 =	simm.s32 $0x1B8B  }
0xa2: {  	_ =	swait.ge [sflag:s23], $0x1  }
0xa3: {  	[sflag:s23] =	ssyncset.done $0x0  }
0xa4: {  	s25 =	simm.s32 $0x1B8E;
	s24 =	sld [smem:$0x3FFE];
	[sflag:s23] =	ssyncadd.s32 $0xFFFFFFFF  }
0xa5: {  	s26 =	simm.s32 $execute0_lowered;
	[smem:$0x3FD2] =	sst s25  }
0xa6: {  	s5 =	sshll.u32 s26, $0x1;
	_ =	strace $0x80000046;
	[dreg:$0x1] =	wrdreg $0xFFFFFFFF  }
0xa7: {  	s28 =	simm.s32 $_size_execute0_lowered;
	s3 =	sadd.s32 s3, s5;
	[dreg:$0x0] =	wrdreg $0x0  }
0xa8: {  	s5 =	sshll.u32 s28, $0x1;
	[dreg:$0x2] =	wrdreg s3  }
0xa9: {  	[dreg:$0x3] =	wrdreg s5  }
0xaa: {  	[dreg:$0x4] =	wrdreg $0xC0  }
0xab: {  	_ =	task [dreg:s7], $0x5FFFF  }
0xac: {  	[dreg:$0x1] =	wrdreg $0xFFFFFFFF  }
0xad: {  	[dreg:$0x0] =	wrdreg $0x60  }
0xae: {  	[dreg:$0x2] =	wrdreg s24  }
0xaf: {  	[dreg:$0x3] =	wrdreg s2  }
0xb0: {  	[dreg:$0x4] =	wrdreg $0x9  }
0xb1: {  	_ =	task.clear_ibuf [dreg:s7], $0x5FFFF;
	_ =	strace $0x90000046  }
0xb2: {  	s29 =	simm.s32 $0x9;
	_ =	strace $0x80000048  }
0xb3: {  	_ =	swait.ge [sflag:s29], $0x1  }
0xb4: {  	[sflag:s29] =	ssyncadd.s32 $0xFFFFFFFF  }
0xb5: {  	_ =	strace $0x90000048  }
0xb6: {  	_ =	sfence  }
0xb7: {  	s30 =	sld [smem:$0x0];
	_ =	sdelay $0x2  }
0xb8: {  	s31 =	sshll.u32 s1, $0xD;
	s1 =	sshrl.u32 s1, $0x2  }
0xb9: {  	s3 =	sand.u32 $0x4000, s31;
	s1 =	sadd.s32 s1, s30  }
0xba: {  	s0 =	sor.u32 s3, s0;
	s1 =	sshll.u32 s1, $0x11  }
0xbb: {  	s0 =	sor.u32 s1, s0  }
0xbc: {  	s0 =	sadd.s32 $0x8F2B, s0  }
0xbd: {  	[sflag:s0] =	ssyncadd.remote.s32 $0x1  }
0xbe: {  	_ =	sfence.sel $0xFFFF  }
0xbf: {  	[dreg:$0x0] =	wrdreg $0xFFFFFFFF;
	(pc) =	sbr.abs _section_cstart, $3  }
0xc0: {  	[dreg:$0x1] =	wrdreg $0xFFFFFFFF  }
0xc1: {  	_ =	task.clear_ibuf [dreg:s7], $0x2FFFF;
	_ =	strace $0x9FFFFFFF  }
0xc2: {  	(tm) =	ssettm $0x7FFFFFFF  }
0xc3: {  	_ =	shalt  }
tec
execute0_lowered:
.L_overlay_start_1:
0x0: {  	(tag) =	ssettag $0x1  }
0x1: {  	s0 =	srdreg.scid;
	s1 =	rddreg [dreg:$0x0]  }
0x2: {  	s2 =	stileid.u32;
	s4 =	rddreg [dreg:$0x1];
	s15 =	simm.s32 $0x0  }
0x3: {  	s19 =	simm.s32 $0x11;
	s8 =	simm.s32 $0x64;
	s21 =	simm.s32 $0x1A00  }
0x4: {  	s23 =	simm.s32 $0x2680;
	s28 =	simm.s32 $0x3F80;
	s10 =	simm.s32 $0x5880  }
0x5: {  	s14 =	simm.s32 $0x6500;
	s18 =	simm.s32 $0x7180;
	s22 =	simm.s32 $0x7E00  }
0x6: {  	s30 =	simm.s32 $0x8A80;
	s24 =	simm.s32 $0x1;
	s29 =	simm.s32 $0x3  }
0x7: {  	s31 =	simm.s32 $0x4;
	s12 =	simm.s32 $0x6;
	s16 =	simm.s32 $0x7  }
0x8: {  	s20 =	simm.s32 $0x8;
	s7 =	simm.s32 $0xD;
	s9 =	simm.s32 $0xE  }
0x9: {  	s11 =	simm.s32 $0xF;
	s13 =	simm.s32 $0x10;
	s17 =	simm.s32 $0x0  }
0xa: {  	s0 =	sand.u32 $0x1, s0;
	s2 =	sshll.u32 s2, $0x1;
	[smem:$0x7FF] =	sst s15  }
0xb: {  	s2 =	sor.u32 s0, s2;
	s0 =	ssub.s32 $0x2, s0;
	_ =	strace $0x80000047  }
0xc: {  	[dreg:$0x6] =	wrdreg s17;
	s3 =	smul.u32 $0x340, s2;
	s6 =	sshrl.u32 s0, $0x1  }
0xd: {  	s25 =	sshll.u32 s2, $0x9;
	s2 =	simm.s32 $0xC;
	s0 =	ssub.s32 s0, s6  }
0xe: {  	s6 =	simm.s32 $0xB;
	s5 =	sadd.s32 s3, s1;
	s3 =	sadd.s32 $0xF42A00, s1  }
0xf: {  	s1 =	sadd.s32 s4, s25;
	s0 =	smax.u32 s0, $0x1;
	s25 =	simm.s32 $0x3300  }
0x10: {  	s4 =	simm.s32 $0x9;
	s26 =	sadd.s32 $0x600, s5;
	[dreg:$0x4] =	wrdreg s1  }
0x11: {  	[dreg:$0x5] =	wrdreg s0;
	s1 =	simm.s32 $0x4C00;
	s0 =	simm.s32 $0x5  }
0x12: {  	s5 =	simm.s32 $0xA;
	[dreg:$0x3] =	wrdreg s26;
	s26 =	simm.s32 $0x2  }
.LBB2_1:
0x13: {  	s17 =	rddreg [dreg:$0x3]  }
0x14: {  	[tilespmem:s15], [sflag:$0x11] =	stream.linear.gather [hbm4b:s17+s15], $0x1A00, $0x38;
	[tilespmem:$0xF200] =	vst v63  }
0x15: {  	_ =	swait.ge [sflag:s19], $0x1A00  }
0x16: {  	[sflag:s19] =	ssyncset.done $0x0  }
0x17: {  	[sflag:s19] =	ssyncadd.s32 $0xFFFFE600  }
0x18: {  	[tilespmem:s21], [sflag:$0x1] =	stream.indirect.gather [hbm4b:s3+s8], $0x20, s15, s8, $0xb8;
	[tilespmem:$0xF200] =	vst v63  }
0x19: {  	s21 =	simm.s32 $0x68  }
0x1a: {  	[tilespmem:s23], [sflag:$0x2] =	stream.indirect.gather [hbm4b:s3+s8], $0x20, s21, s8, $0xb8;
	[tilespmem:$0xF200] =	vst v63  }
0x1b: {  	s17 =	simm.s32 $0xD0  }
0x1c: {  	[tilespmem:s25], [sflag:$0x3] =	stream.indirect.gather [hbm4b:s3+s8], $0x20, s17, s8, $0xb8;
	[tilespmem:$0xF200] =	vst v63  }
0x1d: {  	s19 =	simm.s32 $0x138  }
0x1e: {  	[tilespmem:s28], [sflag:$0x4] =	stream.indirect.gather [hbm4b:s3+s8], $0x20, s19, s8, $0xb8;
	[tilespmem:$0xF200] =	vst v63  }
0x1f: {  	s21 =	simm.s32 $0x1A0  }
0x20: {  	[tilespmem:s1], [sflag:$0x5] =	stream.indirect.gather [hbm4b:s3+s8], $0x20, s21, s8, $0xb8;
	[tilespmem:$0xF200] =	vst v63  }
0x21: {  	s23 =	simm.s32 $0x208  }
0x22: {  	[tilespmem:s10], [sflag:$0x6] =	stream.indirect.gather [hbm4b:s3+s8], $0x20, s23, s8, $0xb8;
	[tilespmem:$0xF200] =	vst v63  }
0x23: {  	s25 =	simm.s32 $0x270  }
0x24: {  	[tilespmem:s14], [sflag:$0x7] =	stream.indirect.gather [hbm4b:s3+s8], $0x20, s25, s8, $0xb8;
	[tilespmem:$0xF200] =	vst v63  }
0x25: {  	s10 =	simm.s32 $0x2D8  }
0x26: {  	[tilespmem:s18], [sflag:$0x8] =	stream.indirect.gather [hbm4b:s3+s8], $0x20, s10, s8, $0xb8;
	[tilespmem:$0xF200] =	vst v63  }
0x27: {  	s14 =	simm.s32 $0x340  }
0x28: {  	[tilespmem:s22], [sflag:$0x9] =	stream.indirect.gather [hbm4b:s3+s8], $0x20, s14, s8, $0xb8;
	[tilespmem:$0xF200] =	vst v63  }
0x29: {  	s15 =	simm.s32 $0x3A8  }
0x2a: {  	[tilespmem:s30], [sflag:$0xA] =	stream.indirect.gather [hbm4b:s3+s8], $0x20, s15, s8, $0xb8;
	[tilespmem:$0xF200] =	vst v63  }
0x2b: {  	s17 =	simm.s32 $0x410;
	s30 =	simm.s32 $0x9700  }
0x2c: {  	[tilespmem:s30], [sflag:$0xB] =	stream.indirect.gather [hbm4b:s3+s8], $0x20, s17, s8, $0xb8;
	[tilespmem:$0xF200] =	vst v63  }
0x2d: {  	s23 =	simm.s32 $0xA380;
	s18 =	simm.s32 $0x478  }
0x2e: {  	[tilespmem:s23], [sflag:$0xC] =	stream.indirect.gather [hbm4b:s3+s8], $0x20, s18, s8, $0xb8;
	[tilespmem:$0xF200] =	vst v63  }
0x2f: {  	s19 =	simm.s32 $0x4E0;
	s28 =	simm.s32 $0xB000  }
0x30: {  	[tilespmem:s28], [sflag:$0xD] =	stream.indirect.gather [hbm4b:s3+s8], $0x20, s19, s8, $0xb8;
	[tilespmem:$0xF200] =	vst v63  }
0x31: {  	s1 =	simm.s32 $0xBC80;
	s21 =	simm.s32 $0x548  }
0x32: {  	[tilespmem:s1], [sflag:$0xE] =	stream.indirect.gather [hbm4b:s3+s8], $0x20, s21, s8, $0xb8;
	[tilespmem:$0xF200] =	vst v63  }
0x33: {  	s10 =	simm.s32 $0xC900;
	s22 =	simm.s32 $0x5B0  }
0x34: {  	[tilespmem:s10], [sflag:$0xF] =	stream.indirect.gather [hbm4b:s3+s8], $0x20, s22, s8, $0xb8;
	[tilespmem:$0xF200] =	vst v63  }
0x35: {  	s25 =	simm.s32 $0x618;
	s14 =	simm.s32 $0xD580;
	s15 =	simm.s32 $0xE400  }
0x36: {  	[tilespmem:s14], [sflag:$0x10] =	stream.indirect.gather [hbm4b:s3+s8], $0x20, s25, s8, $0xb8;
	[tilespmem:$0xF200] =	vst v63  }
0x37: {  	s17 =	simm.s32 $0x0;
	s22 =	simm.s32 $0x7E00;
	s25 =	simm.s32 $0x8A80  }
.LBB2_2:
0x38: {  	_ =	swait.ge [sflag:s24], $0xC80  }
0x39: {  	[sflag:s24] =	ssyncset.done $0x0  }
0x3a: {  	[sflag:s24] =	ssyncadd.s32 $0xFFFFF380  }
0x3b: {  	v0 =	vld [tilespmem:$0x1A00];
	_ =	sdelay $0x4  }
0x3c: {  	v0 =	vadd.f32 $0.0e+00, v0;
	_ =	sdelay $0x1  }
0x3d: {  	[tilespmem:s15+$0xFFFFFE00] =	vst v0  }
0x3e: {  	v0 =	vld [tilespmem:$0x1A10];
	_ =	sdelay $0x4  }
0x3f: {  	v0 =	vadd.f32 $0.0e+00, v0;
	_ =	sdelay $0x1  }
0x40: {  	[tilespmem:s15+$0xFFFFFE10] =	vst v0  }
0x41: {  	v0 =	vld [tilespmem:$0x2040];
	_ =	sdelay $0x4  }
0x42: {  	v0 =	vadd.f32 $0.0e+00, v0;
	_ =	sdelay $0x1  }
0x43: {  	[tilespmem:s15+$0xFFFFFE20] =	vst v0  }
0x44: {  	v0 =	vld [tilespmem:$0x2050];
	_ =	sdelay $0x4  }
0x45: {  	v0 =	vadd.f32 $0.0e+00, v0  }
0x46: {  	s19 =	sshra.s32 s17, $0x2  }
0x47: {  	s18 =	simm.s32 $0x1A00;
	s21 =	sadd.s32 $0x680, s19;
	[tilespmem:s15+$0xFFFFFE30] =	vst v0  }
0x48: {  	[tilespmem:s18], [sflag:$0x1] =	stream.indirect.gather [hbm4b:s3+s8], $0x20, s21, s8, $0xb8;
	[tilespmem:$0xF200] =	vst v63  }
0x49: {  	_ =	swait.ge [sflag:s26], $0xC80  }
0x4a: {  	[sflag:s26] =	ssyncset.done $0x0  }
0x4b: {  	[sflag:s26] =	ssyncadd.s32 $0xFFFFF380  }
0x4c: {  	v49 =	vld [tilespmem:$0x2680];
	_ =	sdelay $0x4  }
0x4d: {  	v0 =	vadd.f32 $0.0e+00, v49;
	_ =	sdelay $0x1  }
0x4e: {  	[tilespmem:s15+$0xFFFFFE40] =	vst v0  }
0x4f: {  	v0 =	vld [tilespmem:$0x2690];
	_ =	sdelay $0x4  }
0x50: {  	v0 =	vadd.f32 $0.0e+00, v0;
	_ =	sdelay $0x1  }
0x51: {  	[tilespmem:s15+$0xFFFFFE50] =	vst v0  }
0x52: {  	v0 =	vld [tilespmem:$0x2CC0];
	_ =	sdelay $0x4  }
0x53: {  	v0 =	vadd.f32 $0.0e+00, v0;
	_ =	sdelay $0x1  }
0x54: {  	[tilespmem:s15+$0xFFFFFE60] =	vst v0  }
0x55: {  	v0 =	vld [tilespmem:$0x2CD0];
	_ =	sdelay $0x4  }
0x56: {  	v0 =	vadd.f32 $0.0e+00, v0;
	_ =	sdelay $0x1  }
0x57: {  	s21 =	sadd.s32 $0x6E8, s19;
	s18 =	simm.s32 $0x2680;
	[tilespmem:s15+$0xFFFFFE70] =	vst v0  }
0x58: {  	[tilespmem:s18], [sflag:$0x2] =	stream.indirect.gather [hbm4b:s3+s8], $0x20, s21, s8, $0xb8;
	[tilespmem:$0xF200] =	vst v63  }
0x59: {  	_ =	swait.ge [sflag:s29], $0xC80  }
0x5a: {  	[sflag:s29] =	ssyncset.done $0x0  }
0x5b: {  	[sflag:s29] =	ssyncadd.s32 $0xFFFFF380  }
0x5c: {  	v50 =	vld [tilespmem:$0x3300];
	_ =	sdelay $0x4  }
0x5d: {  	v0 =	vadd.f32 $0.0e+00, v50;
	_ =	sdelay $0x1  }
0x5e: {  	[tilespmem:s15+$0xFFFFFE80] =	vst v0  }
0x5f: {  	v0 =	vld [tilespmem:$0x3310];
	_ =	sdelay $0x4  }
0x60: {  	v0 =	vadd.f32 $0.0e+00, v0;
	_ =	sdelay $0x1  }
0x61: {  	[tilespmem:s15+$0xFFFFFE90] =	vst v0  }
0x62: {  	v0 =	vld [tilespmem:$0x3940];
	_ =	sdelay $0x4  }
0x63: {  	v0 =	vadd.f32 $0.0e+00, v0;
	_ =	sdelay $0x1  }
0x64: {  	[tilespmem:s15+$0xFFFFFEA0] =	vst v0  }
0x65: {  	v0 =	vld [tilespmem:$0x3950];
	_ =	sdelay $0x4  }
0x66: {  	v0 =	vadd.f32 $0.0e+00, v0;
	_ =	sdelay $0x1  }
0x67: {  	s21 =	sadd.s32 $0x750, s19;
	s18 =	simm.s32 $0x3300;
	[tilespmem:s15+$0xFFFFFEB0] =	vst v0  }
0x68: {  	[tilespmem:s18], [sflag:$0x3] =	stream.indirect.gather [hbm4b:s3+s8], $0x20, s21, s8, $0xb8;
	[tilespmem:$0xF200] =	vst v63  }
0x69: {  	_ =	swait.ge [sflag:s31], $0xC80  }
0x6a: {  	[sflag:s31] =	ssyncset.done $0x0  }
0x6b: {  	[sflag:s31] =	ssyncadd.s32 $0xFFFFF380  }
0x6c: {  	v51 =	vld [tilespmem:$0x3F80];
	_ =	sdelay $0x4  }
0x6d: {  	v0 =	vadd.f32 $0.0e+00, v51;
	_ =	sdelay $0x1  }
0x6e: {  	[tilespmem:s15+$0xFFFFFEC0] =	vst v0  }
0x6f: {  	v0 =	vld [tilespmem:$0x3F90];
	_ =	sdelay $0x4  }
0x70: {  	v0 =	vadd.f32 $0.0e+00, v0;
	_ =	sdelay $0x1  }
0x71: {  	[tilespmem:s15+$0xFFFFFED0] =	vst v0  }
0x72: {  	v0 =	vld [tilespmem:$0x45C0];
	_ =	sdelay $0x4  }
0x73: {  	v0 =	vadd.f32 $0.0e+00, v0;
	_ =	sdelay $0x1  }
0x74: {  	[tilespmem:s15+$0xFFFFFEE0] =	vst v0  }
0x75: {  	v0 =	vld [tilespmem:$0x45D0];
	_ =	sdelay $0x4  }
0x76: {  	v0 =	vadd.f32 $0.0e+00, v0;
	_ =	sdelay $0x1  }
0x77: {  	s21 =	sadd.s32 $0x7B8, s19;
	s18 =	simm.s32 $0x3F80;
	[tilespmem:s15+$0xFFFFFEF0] =	vst v0  }
0x78: {  	[tilespmem:s18], [sflag:$0x4] =	stream.indirect.gather [hbm4b:s3+s8], $0x20, s21, s8, $0xb8;
	[tilespmem:$0xF200] =	vst v63  }
0x79: {  	_ =	swait.ge [sflag:s0], $0xC80  }
0x7a: {  	[sflag:s0] =	ssyncset.done $0x0  }
0x7b: {  	[sflag:s0] =	ssyncadd.s32 $0xFFFFF380  }
0x7c: {  	v52 =	vld [tilespmem:$0x4C00];
	_ =	sdelay $0x4  }
0x7d: {  	v0 =	vadd.f32 $0.0e+00, v52;
	_ =	sdelay $0x1  }
0x7e: {  	[tilespmem:s15+$0xFFFFFF00] =	vst v0  }
0x7f: {  	v0 =	vld [tilespmem:$0x4C10];
	_ =	sdelay $0x4  }
0x80: {  	v0 =	vadd.f32 $0.0e+00, v0;
	_ =	sdelay $0x1  }
0x81: {  	[tilespmem:s15+$0xFFFFFF10] =	vst v0  }
0x82: {  	v0 =	vld [tilespmem:$0x5240];
	_ =	sdelay $0x4  }
0x83: {  	v0 =	vadd.f32 $0.0e+00, v0;
	_ =	sdelay $0x1  }
0x84: {  	[tilespmem:s15+$0xFFFFFF20] =	vst v0  }
0x85: {  	v0 =	vld [tilespmem:$0x5250];
	_ =	sdelay $0x4  }
0x86: {  	v0 =	vadd.f32 $0.0e+00, v0;
	_ =	sdelay $0x1  }
0x87: {  	s21 =	sadd.s32 $0x820, s19;
	s18 =	simm.s32 $0x4C00;
	[tilespmem:s15+$0xFFFFFF30] =	vst v0  }
0x88: {  	[tilespmem:s18], [sflag:$0x5] =	stream.indirect.gather [hbm4b:s3+s8], $0x20, s21, s8, $0xb8;
	[tilespmem:$0xF200] =	vst v63  }
0x89: {  	_ =	swait.ge [sflag:s12], $0xC80  }
0x8a: {  	[sflag:s12] =	ssyncset.done $0x0  }
0x8b: {  	[sflag:s12] =	ssyncadd.s32 $0xFFFFF380  }
0x8c: {  	v53 =	vld [tilespmem:$0x5880];
	_ =	sdelay $0x4  }
0x8d: {  	v0 =	vadd.f32 $0.0e+00, v53;
	_ =	sdelay $0x1  }
0x8e: {  	[tilespmem:s15+$0xFFFFFF40] =	vst v0  }
0x8f: {  	v0 =	vld [tilespmem:$0x5890];
	_ =	sdelay $0x4  }
0x90: {  	v0 =	vadd.f32 $0.0e+00, v0;
	_ =	sdelay $0x1  }
0x91: {  	[tilespmem:s15+$0xFFFFFF50] =	vst v0  }
0x92: {  	v0 =	vld [tilespmem:$0x5EC0];
	_ =	sdelay $0x4  }
0x93: {  	v0 =	vadd.f32 $0.0e+00, v0;
	_ =	sdelay $0x1  }
0x94: {  	[tilespmem:s15+$0xFFFFFF60] =	vst v0  }
0x95: {  	v0 =	vld [tilespmem:$0x5ED0];
	_ =	sdelay $0x4  }
0x96: {  	v0 =	vadd.f32 $0.0e+00, v0;
	_ =	sdelay $0x1  }
0x97: {  	s21 =	sadd.s32 $0x888, s19;
	s18 =	simm.s32 $0x5880;
	[tilespmem:s15+$0xFFFFFF70] =	vst v0  }
0x98: {  	[tilespmem:s18], [sflag:$0x6] =	stream.indirect.gather [hbm4b:s3+s8], $0x20, s21, s8, $0xb8;
	[tilespmem:$0xF200] =	vst v63  }
0x99: {  	_ =	swait.ge [sflag:s16], $0xC80  }
0x9a: {  	[sflag:s16] =	ssyncset.done $0x0  }
0x9b: {  	[sflag:s16] =	ssyncadd.s32 $0xFFFFF380  }
0x9c: {  	v54 =	vld [tilespmem:$0x6500];
	_ =	sdelay $0x4  }
0x9d: {  	v0 =	vadd.f32 $0.0e+00, v54;
	_ =	sdelay $0x1  }
0x9e: {  	[tilespmem:s15+$0xFFFFFF80] =	vst v0  }
0x9f: {  	v0 =	vld [tilespmem:$0x6510];
	_ =	sdelay $0x4  }
0xa0: {  	v0 =	vadd.f32 $0.0e+00, v0;
	_ =	sdelay $0x1  }
0xa1: {  	[tilespmem:s15+$0xFFFFFF90] =	vst v0  }
0xa2: {  	v0 =	vld [tilespmem:$0x6B40];
	_ =	sdelay $0x4  }
0xa3: {  	v0 =	vadd.f32 $0.0e+00, v0;
	_ =	sdelay $0x1  }
0xa4: {  	[tilespmem:s15+$0xFFFFFFA0] =	vst v0  }
0xa5: {  	v0 =	vld [tilespmem:$0x6B50];
	_ =	sdelay $0x4  }
0xa6: {  	v0 =	vadd.f32 $0.0e+00, v0;
	_ =	sdelay $0x1  }
0xa7: {  	s21 =	sadd.s32 $0x8F0, s19;
	s18 =	simm.s32 $0x6500;
	[tilespmem:s15+$0xFFFFFFB0] =	vst v0  }
0xa8: {  	[tilespmem:s18], [sflag:$0x7] =	stream.indirect.gather [hbm4b:s3+s8], $0x20, s21, s8, $0xb8;
	[tilespmem:$0xF200] =	vst v63  }
0xa9: {  	_ =	swait.ge [sflag:s20], $0xC80  }
0xaa: {  	[sflag:s20] =	ssyncset.done $0x0  }
0xab: {  	[sflag:s20] =	ssyncadd.s32 $0xFFFFF380  }
0xac: {  	v55 =	vld [tilespmem:$0x7180];
	_ =	sdelay $0x4  }
0xad: {  	v0 =	vadd.f32 $0.0e+00, v55;
	_ =	sdelay $0x1  }
0xae: {  	[tilespmem:s15+$0xFFFFFFC0] =	vst v0  }
0xaf: {  	v0 =	vld [tilespmem:$0x7190];
	_ =	sdelay $0x4  }
0xb0: {  	v0 =	vadd.f32 $0.0e+00, v0;
	_ =	sdelay $0x1  }
0xb1: {  	[tilespmem:s15+$0xFFFFFFD0] =	vst v0  }
0xb2: {  	v0 =	vld [tilespmem:$0x77C0];
	_ =	sdelay $0x4  }
0xb3: {  	v0 =	vadd.f32 $0.0e+00, v0;
	_ =	sdelay $0x1  }
0xb4: {  	[tilespmem:s15+$0xFFFFFFE0] =	vst v0  }
0xb5: {  	v0 =	vld [tilespmem:$0x77D0];
	_ =	sdelay $0x4  }
0xb6: {  	v0 =	vadd.f32 $0.0e+00, v0;
	_ =	sdelay $0x1  }
0xb7: {  	s21 =	sadd.s32 $0x958, s19;
	s18 =	simm.s32 $0x7180;
	[tilespmem:s15+$0xFFFFFFF0] =	vst v0  }
0xb8: {  	[tilespmem:s18], [sflag:$0x8] =	stream.indirect.gather [hbm4b:s3+s8], $0x20, s21, s8, $0xb8;
	[tilespmem:$0xF200] =	vst v63  }
0xb9: {  	_ =	swait.ge [sflag:s4], $0xC80  }
0xba: {  	[sflag:s4] =	ssyncset.done $0x0  }
0xbb: {  	[sflag:s4] =	ssyncadd.s32 $0xFFFFF380  }
0xbc: {  	v56 =	vld [tilespmem:$0x7E00];
	_ =	sdelay $0x4  }
0xbd: {  	v0 =	vadd.f32 $0.0e+00, v56;
	_ =	sdelay $0x1  }
0xbe: {  	[tilespmem:s15+$0x0] =	vst v0  }
0xbf: {  	v0 =	vld [tilespmem:$0x7E10];
	_ =	sdelay $0x4  }
0xc0: {  	v0 =	vadd.f32 $0.0e+00, v0;
	_ =	sdelay $0x1  }
0xc1: {  	[tilespmem:s15+$0x10] =	vst v0  }
0xc2: {  	v0 =	vld [tilespmem:$0x8440];
	_ =	sdelay $0x4  }
0xc3: {  	v0 =	vadd.f32 $0.0e+00, v0;
	_ =	sdelay $0x1  }
0xc4: {  	[tilespmem:s15+$0x20] =	vst v0  }
0xc5: {  	v0 =	vld [tilespmem:$0x8450];
	_ =	sdelay $0x4  }
0xc6: {  	v0 =	vadd.f32 $0.0e+00, v0;
	_ =	sdelay $0x1  }
0xc7: {  	s18 =	sadd.s32 $0x9C0, s19;
	[tilespmem:s15+$0x30] =	vst v0  }
0xc8: {  	[tilespmem:s22], [sflag:$0x9] =	stream.indirect.gather [hbm4b:s3+s8], $0x20, s18, s8, $0xb8;
	[tilespmem:$0xF200] =	vst v63  }
0xc9: {  	_ =	swait.ge [sflag:s5], $0xC80  }
0xca: {  	[sflag:s5] =	ssyncset.done $0x0  }
0xcb: {  	[sflag:s5] =	ssyncadd.s32 $0xFFFFF380  }
0xcc: {  	v57 =	vld [tilespmem:$0x8A80];
	_ =	sdelay $0x4  }
0xcd: {  	v0 =	vadd.f32 $0.0e+00, v57;
	_ =	sdelay $0x1  }
0xce: {  	[tilespmem:s15+$0x40] =	vst v0  }
0xcf: {  	v0 =	vld [tilespmem:$0x8A90];
	_ =	sdelay $0x4  }
0xd0: {  	v0 =	vadd.f32 $0.0e+00, v0;
	_ =	sdelay $0x1  }
0xd1: {  	[tilespmem:s15+$0x50] =	vst v0  }
0xd2: {  	v0 =	vld [tilespmem:$0x90C0];
	_ =	sdelay $0x4  }
0xd3: {  	v0 =	vadd.f32 $0.0e+00, v0;
	_ =	sdelay $0x1  }
0xd4: {  	[tilespmem:s15+$0x60] =	vst v0  }
0xd5: {  	v0 =	vld [tilespmem:$0x90D0];
	_ =	sdelay $0x4  }
0xd6: {  	v0 =	vadd.f32 $0.0e+00, v0;
	_ =	sdelay $0x1  }
0xd7: {  	s18 =	sadd.s32 $0xA28, s19;
	[tilespmem:s15+$0x70] =	vst v0  }
0xd8: {  	[tilespmem:s25], [sflag:$0xA] =	stream.indirect.gather [hbm4b:s3+s8], $0x20, s18, s8, $0xb8;
	[tilespmem:$0xF200] =	vst v63  }
0xd9: {  	_ =	swait.ge [sflag:s6], $0xC80  }
0xda: {  	[sflag:s6] =	ssyncset.done $0x0  }
0xdb: {  	[sflag:s6] =	ssyncadd.s32 $0xFFFFF380  }
0xdc: {  	v58 =	vld [tilespmem:$0x9700];
	_ =	sdelay $0x4  }
0xdd: {  	v0 =	vadd.f32 $0.0e+00, v58;
	_ =	sdelay $0x1  }
0xde: {  	[tilespmem:s15+$0x80] =	vst v0  }
0xdf: {  	v0 =	vld [tilespmem:$0x9710];
	_ =	sdelay $0x4  }
0xe0: {  	v0 =	vadd.f32 $0.0e+00, v0;
	_ =	sdelay $0x1  }
0xe1: {  	[tilespmem:s15+$0x90] =	vst v0  }
0xe2: {  	v0 =	vld [tilespmem:$0x9D40];
	_ =	sdelay $0x4  }
0xe3: {  	v0 =	vadd.f32 $0.0e+00, v0;
	_ =	sdelay $0x1  }
0xe4: {  	[tilespmem:s15+$0xA0] =	vst v0  }
0xe5: {  	v0 =	vld [tilespmem:$0x9D50];
	_ =	sdelay $0x4  }
0xe6: {  	v0 =	vadd.f32 $0.0e+00, v0;
	_ =	sdelay $0x1  }
0xe7: {  	s18 =	sadd.s32 $0xA90, s19;
	[tilespmem:s15+$0xB0] =	vst v0  }
0xe8: {  	[tilespmem:s30], [sflag:$0xB] =	stream.indirect.gather [hbm4b:s3+s8], $0x20, s18, s8, $0xb8;
	[tilespmem:$0xF200] =	vst v63  }
0xe9: {  	_ =	swait.ge [sflag:s2], $0xC80  }
0xea: {  	[sflag:s2] =	ssyncset.done $0x0  }
0xeb: {  	[sflag:s2] =	ssyncadd.s32 $0xFFFFF380  }
0xec: {  	v59 =	vld [tilespmem:$0xA380];
	_ =	sdelay $0x4  }
0xed: {  	v0 =	vadd.f32 $0.0e+00, v59;
	_ =	sdelay $0x1  }
0xee: {  	[tilespmem:s15+$0xC0] =	vst v0  }
0xef: {  	v0 =	vld [tilespmem:$0xA390];
	_ =	sdelay $0x4  }
0xf0: {  	v0 =	vadd.f32 $0.0e+00, v0;
	_ =	sdelay $0x1  }
0xf1: {  	[tilespmem:s15+$0xD0] =	vst v0  }
0xf2: {  	v0 =	vld [tilespmem:$0xA9C0];
	_ =	sdelay $0x4  }
0xf3: {  	v0 =	vadd.f32 $0.0e+00, v0;
	_ =	sdelay $0x1  }
0xf4: {  	[tilespmem:s15+$0xE0] =	vst v0  }
0xf5: {  	v0 =	vld [tilespmem:$0xA9D0];
	_ =	sdelay $0x4  }
0xf6: {  	v0 =	vadd.f32 $0.0e+00, v0;
	_ =	sdelay $0x1  }
0xf7: {  	s18 =	sadd.s32 $0xAF8, s19;
	[tilespmem:s15+$0xF0] =	vst v0  }
0xf8: {  	[tilespmem:s23], [sflag:$0xC] =	stream.indirect.gather [hbm4b:s3+s8], $0x20, s18, s8, $0xb8;
	[tilespmem:$0xF200] =	vst v63  }
0xf9: {  	_ =	swait.ge [sflag:s7], $0xC80  }
0xfa: {  	[sflag:s7] =	ssyncset.done $0x0  }
0xfb: {  	[sflag:s7] =	ssyncadd.s32 $0xFFFFF380  }
0xfc: {  	v60 =	vld [tilespmem:$0xB000];
	_ =	sdelay $0x4  }
0xfd: {  	v0 =	vadd.f32 $0.0e+00, v60;
	_ =	sdelay $0x1  }
0xfe: {  	[tilespmem:s15+$0x100] =	vst v0  }
0xff: {  	v0 =	vld [tilespmem:$0xB010];
	_ =	sdelay $0x4  }
0x100: {  	v0 =	vadd.f32 $0.0e+00, v0;
	_ =	sdelay $0x1  }
0x101: {  	[tilespmem:s15+$0x110] =	vst v0  }
0x102: {  	v0 =	vld [tilespmem:$0xB640];
	_ =	sdelay $0x4  }
0x103: {  	v0 =	vadd.f32 $0.0e+00, v0;
	_ =	sdelay $0x1  }
0x104: {  	[tilespmem:s15+$0x120] =	vst v0  }
0x105: {  	v0 =	vld [tilespmem:$0xB650];
	_ =	sdelay $0x4  }
0x106: {  	v0 =	vadd.f32 $0.0e+00, v0;
	_ =	sdelay $0x1  }
0x107: {  	s18 =	sadd.s32 $0xB60, s19;
	[tilespmem:s15+$0x130] =	vst v0  }
0x108: {  	[tilespmem:s28], [sflag:$0xD] =	stream.indirect.gather [hbm4b:s3+s8], $0x20, s18, s8, $0xb8;
	[tilespmem:$0xF200] =	vst v63  }
0x109: {  	_ =	swait.ge [sflag:s9], $0xC80  }
0x10a: {  	[sflag:s9] =	ssyncset.done $0x0  }
0x10b: {  	[sflag:s9] =	ssyncadd.s32 $0xFFFFF380  }
0x10c: {  	v61 =	vld [tilespmem:$0xBC80];
	_ =	sdelay $0x4  }
0x10d: {  	v0 =	vadd.f32 $0.0e+00, v61;
	_ =	sdelay $0x1  }
0x10e: {  	[tilespmem:s15+$0x140] =	vst v0  }
0x10f: {  	v0 =	vld [tilespmem:$0xBC90];
	_ =	sdelay $0x4  }
0x110: {  	v0 =	vadd.f32 $0.0e+00, v0;
	_ =	sdelay $0x1  }
0x111: {  	[tilespmem:s15+$0x150] =	vst v0  }
0x112: {  	v0 =	vld [tilespmem:$0xC2C0];
	_ =	sdelay $0x4  }
0x113: {  	v0 =	vadd.f32 $0.0e+00, v0;
	_ =	sdelay $0x1  }
0x114: {  	[tilespmem:s15+$0x160] =	vst v0  }
0x115: {  	v0 =	vld [tilespmem:$0xC2D0];
	_ =	sdelay $0x4  }
0x116: {  	v0 =	vadd.f32 $0.0e+00, v0;
	_ =	sdelay $0x1  }
0x117: {  	s18 =	sadd.s32 $0xBC8, s19;
	[tilespmem:s15+$0x170] =	vst v0  }
0x118: {  	[tilespmem:s1], [sflag:$0xE] =	stream.indirect.gather [hbm4b:s3+s8], $0x20, s18, s8, $0xb8;
	[tilespmem:$0xF200] =	vst v63  }
0x119: {  	_ =	swait.ge [sflag:s11], $0xC80  }
0x11a: {  	[sflag:s11] =	ssyncset.done $0x0  }
0x11b: {  	[sflag:s11] =	ssyncadd.s32 $0xFFFFF380  }
0x11c: {  	v62 =	vld [tilespmem:$0xC900];
	_ =	sdelay $0x4  }
0x11d: {  	v0 =	vadd.f32 $0.0e+00, v62;
	_ =	sdelay $0x1  }
0x11e: {  	[tilespmem:s15+$0x180] =	vst v0  }
0x11f: {  	v0 =	vld [tilespmem:$0xC910];
	_ =	sdelay $0x4  }
0x120: {  	v0 =	vadd.f32 $0.0e+00, v0;
	_ =	sdelay $0x1  }
0x121: {  	[tilespmem:s15+$0x190] =	vst v0  }
0x122: {  	v0 =	vld [tilespmem:$0xCF40];
	_ =	sdelay $0x4  }
0x123: {  	v0 =	vadd.f32 $0.0e+00, v0;
	_ =	sdelay $0x1  }
0x124: {  	[tilespmem:s15+$0x1A0] =	vst v0  }
0x125: {  	v0 =	vld [tilespmem:$0xCF50];
	_ =	sdelay $0x4  }
0x126: {  	v0 =	vadd.f32 $0.0e+00, v0;
	_ =	sdelay $0x1  }
0x127: {  	s18 =	sadd.s32 $0xC30, s19;
	[tilespmem:s15+$0x1B0] =	vst v0  }
0x128: {  	[tilespmem:s10], [sflag:$0xF] =	stream.indirect.gather [hbm4b:s3+s8], $0x20, s18, s8, $0xb8;
	[tilespmem:$0xF200] =	vst v63  }
0x129: {  	_ =	swait.ge [sflag:s13], $0xC80  }
0x12a: {  	[sflag:s13] =	ssyncset.done $0x0  }
0x12b: {  	[sflag:s13] =	ssyncadd.s32 $0xFFFFF380  }
0x12c: {  	v63 =	vld [tilespmem:$0xD580];
	_ =	sdelay $0x4  }
0x12d: {  	v0 =	vadd.f32 $0.0e+00, v63;
	_ =	sdelay $0x1  }
0x12e: {  	[tilespmem:s15+$0x1C0] =	vst v0  }
0x12f: {  	v0 =	vld [tilespmem:$0xD590];
	_ =	sdelay $0x4  }
0x130: {  	v0 =	vadd.f32 $0.0e+00, v0;
	_ =	sdelay $0x1  }
0x131: {  	[tilespmem:s15+$0x1D0] =	vst v0  }
0x132: {  	v0 =	vld [tilespmem:$0xDBC0];
	_ =	sdelay $0x4  }
0x133: {  	v0 =	vadd.f32 $0.0e+00, v0;
	_ =	sdelay $0x1  }
0x134: {  	[tilespmem:s15+$0x1E0] =	vst v0  }
0x135: {  	v0 =	vld [tilespmem:$0xDBD0];
	_ =	sdelay $0x2  }
0x136: {  	p0 =	sne.s32 s17, $0x3400  }
.Ltmp0:
0x137: {  	_ = 	snop;
	(pc) =	sbr.rel @p0 .LBB2_2-.Ltmp0, $3  }
0x138: {  	v0 =	vadd.f32 $0.0e+00, v0;
	_ =	sdelay $0x1  }
0x139: {  	s17 =	sadd.s32 $0x1A00, s17;
	s19 =	sadd.s32 $0xC98, s19;
	[tilespmem:s15+$0x1F0] =	vst v0;
	s15 =	sadd.s32 $0x400, s15  }
0x13a: {  	[tilespmem:s14], [sflag:$0x10] =	stream.indirect.gather [hbm4b:s3+s8], $0x20, s19, s8, $0xb8;
	[tilespmem:$0xF200] =	vst v63  }
0x13b: {  	_ =	swait.ge [sflag:s24], $0xC80  }
0x13c: {  	[sflag:s24] =	ssyncset.done $0x0  }
0x13d: {  	[sflag:s24] =	ssyncadd.s32 $0xFFFFF380  }
0x13e: {  	v0 =	vld [tilespmem:$0x1A00]  }
0x13f: {  	v1 =	vld [tilespmem:$0x1A10]  }
0x140: {  	v2 =	vld [tilespmem:$0x2040]  }
0x141: {  	v3 =	vld [tilespmem:$0x2050];
	_ =	sdelay $0x1  }
0x142: {  	v0 =	vadd.f32 $0.0e+00, v0  }
0x143: {  	v1 =	vadd.f32 $0.0e+00, v1  }
0x144: {  	v30 =	vadd.f32 $0.0e+00, v2;
	[tilespmem:$0xEE00] =	vst v0  }
0x145: {  	v31 =	vadd.f32 $0.0e+00, v3;
	[tilespmem:$0xEE10] =	vst v1  }
0x146: {  	[tilespmem:$0xEE20] =	vst v30  }
0x147: {  	[tilespmem:$0xEE30] =	vst v31  }
0x148: {  	_ =	swait.ge [sflag:s26], $0xC80  }
0x149: {  	[sflag:s26] =	ssyncset.done $0x0  }
0x14a: {  	[sflag:s26] =	ssyncadd.s32 $0xFFFFF380  }
0x14b: {  	v32 =	vld [tilespmem:$0x2680]  }
0x14c: {  	v33 =	vld [tilespmem:$0x2690]  }
0x14d: {  	v34 =	vld [tilespmem:$0x2CC0]  }
0x14e: {  	v35 =	vld [tilespmem:$0x2CD0];
	_ =	sdelay $0x1  }
0x14f: {  	v0 =	vadd.f32 $0.0e+00, v32  }
0x150: {  	v1 =	vadd.f32 $0.0e+00, v33  }
0x151: {  	v36 =	vadd.f32 $0.0e+00, v34;
	[tilespmem:$0xEE40] =	vst v0  }
0x152: {  	v37 =	vadd.f32 $0.0e+00, v35;
	[tilespmem:$0xEE50] =	vst v1  }
0x153: {  	[tilespmem:$0xEE60] =	vst v36  }
0x154: {  	[tilespmem:$0xEE70] =	vst v37  }
0x155: {  	_ =	swait.ge [sflag:s29], $0xC80  }
0x156: {  	[sflag:s29] =	ssyncset.done $0x0  }
0x157: {  	[sflag:s29] =	ssyncadd.s32 $0xFFFFF380  }
0x158: {  	v38 =	vld [tilespmem:$0x3300]  }
0x159: {  	v39 =	vld [tilespmem:$0x3310]  }
0x15a: {  	v40 =	vld [tilespmem:$0x3940]  }
0x15b: {  	v41 =	vld [tilespmem:$0x3950];
	_ =	sdelay $0x1  }
0x15c: {  	v0 =	vadd.f32 $0.0e+00, v38  }
0x15d: {  	v1 =	vadd.f32 $0.0e+00, v39  }
0x15e: {  	v42 =	vadd.f32 $0.0e+00, v40;
	[tilespmem:$0xEE80] =	vst v0  }
0x15f: {  	v43 =	vadd.f32 $0.0e+00, v41;
	[tilespmem:$0xEE90] =	vst v1  }
0x160: {  	[tilespmem:$0xEEA0] =	vst v42  }
0x161: {  	[tilespmem:$0xEEB0] =	vst v43  }
0x162: {  	_ =	swait.ge [sflag:s31], $0xC80  }
0x163: {  	[sflag:s31] =	ssyncset.done $0x0  }
0x164: {  	[sflag:s31] =	ssyncadd.s32 $0xFFFFF380  }
0x165: {  	v44 =	vld [tilespmem:$0x3F80]  }
0x166: {  	v45 =	vld [tilespmem:$0x3F90]  }
0x167: {  	v46 =	vld [tilespmem:$0x45C0]  }
0x168: {  	v47 =	vld [tilespmem:$0x45D0];
	_ =	sdelay $0x1  }
0x169: {  	v0 =	vadd.f32 $0.0e+00, v44  }
0x16a: {  	v1 =	vadd.f32 $0.0e+00, v45  }
0x16b: {  	v48 =	vadd.f32 $0.0e+00, v46;
	[tilespmem:$0xEEC0] =	vst v0  }
0x16c: {  	v49 =	vadd.f32 $0.0e+00, v47;
	[tilespmem:$0xEED0] =	vst v1  }
0x16d: {  	[tilespmem:$0xEEE0] =	vst v48  }
0x16e: {  	[tilespmem:$0xEEF0] =	vst v49  }
0x16f: {  	_ =	swait.ge [sflag:s0], $0xC80  }
0x170: {  	[sflag:s0] =	ssyncset.done $0x0  }
0x171: {  	[sflag:s0] =	ssyncadd.s32 $0xFFFFF380  }
0x172: {  	v50 =	vld [tilespmem:$0x4C00]  }
0x173: {  	v51 =	vld [tilespmem:$0x4C10]  }
0x174: {  	v52 =	vld [tilespmem:$0x5240]  }
0x175: {  	v53 =	vld [tilespmem:$0x5250];
	_ =	sdelay $0x1  }
0x176: {  	v0 =	vadd.f32 $0.0e+00, v50  }
0x177: {  	v1 =	vadd.f32 $0.0e+00, v51  }
0x178: {  	v54 =	vadd.f32 $0.0e+00, v52;
	[tilespmem:$0xEF00] =	vst v0  }
0x179: {  	v55 =	vadd.f32 $0.0e+00, v53;
	[tilespmem:$0xEF10] =	vst v1  }
0x17a: {  	[tilespmem:$0xEF20] =	vst v54  }
0x17b: {  	[tilespmem:$0xEF30] =	vst v55  }
0x17c: {  	_ =	swait.ge [sflag:s12], $0xC80  }
0x17d: {  	[sflag:s12] =	ssyncset.done $0x0  }
0x17e: {  	[sflag:s12] =	ssyncadd.s32 $0xFFFFF380  }
0x17f: {  	v56 =	vld [tilespmem:$0x5880]  }
0x180: {  	v57 =	vld [tilespmem:$0x5890]  }
0x181: {  	v58 =	vld [tilespmem:$0x5EC0]  }
0x182: {  	v59 =	vld [tilespmem:$0x5ED0];
	_ =	sdelay $0x1  }
0x183: {  	v0 =	vadd.f32 $0.0e+00, v56  }
0x184: {  	v1 =	vadd.f32 $0.0e+00, v57  }
0x185: {  	v60 =	vadd.f32 $0.0e+00, v58;
	[tilespmem:$0xEF40] =	vst v0  }
0x186: {  	v61 =	vadd.f32 $0.0e+00, v59;
	[tilespmem:$0xEF50] =	vst v1  }
0x187: {  	[tilespmem:$0xEF60] =	vst v60  }
0x188: {  	[tilespmem:$0xEF70] =	vst v61  }
0x189: {  	_ =	swait.ge [sflag:s16], $0xC80  }
0x18a: {  	[sflag:s16] =	ssyncset.done $0x0  }
0x18b: {  	[sflag:s16] =	ssyncadd.s32 $0xFFFFF380  }
0x18c: {  	v62 =	vld [tilespmem:$0x6500]  }
0x18d: {  	v63 =	vld [tilespmem:$0x6510]  }
0x18e: {  	v6 =	vld [tilespmem:$0x6B40]  }
0x18f: {  	v7 =	vld [tilespmem:$0x6B50];
	_ =	sdelay $0x1  }
0x190: {  	v0 =	vadd.f32 $0.0e+00, v62  }
0x191: {  	v1 =	vadd.f32 $0.0e+00, v63  }
0x192: {  	v8 =	vadd.f32 $0.0e+00, v6;
	[tilespmem:$0xEF80] =	vst v0  }
0x193: {  	v9 =	vadd.f32 $0.0e+00, v7;
	[tilespmem:$0xEF90] =	vst v1  }
0x194: {  	[tilespmem:$0xEFA0] =	vst v8  }
0x195: {  	[tilespmem:$0xEFB0] =	vst v9  }
0x196: {  	_ =	swait.ge [sflag:s20], $0xC80  }
0x197: {  	[sflag:s20] =	ssyncset.done $0x0  }
0x198: {  	[sflag:s20] =	ssyncadd.s32 $0xFFFFF380  }
0x199: {  	v10 =	vld [tilespmem:$0x7180]  }
0x19a: {  	v11 =	vld [tilespmem:$0x7190]  }
0x19b: {  	v12 =	vld [tilespmem:$0x77C0]  }
0x19c: {  	v13 =	vld [tilespmem:$0x77D0];
	_ =	sdelay $0x1  }
0x19d: {  	v0 =	vadd.f32 $0.0e+00, v10  }
0x19e: {  	v1 =	vadd.f32 $0.0e+00, v11  }
0x19f: {  	v14 =	vadd.f32 $0.0e+00, v12;
	[tilespmem:$0xEFC0] =	vst v0  }
0x1a0: {  	v15 =	vadd.f32 $0.0e+00, v13;
	[tilespmem:$0xEFD0] =	vst v1  }
0x1a1: {  	[tilespmem:$0xEFE0] =	vst v14  }
0x1a2: {  	[tilespmem:$0xEFF0] =	vst v15  }
0x1a3: {  	_ =	swait.ge [sflag:s4], $0xC80  }
0x1a4: {  	[sflag:s4] =	ssyncset.done $0x0  }
0x1a5: {  	[sflag:s4] =	ssyncadd.s32 $0xFFFFF380  }
0x1a6: {  	v16 =	vld [tilespmem:$0x7E00]  }
0x1a7: {  	v17 =	vld [tilespmem:$0x7E10]  }
0x1a8: {  	v18 =	vld [tilespmem:$0x8440]  }
0x1a9: {  	v19 =	vld [tilespmem:$0x8450];
	_ =	sdelay $0x1  }
0x1aa: {  	v0 =	vadd.f32 $0.0e+00, v16  }
0x1ab: {  	v1 =	vadd.f32 $0.0e+00, v17  }
0x1ac: {  	v20 =	vadd.f32 $0.0e+00, v18;
	[tilespmem:$0xF000] =	vst v0  }
0x1ad: {  	v21 =	vadd.f32 $0.0e+00, v19;
	[tilespmem:$0xF010] =	vst v1  }
0x1ae: {  	[tilespmem:$0xF020] =	vst v20  }
0x1af: {  	[tilespmem:$0xF030] =	vst v21  }
0x1b0: {  	_ =	swait.ge [sflag:s5], $0xC80  }
0x1b1: {  	[sflag:s5] =	ssyncset.done $0x0  }
0x1b2: {  	[sflag:s5] =	ssyncadd.s32 $0xFFFFF380  }
0x1b3: {  	v22 =	vld [tilespmem:$0x8A80]  }
0x1b4: {  	v23 =	vld [tilespmem:$0x8A90]  }
0x1b5: {  	v24 =	vld [tilespmem:$0x90C0]  }
0x1b6: {  	v25 =	vld [tilespmem:$0x90D0];
	_ =	sdelay $0x1  }
0x1b7: {  	v0 =	vadd.f32 $0.0e+00, v22  }
0x1b8: {  	v1 =	vadd.f32 $0.0e+00, v23  }
0x1b9: {  	v26 =	vadd.f32 $0.0e+00, v24;
	[tilespmem:$0xF040] =	vst v0  }
0x1ba: {  	v27 =	vadd.f32 $0.0e+00, v25;
	[tilespmem:$0xF050] =	vst v1  }
0x1bb: {  	[tilespmem:$0xF060] =	vst v26  }
0x1bc: {  	[tilespmem:$0xF070] =	vst v27  }
0x1bd: {  	_ =	swait.ge [sflag:s6], $0xC80  }
0x1be: {  	[sflag:s6] =	ssyncset.done $0x0  }
0x1bf: {  	[sflag:s6] =	ssyncadd.s32 $0xFFFFF380  }
0x1c0: {  	v28 =	vld [tilespmem:$0x9700]  }
0x1c1: {  	v29 =	vld [tilespmem:$0x9710]  }
0x1c2: {  	v30 =	vld [tilespmem:$0x9D40]  }
0x1c3: {  	v31 =	vld [tilespmem:$0x9D50];
	_ =	sdelay $0x1  }
0x1c4: {  	v0 =	vadd.f32 $0.0e+00, v28  }
0x1c5: {  	v1 =	vadd.f32 $0.0e+00, v29  }
0x1c6: {  	v32 =	vadd.f32 $0.0e+00, v30;
	[tilespmem:$0xF080] =	vst v0  }
0x1c7: {  	v33 =	vadd.f32 $0.0e+00, v31;
	[tilespmem:$0xF090] =	vst v1  }
0x1c8: {  	[tilespmem:$0xF0A0] =	vst v32  }
0x1c9: {  	[tilespmem:$0xF0B0] =	vst v33  }
0x1ca: {  	_ =	swait.ge [sflag:s2], $0xC80  }
0x1cb: {  	[sflag:s2] =	ssyncset.done $0x0  }
0x1cc: {  	[sflag:s2] =	ssyncadd.s32 $0xFFFFF380  }
0x1cd: {  	v34 =	vld [tilespmem:$0xA380]  }
0x1ce: {  	v35 =	vld [tilespmem:$0xA390]  }
0x1cf: {  	v36 =	vld [tilespmem:$0xA9C0]  }
0x1d0: {  	v37 =	vld [tilespmem:$0xA9D0];
	_ =	sdelay $0x1  }
0x1d1: {  	v0 =	vadd.f32 $0.0e+00, v34  }
0x1d2: {  	v1 =	vadd.f32 $0.0e+00, v35  }
0x1d3: {  	v38 =	vadd.f32 $0.0e+00, v36;
	[tilespmem:$0xF0C0] =	vst v0  }
0x1d4: {  	v39 =	vadd.f32 $0.0e+00, v37;
	[tilespmem:$0xF0D0] =	vst v1  }
0x1d5: {  	[tilespmem:$0xF0E0] =	vst v38  }
0x1d6: {  	[tilespmem:$0xF0F0] =	vst v39  }
0x1d7: {  	_ =	swait.ge [sflag:s7], $0xC80  }
0x1d8: {  	[sflag:s7] =	ssyncset.done $0x0  }
0x1d9: {  	[sflag:s7] =	ssyncadd.s32 $0xFFFFF380  }
0x1da: {  	v40 =	vld [tilespmem:$0xB000]  }
0x1db: {  	v41 =	vld [tilespmem:$0xB010]  }
0x1dc: {  	v42 =	vld [tilespmem:$0xB640]  }
0x1dd: {  	v43 =	vld [tilespmem:$0xB650];
	_ =	sdelay $0x1  }
0x1de: {  	v0 =	vadd.f32 $0.0e+00, v40  }
0x1df: {  	v1 =	vadd.f32 $0.0e+00, v41  }
0x1e0: {  	v44 =	vadd.f32 $0.0e+00, v42;
	[tilespmem:$0xF100] =	vst v0  }
0x1e1: {  	v45 =	vadd.f32 $0.0e+00, v43;
	[tilespmem:$0xF110] =	vst v1  }
0x1e2: {  	[tilespmem:$0xF120] =	vst v44  }
0x1e3: {  	[tilespmem:$0xF130] =	vst v45  }
0x1e4: {  	_ =	swait.ge [sflag:s9], $0xC80  }
0x1e5: {  	[sflag:s9] =	ssyncset.done $0x0  }
0x1e6: {  	[sflag:s9] =	ssyncadd.s32 $0xFFFFF380  }
0x1e7: {  	v46 =	vld [tilespmem:$0xBC80]  }
0x1e8: {  	v47 =	vld [tilespmem:$0xBC90]  }
0x1e9: {  	v48 =	vld [tilespmem:$0xC2C0]  }
0x1ea: {  	v49 =	vld [tilespmem:$0xC2D0];
	_ =	sdelay $0x1  }
0x1eb: {  	v0 =	vadd.f32 $0.0e+00, v46  }
0x1ec: {  	v1 =	vadd.f32 $0.0e+00, v47  }
0x1ed: {  	v50 =	vadd.f32 $0.0e+00, v48;
	[tilespmem:$0xF140] =	vst v0  }
0x1ee: {  	v51 =	vadd.f32 $0.0e+00, v49;
	[tilespmem:$0xF150] =	vst v1  }
0x1ef: {  	[tilespmem:$0xF160] =	vst v50  }
0x1f0: {  	[tilespmem:$0xF170] =	vst v51  }
0x1f1: {  	_ =	swait.ge [sflag:s11], $0xC80  }
0x1f2: {  	[sflag:s11] =	ssyncset.done $0x0  }
0x1f3: {  	[sflag:s11] =	ssyncadd.s32 $0xFFFFF380  }
0x1f4: {  	v52 =	vld [tilespmem:$0xC900]  }
0x1f5: {  	v53 =	vld [tilespmem:$0xC910]  }
0x1f6: {  	v54 =	vld [tilespmem:$0xCF40]  }
0x1f7: {  	v55 =	vld [tilespmem:$0xCF50];
	_ =	sdelay $0x1  }
0x1f8: {  	v0 =	vadd.f32 $0.0e+00, v52  }
0x1f9: {  	v1 =	vadd.f32 $0.0e+00, v53  }
0x1fa: {  	v56 =	vadd.f32 $0.0e+00, v54;
	[tilespmem:$0xF180] =	vst v0  }
0x1fb: {  	v57 =	vadd.f32 $0.0e+00, v55;
	[tilespmem:$0xF190] =	vst v1  }
0x1fc: {  	[tilespmem:$0xF1A0] =	vst v56  }
0x1fd: {  	[tilespmem:$0xF1B0] =	vst v57  }
0x1fe: {  	_ =	swait.ge [sflag:s13], $0xC80  }
0x1ff: {  	[sflag:s13] =	ssyncset.done $0x0  }
0x200: {  	[sflag:s13] =	ssyncadd.s32 $0xFFFFF380  }
0x201: {  	v58 =	vld [tilespmem:$0xD580]  }
0x202: {  	v59 =	vld [tilespmem:$0xD590]  }
0x203: {  	v60 =	vld [tilespmem:$0xDBC0]  }
0x204: {  	v61 =	vld [tilespmem:$0xDBD0];
	_ =	sdelay $0x1  }
0x205: {  	v0 =	vadd.f32 $0.0e+00, v58  }
0x206: {  	v1 =	vadd.f32 $0.0e+00, v59  }
0x207: {  	v62 =	vadd.f32 $0.0e+00, v60;
	[tilespmem:$0xF1C0] =	vst v0  }
0x208: {  	v63 =	vadd.f32 $0.0e+00, v61;
	[tilespmem:$0xF1D0] =	vst v1  }
0x209: {  	s15 =	simm.s32 $0x0;
	[tilespmem:$0xF1E0] =	vst v62  }
0x20a: {  	s1 =	simm.s32 $0xE200;
	s19 =	simm.s32 $0x11;
	s17 =	rddreg [dreg:$0x4];
	[tilespmem:$0xF1F0] =	vst v63  }
0x20b: {  	[hbm4b:s17+s15] =	stream.linear.scatter [tilespmem:s1], [sflag:$0x11], $0x1000, $0x38;
	[tilespmem:$0xF200] =	vst v63  }
0x20c: {  	_ =	swait.ge [sflag:s19], $0x1000  }
0x20d: {  	s23 =	rddreg [dreg:$0x6]  }
0x20e: {  	s25 =	rddreg [dreg:$0x5];
	s1 =	sadd.s32 $0x1, s23  }
0x20f: {  	p0 =	sne.s32 s1, s25  }
.Ltmp1:
0x210: {  	s21 =	simm.s32 $0x1A00;
	(pc) =	sbr.rel @p0 .LBB2_1-.Ltmp1, $4  }
0x211: {  	s28 =	simm.s32 $0x3F80;
	s10 =	simm.s32 $0x5880;
	s14 =	simm.s32 $0x6500  }
0x212: {  	s18 =	simm.s32 $0x7180;
	s22 =	simm.s32 $0x7E00;
	[sflag:s19] =	ssyncset.done $0x0  }
0x213: {  	s30 =	simm.s32 $0x8A80;
	[sflag:s19] =	ssyncadd.s32 $0xFFFFF000;
	s23 =	simm.s32 $0x2680  }
0x214: {  	[dreg:$0x6] =	wrdreg s1;
	s25 =	simm.s32 $0x3300;
	s1 =	simm.s32 $0x4C00  }
0x215: {  	_ =	sfence.sel $0x180000  }
0x216: {  	[bflag:$0x0] =	sbarrier.arrive $0xFFFF  }
0x217: {  	_ =	strace $0x90000047  }
0x218: {  	s0 =	stileid.u32;
	[bflag:$0x2] =	sbarrier.arrive $0xFFFF  }
0x219: {  	p0 =	sne.s32 s0, $0x0;
	s0 =	rddreg [dreg:$0x2]  }
0x21a: {  	s0 =	sadd.s32 @!p0 $0x100000, s0  }
0x21b: {  	[sflag:s0] =	ssyncadd.tile.s32 @!p0 $0x1;
	_ =	shalt  }
.Lfunc_end2:
_tile_overlayer_lowered:
.L_overlay_start_2:
0x21c: {  	(tag) =	ssettag $0x2  }
0x21d: {  	s0 =	rddreg [dreg:$0x0];
	s2 =	stileid.u32  }
0x21e: {  	s1 =	rddreg [dreg:$0x1];
	p0 =	sne.s32 s2, $0x0  }
0x21f: {  	s3 =	rddreg [dreg:$0x2];
	[bflag:$0x3] =	sbarrier.arrive $0xFFFF;
	s2 =	simm.s32 @!p0 $0x1C11  }
0x220: {  	[timem:s3], [sflag:s2] =	dma.local @!p0 [hbm:s0], s1  }
0x221: {  	s0 =	simm.s32 @!p0 $0x11  }
0x222: {  	_ =	swait.ge @!p0 [sflag:s0], s1  }
0x223: {  	s1 =	ssub.s32 @!p0 $0x0, s1;
	[sflag:s0] =	ssyncset.done @!p0 $0x0  }
0x224: {  	[sflag:s0] =	ssyncadd.s32 @!p0 s1  }
0x225: {  	[bflag:$0x3] =	sbarrier.arrive $0xFFFF  }
0x226: {  	_ =	shalt  }

</sc_bundles>
